<compile_context>
chip_gen: v7x
topology: tpu7x:2x2x1
jax: 0.10.2.dev20260603
libtpu: 0.0.44.dev20260713+nightly
codegen_flags: <defaults>
</compile_context>

<pallas_src>
import functools

import jax
import jax.numpy as jnp
from jax import lax
from jax.experimental import pallas as pl
from jax.experimental.pallas import tpu as pltpu
from jax.experimental.pallas import tpu_sc as plsc

F = 26
V = 1000
K = 32
B = 1024
P = F * (F - 1) // 2
NC, NS = 2, 16
NW = NC * NS
GROUPS = B // 16
RT = V * K // 128


def _sc_body(w2, xiT, w1, interT, emb1T,
             xi_v, a_buf, b_buf, out_v, w1row, sem):
    wid = lax.axis_index("c") * NS + lax.axis_index("s")

    pltpu.sync_copy(xiT, xi_v)

    @pl.when(wid < F)
    def _field():
        f = wid
        pltpu.sync_copy(w1.at[f], w1row)
        for g in range(GROUPS):
            iv = xi_v[f, pl.ds(g * 16, 16)]
            vals = plsc.load_gather(w1row, [iv])
            out_v[pl.ds(g * 16, 16)] = vals
        pltpu.sync_copy(out_v, emb1T.at[f])

    nrem = P % NW
    per = P // NW
    p_start = per * wid + jnp.minimum(wid, nrem)
    count = jnp.where(wid < nrem, per + 1, per)

    def _cond(st):
        rem, _i, rl = st
        return rem >= rl

    def _bdy(st):
        rem, i, rl = st
        return (rem - rl, i + 1, rl - 1)

    rem0, i0, _ = lax.while_loop(_cond, _bdy,
                                 (p_start, jnp.int32(0), jnp.int32(F - 1)))
    j0 = i0 + 1 + rem0

    def _next(i, j):
        jn = j + 1
        wrap = jn == F
        i2 = jnp.where(wrap, i + 1, i)
        j2 = jnp.where(wrap, i2 + 1, jn)
        return i2, j2

    iota16 = lax.iota(jnp.int32, 16)

    def pair_body(n, carry):
        i, j = carry
        ca = pltpu.make_async_copy(w2.at[i, j], a_buf, sem)
        cb = pltpu.make_async_copy(w2.at[j, i], b_buf, sem)
        ca.start()
        cb.start()
        ca.wait()
        cb.wait()

        @plsc.parallel_loop(0, GROUPS)
        def g_body(g):
            ivi = xi_v[i, pl.ds(g * 16, 16)]
            ivj = xi_v[j, pl.ds(g * 16, 16)]
            res = jnp.zeros((16,), jnp.float32)
            for u in range(16):
                ia = ivi[u]
                ib = ivj[u]
                a0 = a_buf[ia, pl.ds(0, 16)]
                a1 = a_buf[ia, pl.ds(16, 16)]
                b0 = b_buf[ib, pl.ds(0, 16)]
                b1 = b_buf[ib, pl.ds(16, 16)]
                r = jnp.sum(a0 * b0 + a1 * b1)
                res = jnp.where(iota16 == u, r, res)
            out_v[pl.ds(g * 16, 16)] = res

        pltpu.sync_copy(out_v, interT.at[p_start + n])
        return _next(i, j)

    lax.fori_loop(0, count, pair_body, (i0, j0))


@functools.lru_cache(maxsize=1)
def _get_sc_kernel():
    return functools.partial(
        pl.kernel,
        out_type=(jax.ShapeDtypeStruct((P, B), jnp.float32),
                  jax.ShapeDtypeStruct((F, B), jnp.float32)),
        mesh=plsc.VectorSubcoreMesh(core_axis_name="c", subcore_axis_name="s",
                                    num_cores=NC, num_subcores=NS),
        compiler_params=pltpu.CompilerParams(needs_layout_passes=False,
                                             use_tc_tiling_on_sc=False),
        scratch_types=[
            pltpu.VMEM((F, B), jnp.int32),
            pltpu.VMEM((V, K), jnp.float32),
            pltpu.VMEM((V, K), jnp.float32),
            pltpu.VMEM((B,), jnp.float32),
            pltpu.VMEM((1024,), jnp.float32),
            pltpu.SemaphoreType.DMA,
        ],
    )(_sc_body)


import numpy as _np

_IU, _JU = _np.triu_indices(F, k=1)
_OH_I = _np.eye(F, dtype=_np.float32)[_IU]
_OH_J = _np.eye(F, dtype=_np.float32)[_JU]


def _mlp_body(interT_ref, emb1T_ref, xv_ref, ohi_ref, ohj_ref,
              w1_ref, b1_ref, w2_ref, b2_ref,
              wf_ref, bf_ref, out_ref, label_ref):
    xvT = xv_ref[...].T
    si = jnp.dot(ohi_ref[...], xvT, preferred_element_type=jnp.float32)
    sj = jnp.dot(ohj_ref[...], xvT, preferred_element_type=jnp.float32)
    interT = interT_ref[...] * si * sj
    h1 = jnp.maximum(
        jnp.dot(w1_ref[...], interT, preferred_element_type=jnp.float32)
        + b1_ref[...], 0.0)
    h2 = jnp.maximum(
        jnp.dot(w2_ref[...], h1, preferred_element_type=jnp.float32)
        + b2_ref[...], 0.0)
    featT = jnp.concatenate([emb1T_ref[...] * xvT, h2], axis=0)
    outT = (jnp.dot(wf_ref[...], featT, preferred_element_type=jnp.float32)
            + bf_ref[...])
    out_ref[...] = outT.T
    best = outT[0:1, :]
    bi = jnp.zeros((1, B), jnp.int32)
    for c in range(1, 5):
        v = outT[c:c + 1, :]
        m = v > best
        best = jnp.where(m, v, best)
        bi = jnp.where(m, c, bi)
    label_ref[...] = jnp.reshape(bi, (B,))


_mlp_kernel = pl.pallas_call(
    _mlp_body,
    out_shape=(jax.ShapeDtypeStruct((B, 5), jnp.float32),
               jax.ShapeDtypeStruct((B,), jnp.int32)),
)


def kernel(Xi, Xv, W1, W2, lin1_W, lin1_b, lin2_W, lin2_b, lin_W, lin_b):
    xiT = Xi[:, :, 0].T
    w1p = jnp.pad(W1, ((0, 0), (0, 1024 - V)))
    interT, emb1T = _get_sc_kernel()(W2, xiT, w1p)
    out, label = _mlp_kernel(
        interT, emb1T, Xv, jnp.asarray(_OH_I), jnp.asarray(_OH_J),
        lin1_W, lin1_b.reshape(-1, 1),
        lin2_W, lin2_b.reshape(-1, 1), lin_W, lin_b.reshape(-1, 1))
    return (out, label)

# --- scband reference (transcript-rebuilt; emitter-appended) ---
"""Pipeline reference for scband-dnn-9792525435653 (READ-ONLY COPY).

The authoritative reference and input builder live on the scoring server;
editing this copy changes nothing except your own understanding.
"""

import jax, jax.numpy as jnp
import numpy as np

FIELD_SIZE = 26
VOCAB = 1000
K = 32
NUM_CLASS = 5
BATCH = 1024
DEEP = [300, 150]


def setup_inputs(seed: int = 0) -> dict:
    key = jax.random.key(seed)
    ks = jax.random.split(key, 10)
    Xi = jax.random.randint(ks[0], (BATCH, FIELD_SIZE, 1), 0, VOCAB, dtype=jnp.int64 if jax.config.jax_enable_x64 else jnp.int32).astype(jnp.int32)
    Xv = jax.random.uniform(ks[1], (BATCH, FIELD_SIZE), dtype=jnp.float32)
    # first-order embedding tables: one [VOCAB,1] table per field -> packed [F, VOCAB]
    W1 = jax.random.normal(ks[2], (FIELD_SIZE, VOCAB), dtype=jnp.float32) * 0.01
    # second-order FFM tables: field_size tables of [VOCAB,K] per field -> packed [F, F, VOCAB, K]
    W2 = jax.random.normal(ks[3], (FIELD_SIZE, FIELD_SIZE, VOCAB, K), dtype=jnp.float32) * 0.01
    n_pairs = FIELD_SIZE * (FIELD_SIZE - 1) // 2
    lin1_W = jax.random.normal(ks[4], (DEEP[0], n_pairs), dtype=jnp.float32) * 0.05
    lin1_b = jnp.zeros((DEEP[0],), jnp.float32)
    lin2_W = jax.random.normal(ks[5], (DEEP[1], DEEP[0]), dtype=jnp.float32) * 0.05
    lin2_b = jnp.zeros((DEEP[1],), jnp.float32)
    lin_W = jax.random.normal(ks[6], (NUM_CLASS, FIELD_SIZE + DEEP[1]), dtype=jnp.float32) * 0.05
    lin_b = jnp.zeros((NUM_CLASS,), jnp.float32)
    return {"Xi": Xi, "Xv": Xv, "W1": W1, "W2": W2,
            "lin1_W": lin1_W, "lin1_b": lin1_b,
            "lin2_W": lin2_W, "lin2_b": lin2_b,
            "lin_W": lin_W, "lin_b": lin_b}


def reference(Xi, Xv, W1, W2, lin1_W, lin1_b, lin2_W, lin2_b, lin_W, lin_b):
    F = Xi.shape[1]
    idx = Xi[:, :, 0]  # [B, F]; sum over the length-1 lookup dim is identity
    # first-order: emb(Xi[:,i,:]) summed -> scaled by Xv[:,i], summed over dim 1 -> [B, F]
    emb1 = W1[jnp.arange(F)[None, :], idx] * Xv  # [B, F]
    # second-order FFM gathers: emb_2[i][j] = W2[i, j][idx[:, i]] * Xv[:, i]
    ii = jnp.arange(F)[None, :, None]   # [1, F, 1]
    jj = jnp.arange(F)[None, None, :]   # [1, 1, F]
    ib = idx[:, :, None]                # [B, F, 1]
    g = W2[ii, jj, ib]                  # [B, F, F, K]
    g = g * Xv[:, :, None, None]
    # pairwise interactions for i < j, matching the original loop order
    iu, ju = jnp.triu_indices(F, k=1)
    inter = jnp.sum(g[:, iu, ju, :] * g[:, ju, iu, :], axis=-1)  # [B, F*(F-1)/2]
    h1 = jax.nn.relu(inter @ lin1_W.T + lin1_b)
    h2 = jax.nn.relu(h1 @ lin2_W.T + lin2_b)
    feat = jnp.concatenate([emb1, h2], axis=1)
    out = feat @ lin_W.T + lin_b
    label = jnp.argmax(out, axis=1)
    return (out, label)

if __name__ == "__main__":
    import jax
    _d = setup_inputs()
    print(jax.jit(kernel)(*tuple(_d.values())))

</pallas_src>

<mosaic_0001>
#map = affine_map<(d0, d1) -> (0, 0, 0, 0)>
#map1 = affine_map<(d0, d1) -> (0, 0)>
module attributes {stable_mosaic.version = 14 : i64} {
  func.func @_sc_body(%arg0: i32, %arg1: i32, %arg2: memref<26x26x1000x32xf32, #tpu.memory_space<hbm>>, %arg3: memref<26x1024xi32, #tpu.memory_space<hbm>>, %arg4: memref<26x1024xf32, #tpu.memory_space<hbm>>, %arg5: memref<325x1024xf32, #tpu.memory_space<hbm>>, %arg6: memref<26x1024xf32, #tpu.memory_space<hbm>>, %arg7: memref<26x1024xi32, #tpu.memory_space<vmem>>, %arg8: memref<1000x32xf32, #tpu.memory_space<vmem>>, %arg9: memref<1000x32xf32, #tpu.memory_space<vmem>>, %arg10: memref<1024xf32, #tpu.memory_space<vmem>>, %arg11: memref<1024xf32, #tpu.memory_space<vmem>>, %arg12: memref<!tpu.dma_semaphore, #tpu.memory_space<semaphore_mem>>) attributes {dimension_semantics = [#tpu.dimension_semantics<core_parallel>, #tpu.dimension_semantics<subcore_parallel>], iteration_bounds = array<i64: 2, 16>, scalar_prefetch = 0 : i64, scratch_operands = 6 : i64, tpu.core_type = #tpu.core_type<sc_vector_subcore>, window_params = [{transform_indices = #map}, {transform_indices = #map1}, {transform_indices = #map1}, {transform_indices = #map1}, {transform_indices = #map1}]} {
    %mul3A = arith.constant 16 : i32
    %mul3A_0 = arith.muli %arg0, %mul3A : i32
    %add3A = arith.addi %mul3A_0, %arg1 : i32
    "tpu.region"() ({
      %run_scoped3A = tpu.sem_alloc : memref<!tpu.dma_semaphore, #tpu.memory_space<semaphore_mem>>
      tpu.enqueue_dma source(%arg3 : memref<26x1024xi32, #tpu.memory_space<hbm>>) target(%arg7 : memref<26x1024xi32, #tpu.memory_space<vmem>>) target_semaphore(%run_scoped3A : memref<!tpu.dma_semaphore, #tpu.memory_space<semaphore_mem>>)
      tpu.wait_dma2 semaphore(%run_scoped3A : memref<!tpu.dma_semaphore, #tpu.memory_space<semaphore_mem>>) src(%arg3 : memref<26x1024xi32, #tpu.memory_space<hbm>>) dst(%arg7 : memref<26x1024xi32, #tpu.memory_space<vmem>>)
      tpu.yield
    }) : () -> ()
    %lt3A = arith.constant 26 : i32
    %lt3A_1 = arith.cmpi slt, %add3A, %lt3A : i32
    %convert_element_type3A = arith.extui %lt3A_1 : i1 to i32
    %cond3A = arith.constant 0 : i32
    %cond3A_2 = arith.cmpi ne, %convert_element_type3A, %cond3A : i32
    scf.if %cond3A_2 {
      "tpu.region"() ({
        %run_scoped3A = tpu.sem_alloc : memref<!tpu.dma_semaphore, #tpu.memory_space<semaphore_mem>>
        %dma_start3A = arith.constant 0 : i32
        %dma_start3A_407 = tpu.memref_slice %arg4[%add3A, %dma_start3A] : memref<26x1024xf32, #tpu.memory_space<hbm>> -> memref<1x1024xf32, #tpu.memory_space<hbm>>
        %dma_start3A_408 = tpu.memref_squeeze %dma_start3A_407 : memref<1x1024xf32, #tpu.memory_space<hbm>> -> memref<1024xf32, #tpu.memory_space<hbm>>
        %dma_start3A_409 = arith.constant 0 : i32
        %dma_start3A_410 = tpu.memref_slice %arg4[%add3A, %dma_start3A_409] : memref<26x1024xf32, #tpu.memory_space<hbm>> -> memref<1x1024xf32, #tpu.memory_space<hbm>>
        %dma_start3A_411 = tpu.memref_squeeze %dma_start3A_410 : memref<1x1024xf32, #tpu.memory_space<hbm>> -> memref<1024xf32, #tpu.memory_space<hbm>>
        tpu.enqueue_dma source(%dma_start3A_411 : memref<1024xf32, #tpu.memory_space<hbm>>) target(%arg11 : memref<1024xf32, #tpu.memory_space<vmem>>) target_semaphore(%run_scoped3A : memref<!tpu.dma_semaphore, #tpu.memory_space<semaphore_mem>>)
        %dma_wait3A = arith.constant 0 : i32
        %dma_wait3A_412 = tpu.memref_slice %arg4[%add3A, %dma_wait3A] : memref<26x1024xf32, #tpu.memory_space<hbm>> -> memref<1x1024xf32, #tpu.memory_space<hbm>>
        %dma_wait3A_413 = tpu.memref_squeeze %dma_wait3A_412 : memref<1x1024xf32, #tpu.memory_space<hbm>> -> memref<1024xf32, #tpu.memory_space<hbm>>
        %dma_wait3A_414 = arith.constant 0 : i32
        %dma_wait3A_415 = tpu.memref_slice %arg4[%add3A, %dma_wait3A_414] : memref<26x1024xf32, #tpu.memory_space<hbm>> -> memref<1x1024xf32, #tpu.memory_space<hbm>>
        %dma_wait3A_416 = tpu.memref_squeeze %dma_wait3A_415 : memref<1x1024xf32, #tpu.memory_space<hbm>> -> memref<1024xf32, #tpu.memory_space<hbm>>
        tpu.wait_dma2 semaphore(%run_scoped3A : memref<!tpu.dma_semaphore, #tpu.memory_space<semaphore_mem>>) src(%dma_wait3A_416 : memref<1024xf32, #tpu.memory_space<hbm>>) dst(%arg11 : memref<1024xf32, #tpu.memory_space<vmem>>)
        tpu.yield
      }) : () -> ()
      %get3A = arith.index_cast %add3A : i32 to index
      %get3A_26 = arith.constant 0 : index
      %get3A_27 = tpu.vector_load %arg7[%get3A, %get3A_26] {strides = array<i32>} : memref<26x1024xi32, #tpu.memory_space<vmem>>, vector<16xi32>,
      %gather3A = tpu.vector_load_idx %arg11[%get3A_27] : memref<1024xf32, #tpu.memory_space<vmem>>[vector<16xi32>], vector<16xf32>,
      %swap3A = arith.constant 0 : index
      %swap3A_28 = tpu.vector_load %arg10[%swap3A] {strides = array<i32>} : memref<1024xf32, #tpu.memory_space<vmem>>, vector<16xf32>,
      tpu.vector_store %arg10[%swap3A], %gather3A {strides = array<i32>} : memref<1024xf32, #tpu.memory_space<vmem>>, vector<16xf32>,
      %get3A_29 = arith.index_cast %add3A : i32 to index
      %get3A_30 = arith.constant 16 : index
      %get3A_31 = tpu.vector_load %arg7[%get3A_29, %get3A_30] {strides = array<i32>} : memref<26x1024xi32, #tpu.memory_space<vmem>>, vector<16xi32>,
      %gather3A_32 = tpu.vector_load_idx %arg11[%get3A_31] : memref<1024xf32, #tpu.memory_space<vmem>>[vector<16xi32>], vector<16xf32>,
      %swap3A_33 = arith.constant 16 : index
      %swap3A_34 = tpu.vector_load %arg10[%swap3A_33] {strides = array<i32>} : memref<1024xf32, #tpu.memory_space<vmem>>, vector<16xf32>,
      tpu.vector_store %arg10[%swap3A_33], %gather3A_32 {strides = array<i32>} : memref<1024xf32, #tpu.memory_space<vmem>>, vector<16xf32>,
      %get3A_35 = arith.index_cast %add3A : i32 to index
      %get3A_36 = arith.constant 32 : index
      %get3A_37 = tpu.vector_load %arg7[%get3A_35, %get3A_36] {strides = array<i32>} : memref<26x1024xi32, #tpu.memory_space<vmem>>, vector<16xi32>,
      %gather3A_38 = tpu.vector_load_idx %arg11[%get3A_37] : memref<1024xf32, #tpu.memory_space<vmem>>[vector<16xi32>], vector<16xf32>,
      %swap3A_39 = arith.constant 32 : index
      %swap3A_40 = tpu.vector_load %arg10[%swap3A_39] {strides = array<i32>} : memref<1024xf32, #tpu.memory_space<vmem>>, vector<16xf32>,
      tpu.vector_store %arg10[%swap3A_39], %gather3A_38 {strides = array<i32>} : memref<1024xf32, #tpu.memory_space<vmem>>, vector<16xf32>,
      %get3A_41 = arith.index_cast %add3A : i32 to index
      %get3A_42 = arith.constant 48 : index
      %get3A_43 = tpu.vector_load %arg7[%get3A_41, %get3A_42] {strides = array<i32>} : memref<26x1024xi32, #tpu.memory_space<vmem>>, vector<16xi32>,
      %gather3A_44 = tpu.vector_load_idx %arg11[%get3A_43] : memref<1024xf32, #tpu.memory_space<vmem>>[vector<16xi32>], vector<16xf32>,
      %swap3A_45 = arith.constant 48 : index
      %swap3A_46 = tpu.vector_load %arg10[%swap3A_45] {strides = array<i32>} : memref<1024xf32, #tpu.memory_space<vmem>>, vector<16xf32>,
      tpu.vector_store %arg10[%swap3A_45], %gather3A_44 {strides = array<i32>} : memref<1024xf32, #tpu.memory_space<vmem>>, vector<16xf32>,
      %get3A_47 = arith.index_cast %add3A : i32 to index
      %get3A_48 = arith.constant 64 : index
      %get3A_49 = tpu.vector_load %arg7[%get3A_47, %get3A_48] {strides = array<i32>} : memref<26x1024xi32, #tpu.memory_space<vmem>>, vector<16xi32>,
      %gather3A_50 = tpu.vector_load_idx %arg11[%get3A_49] : memref<1024xf32, #tpu.memory_space<vmem>>[vector<16xi32>], vector<16xf32>,
      %swap3A_51 = arith.constant 64 : index
      %swap3A_52 = tpu.vector_load %arg10[%swap3A_51] {strides = array<i32>} : memref<1024xf32, #tpu.memory_space<vmem>>, vector<16xf32>,
      tpu.vector_store %arg10[%swap3A_51], %gather3A_50 {strides = array<i32>} : memref<1024xf32, #tpu.memory_space<vmem>>, vector<16xf32>,
      %get3A_53 = arith.index_cast %add3A : i32 to index
      %get3A_54 = arith.constant 80 : index
      %get3A_55 = tpu.vector_load %arg7[%get3A_53, %get3A_54] {strides = array<i32>} : memref<26x1024xi32, #tpu.memory_space<vmem>>, vector<16xi32>,
      %gather3A_56 = tpu.vector_load_idx %arg11[%get3A_55] : memref<1024xf32, #tpu.memory_space<vmem>>[vector<16xi32>], vector<16xf32>,
      %swap3A_57 = arith.constant 80 : index
      %swap3A_58 = tpu.vector_load %arg10[%swap3A_57] {strides = array<i32>} : memref<1024xf32, #tpu.memory_space<vmem>>, vector<16xf32>,
      tpu.vector_store %arg10[%swap3A_57], %gather3A_56 {strides = array<i32>} : memref<1024xf32, #tpu.memory_space<vmem>>, vector<16xf32>,
      %get3A_59 = arith.index_cast %add3A : i32 to index
      %get3A_60 = arith.constant 96 : index
      %get3A_61 = tpu.vector_load %arg7[%get3A_59, %get3A_60] {strides = array<i32>} : memref<26x1024xi32, #tpu.memory_space<vmem>>, vector<16xi32>,
      %gather3A_62 = tpu.vector_load_idx %arg11[%get3A_61] : memref<1024xf32, #tpu.memory_space<vmem>>[vector<16xi32>], vector<16xf32>,
      %swap3A_63 = arith.constant 96 : index
      %swap3A_64 = tpu.vector_load %arg10[%swap3A_63] {strides = array<i32>} : memref<1024xf32, #tpu.memory_space<vmem>>, vector<16xf32>,
      tpu.vector_store %arg10[%swap3A_63], %gather3A_62 {strides = array<i32>} : memref<1024xf32, #tpu.memory_space<vmem>>, vector<16xf32>,
      %get3A_65 = arith.index_cast %add3A : i32 to index
      %get3A_66 = arith.constant 112 : index
      %get3A_67 = tpu.vector_load %arg7[%get3A_65, %get3A_66] {strides = array<i32>} : memref<26x1024xi32, #tpu.memory_space<vmem>>, vector<16xi32>,
      %gather3A_68 = tpu.vector_load_idx %arg11[%get3A_67] : memref<1024xf32, #tpu.memory_space<vmem>>[vector<16xi32>], vector<16xf32>,
      %swap3A_69 = arith.constant 112 : index
      %swap3A_70 = tpu.vector_load %arg10[%swap3A_69] {strides = array<i32>} : memref<1024xf32, #tpu.memory_space<vmem>>, vector<16xf32>,
      tpu.vector_store %arg10[%swap3A_69], %gather3A_68 {strides = array<i32>} : memref<1024xf32, #tpu.memory_space<vmem>>, vector<16xf32>,
      %get3A_71 = arith.index_cast %add3A : i32 to index
      %get3A_72 = arith.constant 128 : index
      %get3A_73 = tpu.vector_load %arg7[%get3A_71, %get3A_72] {strides = array<i32>} : memref<26x1024xi32, #tpu.memory_space<vmem>>, vector<16xi32>,
      %gather3A_74 = tpu.vector_load_idx %arg11[%get3A_73] : memref<1024xf32, #tpu.memory_space<vmem>>[vector<16xi32>], vector<16xf32>,
      %swap3A_75 = arith.constant 128 : index
      %swap3A_76 = tpu.vector_load %arg10[%swap3A_75] {strides = array<i32>} : memref<1024xf32, #tpu.memory_space<vmem>>, vector<16xf32>,
      tpu.vector_store %arg10[%swap3A_75], %gather3A_74 {strides = array<i32>} : memref<1024xf32, #tpu.memory_space<vmem>>, vector<16xf32>,
      %get3A_77 = arith.index_cast %add3A : i32 to index
      %get3A_78 = arith.constant 144 : index
      %get3A_79 = tpu.vector_load %arg7[%get3A_77, %get3A_78] {strides = array<i32>} : memref<26x1024xi32, #tpu.memory_space<vmem>>, vector<16xi32>,
      %gather3A_80 = tpu.vector_load_idx %arg11[%get3A_79] : memref<1024xf32, #tpu.memory_space<vmem>>[vector<16xi32>], vector<16xf32>,
      %swap3A_81 = arith.constant 144 : index
      %swap3A_82 = tpu.vector_load %arg10[%swap3A_81] {strides = array<i32>} : memref<1024xf32, #tpu.memory_space<vmem>>, vector<16xf32>,
      tpu.vector_store %arg10[%swap3A_81], %gather3A_80 {strides = array<i32>} : memref<1024xf32, #tpu.memory_space<vmem>>, vector<16xf32>,
      %get3A_83 = arith.index_cast %add3A : i32 to index
      %get3A_84 = arith.constant 160 : index
      %get3A_85 = tpu.vector_load %arg7[%get3A_83, %get3A_84] {strides = array<i32>} : memref<26x1024xi32, #tpu.memory_space<vmem>>, vector<16xi32>,
      %gather3A_86 = tpu.vector_load_idx %arg11[%get3A_85] : memref<1024xf32, #tpu.memory_space<vmem>>[vector<16xi32>], vector<16xf32>,
      %swap3A_87 = arith.constant 160 : index
      %swap3A_88 = tpu.vector_load %arg10[%swap3A_87] {strides = array<i32>} : memref<1024xf32, #tpu.memory_space<vmem>>, vector<16xf32>,
      tpu.vector_store %arg10[%swap3A_87], %gather3A_86 {strides = array<i32>} : memref<1024xf32, #tpu.memory_space<vmem>>, vector<16xf32>,
      %get3A_89 = arith.index_cast %add3A : i32 to index
      %get3A_90 = arith.constant 176 : index
      %get3A_91 = tpu.vector_load %arg7[%get3A_89, %get3A_90] {strides = array<i32>} : memref<26x1024xi32, #tpu.memory_space<vmem>>, vector<16xi32>,
      %gather3A_92 = tpu.vector_load_idx %arg11[%get3A_91] : memref<1024xf32, #tpu.memory_space<vmem>>[vector<16xi32>], vector<16xf32>,
      %swap3A_93 = arith.constant 176 : index
      %swap3A_94 = tpu.vector_load %arg10[%swap3A_93] {strides = array<i32>} : memref<1024xf32, #tpu.memory_space<vmem>>, vector<16xf32>,
      tpu.vector_store %arg10[%swap3A_93], %gather3A_92 {strides = array<i32>} : memref<1024xf32, #tpu.memory_space<vmem>>, vector<16xf32>,
      %get3A_95 = arith.index_cast %add3A : i32 to index
      %get3A_96 = arith.constant 192 : index
      %get3A_97 = tpu.vector_load %arg7[%get3A_95, %get3A_96] {strides = array<i32>} : memref<26x1024xi32, #tpu.memory_space<vmem>>, vector<16xi32>,
      %gather3A_98 = tpu.vector_load_idx %arg11[%get3A_97] : memref<1024xf32, #tpu.memory_space<vmem>>[vector<16xi32>], vector<16xf32>,
      %swap3A_99 = arith.constant 192 : index
      %swap3A_100 = tpu.vector_load %arg10[%swap3A_99] {strides = array<i32>} : memref<1024xf32, #tpu.memory_space<vmem>>, vector<16xf32>,
      tpu.vector_store %arg10[%swap3A_99], %gather3A_98 {strides = array<i32>} : memref<1024xf32, #tpu.memory_space<vmem>>, vector<16xf32>,
      %get3A_101 = arith.index_cast %add3A : i32 to index
      %get3A_102 = arith.constant 208 : index
      %get3A_103 = tpu.vector_load %arg7[%get3A_101, %get3A_102] {strides = array<i32>} : memref<26x1024xi32, #tpu.memory_space<vmem>>, vector<16xi32>,
      %gather3A_104 = tpu.vector_load_idx %arg11[%get3A_103] : memref<1024xf32, #tpu.memory_space<vmem>>[vector<16xi32>], vector<16xf32>,
      %swap3A_105 = arith.constant 208 : index
      %swap3A_106 = tpu.vector_load %arg10[%swap3A_105] {strides = array<i32>} : memref<1024xf32, #tpu.memory_space<vmem>>, vector<16xf32>,
      tpu.vector_store %arg10[%swap3A_105], %gather3A_104 {strides = array<i32>} : memref<1024xf32, #tpu.memory_space<vmem>>, vector<16xf32>,
      %get3A_107 = arith.index_cast %add3A : i32 to index
      %get3A_108 = arith.constant 224 : index
      %get3A_109 = tpu.vector_load %arg7[%get3A_107, %get3A_108] {strides = array<i32>} : memref<26x1024xi32, #tpu.memory_space<vmem>>, vector<16xi32>,
      %gather3A_110 = tpu.vector_load_idx %arg11[%get3A_109] : memref<1024xf32, #tpu.memory_space<vmem>>[vector<16xi32>], vector<16xf32>,
      %swap3A_111 = arith.constant 224 : index
      %swap3A_112 = tpu.vector_load %arg10[%swap3A_111] {strides = array<i32>} : memref<1024xf32, #tpu.memory_space<vmem>>, vector<16xf32>,
      tpu.vector_store %arg10[%swap3A_111], %gather3A_110 {strides = array<i32>} : memref<1024xf32, #tpu.memory_space<vmem>>, vector<16xf32>,
      %get3A_113 = arith.index_cast %add3A : i32 to index
      %get3A_114 = arith.constant 240 : index
      %get3A_115 = tpu.vector_load %arg7[%get3A_113, %get3A_114] {strides = array<i32>} : memref<26x1024xi32, #tpu.memory_space<vmem>>, vector<16xi32>,
      %gather3A_116 = tpu.vector_load_idx %arg11[%get3A_115] : memref<1024xf32, #tpu.memory_space<vmem>>[vector<16xi32>], vector<16xf32>,
      %swap3A_117 = arith.constant 240 : index
      %swap3A_118 = tpu.vector_load %arg10[%swap3A_117] {strides = array<i32>} : memref<1024xf32, #tpu.memory_space<vmem>>, vector<16xf32>,
      tpu.vector_store %arg10[%swap3A_117], %gather3A_116 {strides = array<i32>} : memref<1024xf32, #tpu.memory_space<vmem>>, vector<16xf32>,
      %get3A_119 = arith.index_cast %add3A : i32 to index
      %get3A_120 = arith.constant 256 : index
      %get3A_121 = tpu.vector_load %arg7[%get3A_119, %get3A_120] {strides = array<i32>} : memref<26x1024xi32, #tpu.memory_space<vmem>>, vector<16xi32>,
      %gather3A_122 = tpu.vector_load_idx %arg11[%get3A_121] : memref<1024xf32, #tpu.memory_space<vmem>>[vector<16xi32>], vector<16xf32>,
      %swap3A_123 = arith.constant 256 : index
      %swap3A_124 = tpu.vector_load %arg10[%swap3A_123] {strides = array<i32>} : memref<1024xf32, #tpu.memory_space<vmem>>, vector<16xf32>,
      tpu.vector_store %arg10[%swap3A_123], %gather3A_122 {strides = array<i32>} : memref<1024xf32, #tpu.memory_space<vmem>>, vector<16xf32>,
      %get3A_125 = arith.index_cast %add3A : i32 to index
      %get3A_126 = arith.constant 272 : index
      %get3A_127 = tpu.vector_load %arg7[%get3A_125, %get3A_126] {strides = array<i32>} : memref<26x1024xi32, #tpu.memory_space<vmem>>, vector<16xi32>,
      %gather3A_128 = tpu.vector_load_idx %arg11[%get3A_127] : memref<1024xf32, #tpu.memory_space<vmem>>[vector<16xi32>], vector<16xf32>,
      %swap3A_129 = arith.constant 272 : index
      %swap3A_130 = tpu.vector_load %arg10[%swap3A_129] {strides = array<i32>} : memref<1024xf32, #tpu.memory_space<vmem>>, vector<16xf32>,
      tpu.vector_store %arg10[%swap3A_129], %gather3A_128 {strides = array<i32>} : memref<1024xf32, #tpu.memory_space<vmem>>, vector<16xf32>,
      %get3A_131 = arith.index_cast %add3A : i32 to index
      %get3A_132 = arith.constant 288 : index
      %get3A_133 = tpu.vector_load %arg7[%get3A_131, %get3A_132] {strides = array<i32>} : memref<26x1024xi32, #tpu.memory_space<vmem>>, vector<16xi32>,
      %gather3A_134 = tpu.vector_load_idx %arg11[%get3A_133] : memref<1024xf32, #tpu.memory_space<vmem>>[vector<16xi32>], vector<16xf32>,
      %swap3A_135 = arith.constant 288 : index
      %swap3A_136 = tpu.vector_load %arg10[%swap3A_135] {strides = array<i32>} : memref<1024xf32, #tpu.memory_space<vmem>>, vector<16xf32>,
      tpu.vector_store %arg10[%swap3A_135], %gather3A_134 {strides = array<i32>} : memref<1024xf32, #tpu.memory_space<vmem>>, vector<16xf32>,
      %get3A_137 = arith.index_cast %add3A : i32 to index
      %get3A_138 = arith.constant 304 : index
      %get3A_139 = tpu.vector_load %arg7[%get3A_137, %get3A_138] {strides = array<i32>} : memref<26x1024xi32, #tpu.memory_space<vmem>>, vector<16xi32>,
      %gather3A_140 = tpu.vector_load_idx %arg11[%get3A_139] : memref<1024xf32, #tpu.memory_space<vmem>>[vector<16xi32>], vector<16xf32>,
      %swap3A_141 = arith.constant 304 : index
      %swap3A_142 = tpu.vector_load %arg10[%swap3A_141] {strides = array<i32>} : memref<1024xf32, #tpu.memory_space<vmem>>, vector<16xf32>,
      tpu.vector_store %arg10[%swap3A_141], %gather3A_140 {strides = array<i32>} : memref<1024xf32, #tpu.memory_space<vmem>>, vector<16xf32>,
      %get3A_143 = arith.index_cast %add3A : i32 to index
      %get3A_144 = arith.constant 320 : index
      %get3A_145 = tpu.vector_load %arg7[%get3A_143, %get3A_144] {strides = array<i32>} : memref<26x1024xi32, #tpu.memory_space<vmem>>, vector<16xi32>,
      %gather3A_146 = tpu.vector_load_idx %arg11[%get3A_145] : memref<1024xf32, #tpu.memory_space<vmem>>[vector<16xi32>], vector<16xf32>,
      %swap3A_147 = arith.constant 320 : index
      %swap3A_148 = tpu.vector_load %arg10[%swap3A_147] {strides = array<i32>} : memref<1024xf32, #tpu.memory_space<vmem>>, vector<16xf32>,
      tpu.vector_store %arg10[%swap3A_147], %gather3A_146 {strides = array<i32>} : memref<1024xf32, #tpu.memory_space<vmem>>, vector<16xf32>,
      %get3A_149 = arith.index_cast %add3A : i32 to index
      %get3A_150 = arith.constant 336 : index
      %get3A_151 = tpu.vector_load %arg7[%get3A_149, %get3A_150] {strides = array<i32>} : memref<26x1024xi32, #tpu.memory_space<vmem>>, vector<16xi32>,
      %gather3A_152 = tpu.vector_load_idx %arg11[%get3A_151] : memref<1024xf32, #tpu.memory_space<vmem>>[vector<16xi32>], vector<16xf32>,
      %swap3A_153 = arith.constant 336 : index
      %swap3A_154 = tpu.vector_load %arg10[%swap3A_153] {strides = array<i32>} : memref<1024xf32, #tpu.memory_space<vmem>>, vector<16xf32>,
      tpu.vector_store %arg10[%swap3A_153], %gather3A_152 {strides = array<i32>} : memref<1024xf32, #tpu.memory_space<vmem>>, vector<16xf32>,
      %get3A_155 = arith.index_cast %add3A : i32 to index
      %get3A_156 = arith.constant 352 : index
      %get3A_157 = tpu.vector_load %arg7[%get3A_155, %get3A_156] {strides = array<i32>} : memref<26x1024xi32, #tpu.memory_space<vmem>>, vector<16xi32>,
      %gather3A_158 = tpu.vector_load_idx %arg11[%get3A_157] : memref<1024xf32, #tpu.memory_space<vmem>>[vector<16xi32>], vector<16xf32>,
      %swap3A_159 = arith.constant 352 : index
      %swap3A_160 = tpu.vector_load %arg10[%swap3A_159] {strides = array<i32>} : memref<1024xf32, #tpu.memory_space<vmem>>, vector<16xf32>,
      tpu.vector_store %arg10[%swap3A_159], %gather3A_158 {strides = array<i32>} : memref<1024xf32, #tpu.memory_space<vmem>>, vector<16xf32>,
      %get3A_161 = arith.index_cast %add3A : i32 to index
      %get3A_162 = arith.constant 368 : index
      %get3A_163 = tpu.vector_load %arg7[%get3A_161, %get3A_162] {strides = array<i32>} : memref<26x1024xi32, #tpu.memory_space<vmem>>, vector<16xi32>,
      %gather3A_164 = tpu.vector_load_idx %arg11[%get3A_163] : memref<1024xf32, #tpu.memory_space<vmem>>[vector<16xi32>], vector<16xf32>,
      %swap3A_165 = arith.constant 368 : index
      %swap3A_166 = tpu.vector_load %arg10[%swap3A_165] {strides = array<i32>} : memref<1024xf32, #tpu.memory_space<vmem>>, vector<16xf32>,
      tpu.vector_store %arg10[%swap3A_165], %gather3A_164 {strides = array<i32>} : memref<1024xf32, #tpu.memory_space<vmem>>, vector<16xf32>,
      %get3A_167 = arith.index_cast %add3A : i32 to index
      %get3A_168 = arith.constant 384 : index
      %get3A_169 = tpu.vector_load %arg7[%get3A_167, %get3A_168] {strides = array<i32>} : memref<26x1024xi32, #tpu.memory_space<vmem>>, vector<16xi32>,
      %gather3A_170 = tpu.vector_load_idx %arg11[%get3A_169] : memref<1024xf32, #tpu.memory_space<vmem>>[vector<16xi32>], vector<16xf32>,
      %swap3A_171 = arith.constant 384 : index
      %swap3A_172 = tpu.vector_load %arg10[%swap3A_171] {strides = array<i32>} : memref<1024xf32, #tpu.memory_space<vmem>>, vector<16xf32>,
      tpu.vector_store %arg10[%swap3A_171], %gather3A_170 {strides = array<i32>} : memref<1024xf32, #tpu.memory_space<vmem>>, vector<16xf32>,
      %get3A_173 = arith.index_cast %add3A : i32 to index
      %get3A_174 = arith.constant 400 : index
      %get3A_175 = tpu.vector_load %arg7[%get3A_173, %get3A_174] {strides = array<i32>} : memref<26x1024xi32, #tpu.memory_space<vmem>>, vector<16xi32>,
      %gather3A_176 = tpu.vector_load_idx %arg11[%get3A_175] : memref<1024xf32, #tpu.memory_space<vmem>>[vector<16xi32>], vector<16xf32>,
      %swap3A_177 = arith.constant 400 : index
      %swap3A_178 = tpu.vector_load %arg10[%swap3A_177] {strides = array<i32>} : memref<1024xf32, #tpu.memory_space<vmem>>, vector<16xf32>,
      tpu.vector_store %arg10[%swap3A_177], %gather3A_176 {strides = array<i32>} : memref<1024xf32, #tpu.memory_space<vmem>>, vector<16xf32>,
      %get3A_179 = arith.index_cast %add3A : i32 to index
      %get3A_180 = arith.constant 416 : index
      %get3A_181 = tpu.vector_load %arg7[%get3A_179, %get3A_180] {strides = array<i32>} : memref<26x1024xi32, #tpu.memory_space<vmem>>, vector<16xi32>,
      %gather3A_182 = tpu.vector_load_idx %arg11[%get3A_181] : memref<1024xf32, #tpu.memory_space<vmem>>[vector<16xi32>], vector<16xf32>,
      %swap3A_183 = arith.constant 416 : index
      %swap3A_184 = tpu.vector_load %arg10[%swap3A_183] {strides = array<i32>} : memref<1024xf32, #tpu.memory_space<vmem>>, vector<16xf32>,
      tpu.vector_store %arg10[%swap3A_183], %gather3A_182 {strides = array<i32>} : memref<1024xf32, #tpu.memory_space<vmem>>, vector<16xf32>,
      %get3A_185 = arith.index_cast %add3A : i32 to index
      %get3A_186 = arith.constant 432 : index
      %get3A_187 = tpu.vector_load %arg7[%get3A_185, %get3A_186] {strides = array<i32>} : memref<26x1024xi32, #tpu.memory_space<vmem>>, vector<16xi32>,
      %gather3A_188 = tpu.vector_load_idx %arg11[%get3A_187] : memref<1024xf32, #tpu.memory_space<vmem>>[vector<16xi32>], vector<16xf32>,
      %swap3A_189 = arith.constant 432 : index
      %swap3A_190 = tpu.vector_load %arg10[%swap3A_189] {strides = array<i32>} : memref<1024xf32, #tpu.memory_space<vmem>>, vector<16xf32>,
      tpu.vector_store %arg10[%swap3A_189], %gather3A_188 {strides = array<i32>} : memref<1024xf32, #tpu.memory_space<vmem>>, vector<16xf32>,
      %get3A_191 = arith.index_cast %add3A : i32 to index
      %get3A_192 = arith.constant 448 : index
      %get3A_193 = tpu.vector_load %arg7[%get3A_191, %get3A_192] {strides = array<i32>} : memref<26x1024xi32, #tpu.memory_space<vmem>>, vector<16xi32>,
      %gather3A_194 = tpu.vector_load_idx %arg11[%get3A_193] : memref<1024xf32, #tpu.memory_space<vmem>>[vector<16xi32>], vector<16xf32>,
      %swap3A_195 = arith.constant 448 : index
      %swap3A_196 = tpu.vector_load %arg10[%swap3A_195] {strides = array<i32>} : memref<1024xf32, #tpu.memory_space<vmem>>, vector<16xf32>,
      tpu.vector_store %arg10[%swap3A_195], %gather3A_194 {strides = array<i32>} : memref<1024xf32, #tpu.memory_space<vmem>>, vector<16xf32>,
      %get3A_197 = arith.index_cast %add3A : i32 to index
      %get3A_198 = arith.constant 464 : index
      %get3A_199 = tpu.vector_load %arg7[%get3A_197, %get3A_198] {strides = array<i32>} : memref<26x1024xi32, #tpu.memory_space<vmem>>, vector<16xi32>,
      %gather3A_200 = tpu.vector_load_idx %arg11[%get3A_199] : memref<1024xf32, #tpu.memory_space<vmem>>[vector<16xi32>], vector<16xf32>,
      %swap3A_201 = arith.constant 464 : index
      %swap3A_202 = tpu.vector_load %arg10[%swap3A_201] {strides = array<i32>} : memref<1024xf32, #tpu.memory_space<vmem>>, vector<16xf32>,
      tpu.vector_store %arg10[%swap3A_201], %gather3A_200 {strides = array<i32>} : memref<1024xf32, #tpu.memory_space<vmem>>, vector<16xf32>,
      %get3A_203 = arith.index_cast %add3A : i32 to index
      %get3A_204 = arith.constant 480 : index
      %get3A_205 = tpu.vector_load %arg7[%get3A_203, %get3A_204] {strides = array<i32>} : memref<26x1024xi32, #tpu.memory_space<vmem>>, vector<16xi32>,
      %gather3A_206 = tpu.vector_load_idx %arg11[%get3A_205] : memref<1024xf32, #tpu.memory_space<vmem>>[vector<16xi32>], vector<16xf32>,
      %swap3A_207 = arith.constant 480 : index
      %swap3A_208 = tpu.vector_load %arg10[%swap3A_207] {strides = array<i32>} : memref<1024xf32, #tpu.memory_space<vmem>>, vector<16xf32>,
      tpu.vector_store %arg10[%swap3A_207], %gather3A_206 {strides = array<i32>} : memref<1024xf32, #tpu.memory_space<vmem>>, vector<16xf32>,
      %get3A_209 = arith.index_cast %add3A : i32 to index
      %get3A_210 = arith.constant 496 : index
      %get3A_211 = tpu.vector_load %arg7[%get3A_209, %get3A_210] {strides = array<i32>} : memref<26x1024xi32, #tpu.memory_space<vmem>>, vector<16xi32>,
      %gather3A_212 = tpu.vector_load_idx %arg11[%get3A_211] : memref<1024xf32, #tpu.memory_space<vmem>>[vector<16xi32>], vector<16xf32>,
      %swap3A_213 = arith.constant 496 : index
      %swap3A_214 = tpu.vector_load %arg10[%swap3A_213] {strides = array<i32>} : memref<1024xf32, #tpu.memory_space<vmem>>, vector<16xf32>,
      tpu.vector_store %arg10[%swap3A_213], %gather3A_212 {strides = array<i32>} : memref<1024xf32, #tpu.memory_space<vmem>>, vector<16xf32>,
      %get3A_215 = arith.index_cast %add3A : i32 to index
      %get3A_216 = arith.constant 512 : index
      %get3A_217 = tpu.vector_load %arg7[%get3A_215, %get3A_216] {strides = array<i32>} : memref<26x1024xi32, #tpu.memory_space<vmem>>, vector<16xi32>,
      %gather3A_218 = tpu.vector_load_idx %arg11[%get3A_217] : memref<1024xf32, #tpu.memory_space<vmem>>[vector<16xi32>], vector<16xf32>,
      %swap3A_219 = arith.constant 512 : index
      %swap3A_220 = tpu.vector_load %arg10[%swap3A_219] {strides = array<i32>} : memref<1024xf32, #tpu.memory_space<vmem>>, vector<16xf32>,
      tpu.vector_store %arg10[%swap3A_219], %gather3A_218 {strides = array<i32>} : memref<1024xf32, #tpu.memory_space<vmem>>, vector<16xf32>,
      %get3A_221 = arith.index_cast %add3A : i32 to index
      %get3A_222 = arith.constant 528 : index
      %get3A_223 = tpu.vector_load %arg7[%get3A_221, %get3A_222] {strides = array<i32>} : memref<26x1024xi32, #tpu.memory_space<vmem>>, vector<16xi32>,
      %gather3A_224 = tpu.vector_load_idx %arg11[%get3A_223] : memref<1024xf32, #tpu.memory_space<vmem>>[vector<16xi32>], vector<16xf32>,
      %swap3A_225 = arith.constant 528 : index
      %swap3A_226 = tpu.vector_load %arg10[%swap3A_225] {strides = array<i32>} : memref<1024xf32, #tpu.memory_space<vmem>>, vector<16xf32>,
      tpu.vector_store %arg10[%swap3A_225], %gather3A_224 {strides = array<i32>} : memref<1024xf32, #tpu.memory_space<vmem>>, vector<16xf32>,
      %get3A_227 = arith.index_cast %add3A : i32 to index
      %get3A_228 = arith.constant 544 : index
      %get3A_229 = tpu.vector_load %arg7[%get3A_227, %get3A_228] {strides = array<i32>} : memref<26x1024xi32, #tpu.memory_space<vmem>>, vector<16xi32>,
      %gather3A_230 = tpu.vector_load_idx %arg11[%get3A_229] : memref<1024xf32, #tpu.memory_space<vmem>>[vector<16xi32>], vector<16xf32>,
      %swap3A_231 = arith.constant 544 : index
      %swap3A_232 = tpu.vector_load %arg10[%swap3A_231] {strides = array<i32>} : memref<1024xf32, #tpu.memory_space<vmem>>, vector<16xf32>,
      tpu.vector_store %arg10[%swap3A_231], %gather3A_230 {strides = array<i32>} : memref<1024xf32, #tpu.memory_space<vmem>>, vector<16xf32>,
      %get3A_233 = arith.index_cast %add3A : i32 to index
      %get3A_234 = arith.constant 560 : index
      %get3A_235 = tpu.vector_load %arg7[%get3A_233, %get3A_234] {strides = array<i32>} : memref<26x1024xi32, #tpu.memory_space<vmem>>, vector<16xi32>,
      %gather3A_236 = tpu.vector_load_idx %arg11[%get3A_235] : memref<1024xf32, #tpu.memory_space<vmem>>[vector<16xi32>], vector<16xf32>,
      %swap3A_237 = arith.constant 560 : index
      %swap3A_238 = tpu.vector_load %arg10[%swap3A_237] {strides = array<i32>} : memref<1024xf32, #tpu.memory_space<vmem>>, vector<16xf32>,
      tpu.vector_store %arg10[%swap3A_237], %gather3A_236 {strides = array<i32>} : memref<1024xf32, #tpu.memory_space<vmem>>, vector<16xf32>,
      %get3A_239 = arith.index_cast %add3A : i32 to index
      %get3A_240 = arith.constant 576 : index
      %get3A_241 = tpu.vector_load %arg7[%get3A_239, %get3A_240] {strides = array<i32>} : memref<26x1024xi32, #tpu.memory_space<vmem>>, vector<16xi32>,
      %gather3A_242 = tpu.vector_load_idx %arg11[%get3A_241] : memref<1024xf32, #tpu.memory_space<vmem>>[vector<16xi32>], vector<16xf32>,
      %swap3A_243 = arith.constant 576 : index
      %swap3A_244 = tpu.vector_load %arg10[%swap3A_243] {strides = array<i32>} : memref<1024xf32, #tpu.memory_space<vmem>>, vector<16xf32>,
      tpu.vector_store %arg10[%swap3A_243], %gather3A_242 {strides = array<i32>} : memref<1024xf32, #tpu.memory_space<vmem>>, vector<16xf32>,
      %get3A_245 = arith.index_cast %add3A : i32 to index
      %get3A_246 = arith.constant 592 : index
      %get3A_247 = tpu.vector_load %arg7[%get3A_245, %get3A_246] {strides = array<i32>} : memref<26x1024xi32, #tpu.memory_space<vmem>>, vector<16xi32>,
      %gather3A_248 = tpu.vector_load_idx %arg11[%get3A_247] : memref<1024xf32, #tpu.memory_space<vmem>>[vector<16xi32>], vector<16xf32>,
      %swap3A_249 = arith.constant 592 : index
      %swap3A_250 = tpu.vector_load %arg10[%swap3A_249] {strides = array<i32>} : memref<1024xf32, #tpu.memory_space<vmem>>, vector<16xf32>,
      tpu.vector_store %arg10[%swap3A_249], %gather3A_248 {strides = array<i32>} : memref<1024xf32, #tpu.memory_space<vmem>>, vector<16xf32>,
      %get3A_251 = arith.index_cast %add3A : i32 to index
      %get3A_252 = arith.constant 608 : index
      %get3A_253 = tpu.vector_load %arg7[%get3A_251, %get3A_252] {strides = array<i32>} : memref<26x1024xi32, #tpu.memory_space<vmem>>, vector<16xi32>,
      %gather3A_254 = tpu.vector_load_idx %arg11[%get3A_253] : memref<1024xf32, #tpu.memory_space<vmem>>[vector<16xi32>], vector<16xf32>,
      %swap3A_255 = arith.constant 608 : index
      %swap3A_256 = tpu.vector_load %arg10[%swap3A_255] {strides = array<i32>} : memref<1024xf32, #tpu.memory_space<vmem>>, vector<16xf32>,
      tpu.vector_store %arg10[%swap3A_255], %gather3A_254 {strides = array<i32>} : memref<1024xf32, #tpu.memory_space<vmem>>, vector<16xf32>,
      %get3A_257 = arith.index_cast %add3A : i32 to index
      %get3A_258 = arith.constant 624 : index
      %get3A_259 = tpu.vector_load %arg7[%get3A_257, %get3A_258] {strides = array<i32>} : memref<26x1024xi32, #tpu.memory_space<vmem>>, vector<16xi32>,
      %gather3A_260 = tpu.vector_load_idx %arg11[%get3A_259] : memref<1024xf32, #tpu.memory_space<vmem>>[vector<16xi32>], vector<16xf32>,
      %swap3A_261 = arith.constant 624 : index
      %swap3A_262 = tpu.vector_load %arg10[%swap3A_261] {strides = array<i32>} : memref<1024xf32, #tpu.memory_space<vmem>>, vector<16xf32>,
      tpu.vector_store %arg10[%swap3A_261], %gather3A_260 {strides = array<i32>} : memref<1024xf32, #tpu.memory_space<vmem>>, vector<16xf32>,
      %get3A_263 = arith.index_cast %add3A : i32 to index
      %get3A_264 = arith.constant 640 : index
      %get3A_265 = tpu.vector_load %arg7[%get3A_263, %get3A_264] {strides = array<i32>} : memref<26x1024xi32, #tpu.memory_space<vmem>>, vector<16xi32>,
      %gather3A_266 = tpu.vector_load_idx %arg11[%get3A_265] : memref<1024xf32, #tpu.memory_space<vmem>>[vector<16xi32>], vector<16xf32>,
      %swap3A_267 = arith.constant 640 : index
      %swap3A_268 = tpu.vector_load %arg10[%swap3A_267] {strides = array<i32>} : memref<1024xf32, #tpu.memory_space<vmem>>, vector<16xf32>,
      tpu.vector_store %arg10[%swap3A_267], %gather3A_266 {strides = array<i32>} : memref<1024xf32, #tpu.memory_space<vmem>>, vector<16xf32>,
      %get3A_269 = arith.index_cast %add3A : i32 to index
      %get3A_270 = arith.constant 656 : index
      %get3A_271 = tpu.vector_load %arg7[%get3A_269, %get3A_270] {strides = array<i32>} : memref<26x1024xi32, #tpu.memory_space<vmem>>, vector<16xi32>,
      %gather3A_272 = tpu.vector_load_idx %arg11[%get3A_271] : memref<1024xf32, #tpu.memory_space<vmem>>[vector<16xi32>], vector<16xf32>,
      %swap3A_273 = arith.constant 656 : index
      %swap3A_274 = tpu.vector_load %arg10[%swap3A_273] {strides = array<i32>} : memref<1024xf32, #tpu.memory_space<vmem>>, vector<16xf32>,
      tpu.vector_store %arg10[%swap3A_273], %gather3A_272 {strides = array<i32>} : memref<1024xf32, #tpu.memory_space<vmem>>, vector<16xf32>,
      %get3A_275 = arith.index_cast %add3A : i32 to index
      %get3A_276 = arith.constant 672 : index
      %get3A_277 = tpu.vector_load %arg7[%get3A_275, %get3A_276] {strides = array<i32>} : memref<26x1024xi32, #tpu.memory_space<vmem>>, vector<16xi32>,
      %gather3A_278 = tpu.vector_load_idx %arg11[%get3A_277] : memref<1024xf32, #tpu.memory_space<vmem>>[vector<16xi32>], vector<16xf32>,
      %swap3A_279 = arith.constant 672 : index
      %swap3A_280 = tpu.vector_load %arg10[%swap3A_279] {strides = array<i32>} : memref<1024xf32, #tpu.memory_space<vmem>>, vector<16xf32>,
      tpu.vector_store %arg10[%swap3A_279], %gather3A_278 {strides = array<i32>} : memref<1024xf32, #tpu.memory_space<vmem>>, vector<16xf32>,
      %get3A_281 = arith.index_cast %add3A : i32 to index
      %get3A_282 = arith.constant 688 : index
      %get3A_283 = tpu.vector_load %arg7[%get3A_281, %get3A_282] {strides = array<i32>} : memref<26x1024xi32, #tpu.memory_space<vmem>>, vector<16xi32>,
      %gather3A_284 = tpu.vector_load_idx %arg11[%get3A_283] : memref<1024xf32, #tpu.memory_space<vmem>>[vector<16xi32>], vector<16xf32>,
      %swap3A_285 = arith.constant 688 : index
      %swap3A_286 = tpu.vector_load %arg10[%swap3A_285] {strides = array<i32>} : memref<1024xf32, #tpu.memory_space<vmem>>, vector<16xf32>,
      tpu.vector_store %arg10[%swap3A_285], %gather3A_284 {strides = array<i32>} : memref<1024xf32, #tpu.memory_space<vmem>>, vector<16xf32>,
      %get3A_287 = arith.index_cast %add3A : i32 to index
      %get3A_288 = arith.constant 704 : index
      %get3A_289 = tpu.vector_load %arg7[%get3A_287, %get3A_288] {strides = array<i32>} : memref<26x1024xi32, #tpu.memory_space<vmem>>, vector<16xi32>,
      %gather3A_290 = tpu.vector_load_idx %arg11[%get3A_289] : memref<1024xf32, #tpu.memory_space<vmem>>[vector<16xi32>], vector<16xf32>,
      %swap3A_291 = arith.constant 704 : index
      %swap3A_292 = tpu.vector_load %arg10[%swap3A_291] {strides = array<i32>} : memref<1024xf32, #tpu.memory_space<vmem>>, vector<16xf32>,
      tpu.vector_store %arg10[%swap3A_291], %gather3A_290 {strides = array<i32>} : memref<1024xf32, #tpu.memory_space<vmem>>, vector<16xf32>,
      %get3A_293 = arith.index_cast %add3A : i32 to index
      %get3A_294 = arith.constant 720 : index
      %get3A_295 = tpu.vector_load %arg7[%get3A_293, %get3A_294] {strides = array<i32>} : memref<26x1024xi32, #tpu.memory_space<vmem>>, vector<16xi32>,
      %gather3A_296 = tpu.vector_load_idx %arg11[%get3A_295] : memref<1024xf32, #tpu.memory_space<vmem>>[vector<16xi32>], vector<16xf32>,
      %swap3A_297 = arith.constant 720 : index
      %swap3A_298 = tpu.vector_load %arg10[%swap3A_297] {strides = array<i32>} : memref<1024xf32, #tpu.memory_space<vmem>>, vector<16xf32>,
      tpu.vector_store %arg10[%swap3A_297], %gather3A_296 {strides = array<i32>} : memref<1024xf32, #tpu.memory_space<vmem>>, vector<16xf32>,
      %get3A_299 = arith.index_cast %add3A : i32 to index
      %get3A_300 = arith.constant 736 : index
      %get3A_301 = tpu.vector_load %arg7[%get3A_299, %get3A_300] {strides = array<i32>} : memref<26x1024xi32, #tpu.memory_space<vmem>>, vector<16xi32>,
      %gather3A_302 = tpu.vector_load_idx %arg11[%get3A_301] : memref<1024xf32, #tpu.memory_space<vmem>>[vector<16xi32>], vector<16xf32>,
      %swap3A_303 = arith.constant 736 : index
      %swap3A_304 = tpu.vector_load %arg10[%swap3A_303] {strides = array<i32>} : memref<1024xf32, #tpu.memory_space<vmem>>, vector<16xf32>,
      tpu.vector_store %arg10[%swap3A_303], %gather3A_302 {strides = array<i32>} : memref<1024xf32, #tpu.memory_space<vmem>>, vector<16xf32>,
      %get3A_305 = arith.index_cast %add3A : i32 to index
      %get3A_306 = arith.constant 752 : index
      %get3A_307 = tpu.vector_load %arg7[%get3A_305, %get3A_306] {strides = array<i32>} : memref<26x1024xi32, #tpu.memory_space<vmem>>, vector<16xi32>,
      %gather3A_308 = tpu.vector_load_idx %arg11[%get3A_307] : memref<1024xf32, #tpu.memory_space<vmem>>[vector<16xi32>], vector<16xf32>,
      %swap3A_309 = arith.constant 752 : index
      %swap3A_310 = tpu.vector_load %arg10[%swap3A_309] {strides = array<i32>} : memref<1024xf32, #tpu.memory_space<vmem>>, vector<16xf32>,
      tpu.vector_store %arg10[%swap3A_309], %gather3A_308 {strides = array<i32>} : memref<1024xf32, #tpu.memory_space<vmem>>, vector<16xf32>,
      %get3A_311 = arith.index_cast %add3A : i32 to index
      %get3A_312 = arith.constant 768 : index
      %get3A_313 = tpu.vector_load %arg7[%get3A_311, %get3A_312] {strides = array<i32>} : memref<26x1024xi32, #tpu.memory_space<vmem>>, vector<16xi32>,
      %gather3A_314 = tpu.vector_load_idx %arg11[%get3A_313] : memref<1024xf32, #tpu.memory_space<vmem>>[vector<16xi32>], vector<16xf32>,
      %swap3A_315 = arith.constant 768 : index
      %swap3A_316 = tpu.vector_load %arg10[%swap3A_315] {strides = array<i32>} : memref<1024xf32, #tpu.memory_space<vmem>>, vector<16xf32>,
      tpu.vector_store %arg10[%swap3A_315], %gather3A_314 {strides = array<i32>} : memref<1024xf32, #tpu.memory_space<vmem>>, vector<16xf32>,
      %get3A_317 = arith.index_cast %add3A : i32 to index
      %get3A_318 = arith.constant 784 : index
      %get3A_319 = tpu.vector_load %arg7[%get3A_317, %get3A_318] {strides = array<i32>} : memref<26x1024xi32, #tpu.memory_space<vmem>>, vector<16xi32>,
      %gather3A_320 = tpu.vector_load_idx %arg11[%get3A_319] : memref<1024xf32, #tpu.memory_space<vmem>>[vector<16xi32>], vector<16xf32>,
      %swap3A_321 = arith.constant 784 : index
      %swap3A_322 = tpu.vector_load %arg10[%swap3A_321] {strides = array<i32>} : memref<1024xf32, #tpu.memory_space<vmem>>, vector<16xf32>,
      tpu.vector_store %arg10[%swap3A_321], %gather3A_320 {strides = array<i32>} : memref<1024xf32, #tpu.memory_space<vmem>>, vector<16xf32>,
      %get3A_323 = arith.index_cast %add3A : i32 to index
      %get3A_324 = arith.constant 800 : index
      %get3A_325 = tpu.vector_load %arg7[%get3A_323, %get3A_324] {strides = array<i32>} : memref<26x1024xi32, #tpu.memory_space<vmem>>, vector<16xi32>,
      %gather3A_326 = tpu.vector_load_idx %arg11[%get3A_325] : memref<1024xf32, #tpu.memory_space<vmem>>[vector<16xi32>], vector<16xf32>,
      %swap3A_327 = arith.constant 800 : index
      %swap3A_328 = tpu.vector_load %arg10[%swap3A_327] {strides = array<i32>} : memref<1024xf32, #tpu.memory_space<vmem>>, vector<16xf32>,
      tpu.vector_store %arg10[%swap3A_327], %gather3A_326 {strides = array<i32>} : memref<1024xf32, #tpu.memory_space<vmem>>, vector<16xf32>,
      %get3A_329 = arith.index_cast %add3A : i32 to index
      %get3A_330 = arith.constant 816 : index
      %get3A_331 = tpu.vector_load %arg7[%get3A_329, %get3A_330] {strides = array<i32>} : memref<26x1024xi32, #tpu.memory_space<vmem>>, vector<16xi32>,
      %gather3A_332 = tpu.vector_load_idx %arg11[%get3A_331] : memref<1024xf32, #tpu.memory_space<vmem>>[vector<16xi32>], vector<16xf32>,
      %swap3A_333 = arith.constant 816 : index
      %swap3A_334 = tpu.vector_load %arg10[%swap3A_333] {strides = array<i32>} : memref<1024xf32, #tpu.memory_space<vmem>>, vector<16xf32>,
      tpu.vector_store %arg10[%swap3A_333], %gather3A_332 {strides = array<i32>} : memref<1024xf32, #tpu.memory_space<vmem>>, vector<16xf32>,
      %get3A_335 = arith.index_cast %add3A : i32 to index
      %get3A_336 = arith.constant 832 : index
      %get3A_337 = tpu.vector_load %arg7[%get3A_335, %get3A_336] {strides = array<i32>} : memref<26x1024xi32, #tpu.memory_space<vmem>>, vector<16xi32>,
      %gather3A_338 = tpu.vector_load_idx %arg11[%get3A_337] : memref<1024xf32, #tpu.memory_space<vmem>>[vector<16xi32>], vector<16xf32>,
      %swap3A_339 = arith.constant 832 : index
      %swap3A_340 = tpu.vector_load %arg10[%swap3A_339] {strides = array<i32>} : memref<1024xf32, #tpu.memory_space<vmem>>, vector<16xf32>,
      tpu.vector_store %arg10[%swap3A_339], %gather3A_338 {strides = array<i32>} : memref<1024xf32, #tpu.memory_space<vmem>>, vector<16xf32>,
      %get3A_341 = arith.index_cast %add3A : i32 to index
      %get3A_342 = arith.constant 848 : index
      %get3A_343 = tpu.vector_load %arg7[%get3A_341, %get3A_342] {strides = array<i32>} : memref<26x1024xi32, #tpu.memory_space<vmem>>, vector<16xi32>,
      %gather3A_344 = tpu.vector_load_idx %arg11[%get3A_343] : memref<1024xf32, #tpu.memory_space<vmem>>[vector<16xi32>], vector<16xf32>,
      %swap3A_345 = arith.constant 848 : index
      %swap3A_346 = tpu.vector_load %arg10[%swap3A_345] {strides = array<i32>} : memref<1024xf32, #tpu.memory_space<vmem>>, vector<16xf32>,
      tpu.vector_store %arg10[%swap3A_345], %gather3A_344 {strides = array<i32>} : memref<1024xf32, #tpu.memory_space<vmem>>, vector<16xf32>,
      %get3A_347 = arith.index_cast %add3A : i32 to index
      %get3A_348 = arith.constant 864 : index
      %get3A_349 = tpu.vector_load %arg7[%get3A_347, %get3A_348] {strides = array<i32>} : memref<26x1024xi32, #tpu.memory_space<vmem>>, vector<16xi32>,
      %gather3A_350 = tpu.vector_load_idx %arg11[%get3A_349] : memref<1024xf32, #tpu.memory_space<vmem>>[vector<16xi32>], vector<16xf32>,
      %swap3A_351 = arith.constant 864 : index
      %swap3A_352 = tpu.vector_load %arg10[%swap3A_351] {strides = array<i32>} : memref<1024xf32, #tpu.memory_space<vmem>>, vector<16xf32>,
      tpu.vector_store %arg10[%swap3A_351], %gather3A_350 {strides = array<i32>} : memref<1024xf32, #tpu.memory_space<vmem>>, vector<16xf32>,
      %get3A_353 = arith.index_cast %add3A : i32 to index
      %get3A_354 = arith.constant 880 : index
      %get3A_355 = tpu.vector_load %arg7[%get3A_353, %get3A_354] {strides = array<i32>} : memref<26x1024xi32, #tpu.memory_space<vmem>>, vector<16xi32>,
      %gather3A_356 = tpu.vector_load_idx %arg11[%get3A_355] : memref<1024xf32, #tpu.memory_space<vmem>>[vector<16xi32>], vector<16xf32>,
      %swap3A_357 = arith.constant 880 : index
      %swap3A_358 = tpu.vector_load %arg10[%swap3A_357] {strides = array<i32>} : memref<1024xf32, #tpu.memory_space<vmem>>, vector<16xf32>,
      tpu.vector_store %arg10[%swap3A_357], %gather3A_356 {strides = array<i32>} : memref<1024xf32, #tpu.memory_space<vmem>>, vector<16xf32>,
      %get3A_359 = arith.index_cast %add3A : i32 to index
      %get3A_360 = arith.constant 896 : index
      %get3A_361 = tpu.vector_load %arg7[%get3A_359, %get3A_360] {strides = array<i32>} : memref<26x1024xi32, #tpu.memory_space<vmem>>, vector<16xi32>,
      %gather3A_362 = tpu.vector_load_idx %arg11[%get3A_361] : memref<1024xf32, #tpu.memory_space<vmem>>[vector<16xi32>], vector<16xf32>,
      %swap3A_363 = arith.constant 896 : index
      %swap3A_364 = tpu.vector_load %arg10[%swap3A_363] {strides = array<i32>} : memref<1024xf32, #tpu.memory_space<vmem>>, vector<16xf32>,
      tpu.vector_store %arg10[%swap3A_363], %gather3A_362 {strides = array<i32>} : memref<1024xf32, #tpu.memory_space<vmem>>, vector<16xf32>,
      %get3A_365 = arith.index_cast %add3A : i32 to index
      %get3A_366 = arith.constant 912 : index
      %get3A_367 = tpu.vector_load %arg7[%get3A_365, %get3A_366] {strides = array<i32>} : memref<26x1024xi32, #tpu.memory_space<vmem>>, vector<16xi32>,
      %gather3A_368 = tpu.vector_load_idx %arg11[%get3A_367] : memref<1024xf32, #tpu.memory_space<vmem>>[vector<16xi32>], vector<16xf32>,
      %swap3A_369 = arith.constant 912 : index
      %swap3A_370 = tpu.vector_load %arg10[%swap3A_369] {strides = array<i32>} : memref<1024xf32, #tpu.memory_space<vmem>>, vector<16xf32>,
      tpu.vector_store %arg10[%swap3A_369], %gather3A_368 {strides = array<i32>} : memref<1024xf32, #tpu.memory_space<vmem>>, vector<16xf32>,
      %get3A_371 = arith.index_cast %add3A : i32 to index
      %get3A_372 = arith.constant 928 : index
      %get3A_373 = tpu.vector_load %arg7[%get3A_371, %get3A_372] {strides = array<i32>} : memref<26x1024xi32, #tpu.memory_space<vmem>>, vector<16xi32>,
      %gather3A_374 = tpu.vector_load_idx %arg11[%get3A_373] : memref<1024xf32, #tpu.memory_space<vmem>>[vector<16xi32>], vector<16xf32>,
      %swap3A_375 = arith.constant 928 : index
      %swap3A_376 = tpu.vector_load %arg10[%swap3A_375] {strides = array<i32>} : memref<1024xf32, #tpu.memory_space<vmem>>, vector<16xf32>,
      tpu.vector_store %arg10[%swap3A_375], %gather3A_374 {strides = array<i32>} : memref<1024xf32, #tpu.memory_space<vmem>>, vector<16xf32>,
      %get3A_377 = arith.index_cast %add3A : i32 to index
      %get3A_378 = arith.constant 944 : index
      %get3A_379 = tpu.vector_load %arg7[%get3A_377, %get3A_378] {strides = array<i32>} : memref<26x1024xi32, #tpu.memory_space<vmem>>, vector<16xi32>,
      %gather3A_380 = tpu.vector_load_idx %arg11[%get3A_379] : memref<1024xf32, #tpu.memory_space<vmem>>[vector<16xi32>], vector<16xf32>,
      %swap3A_381 = arith.constant 944 : index
      %swap3A_382 = tpu.vector_load %arg10[%swap3A_381] {strides = array<i32>} : memref<1024xf32, #tpu.memory_space<vmem>>, vector<16xf32>,
      tpu.vector_store %arg10[%swap3A_381], %gather3A_380 {strides = array<i32>} : memref<1024xf32, #tpu.memory_space<vmem>>, vector<16xf32>,
      %get3A_383 = arith.index_cast %add3A : i32 to index
      %get3A_384 = arith.constant 960 : index
      %get3A_385 = tpu.vector_load %arg7[%get3A_383, %get3A_384] {strides = array<i32>} : memref<26x1024xi32, #tpu.memory_space<vmem>>, vector<16xi32>,
      %gather3A_386 = tpu.vector_load_idx %arg11[%get3A_385] : memref<1024xf32, #tpu.memory_space<vmem>>[vector<16xi32>], vector<16xf32>,
      %swap3A_387 = arith.constant 960 : index
      %swap3A_388 = tpu.vector_load %arg10[%swap3A_387] {strides = array<i32>} : memref<1024xf32, #tpu.memory_space<vmem>>, vector<16xf32>,
      tpu.vector_store %arg10[%swap3A_387], %gather3A_386 {strides = array<i32>} : memref<1024xf32, #tpu.memory_space<vmem>>, vector<16xf32>,
      %get3A_389 = arith.index_cast %add3A : i32 to index
      %get3A_390 = arith.constant 976 : index
      %get3A_391 = tpu.vector_load %arg7[%get3A_389, %get3A_390] {strides = array<i32>} : memref<26x1024xi32, #tpu.memory_space<vmem>>, vector<16xi32>,
      %gather3A_392 = tpu.vector_load_idx %arg11[%get3A_391] : memref<1024xf32, #tpu.memory_space<vmem>>[vector<16xi32>], vector<16xf32>,
      %swap3A_393 = arith.constant 976 : index
      %swap3A_394 = tpu.vector_load %arg10[%swap3A_393] {strides = array<i32>} : memref<1024xf32, #tpu.memory_space<vmem>>, vector<16xf32>,
      tpu.vector_store %arg10[%swap3A_393], %gather3A_392 {strides = array<i32>} : memref<1024xf32, #tpu.memory_space<vmem>>, vector<16xf32>,
      %get3A_395 = arith.index_cast %add3A : i32 to index
      %get3A_396 = arith.constant 992 : index
      %get3A_397 = tpu.vector_load %arg7[%get3A_395, %get3A_396] {strides = array<i32>} : memref<26x1024xi32, #tpu.memory_space<vmem>>, vector<16xi32>,
      %gather3A_398 = tpu.vector_load_idx %arg11[%get3A_397] : memref<1024xf32, #tpu.memory_space<vmem>>[vector<16xi32>], vector<16xf32>,
      %swap3A_399 = arith.constant 992 : index
      %swap3A_400 = tpu.vector_load %arg10[%swap3A_399] {strides = array<i32>} : memref<1024xf32, #tpu.memory_space<vmem>>, vector<16xf32>,
      tpu.vector_store %arg10[%swap3A_399], %gather3A_398 {strides = array<i32>} : memref<1024xf32, #tpu.memory_space<vmem>>, vector<16xf32>,
      %get3A_401 = arith.index_cast %add3A : i32 to index
      %get3A_402 = arith.constant 1008 : index
      %get3A_403 = tpu.vector_load %arg7[%get3A_401, %get3A_402] {strides = array<i32>} : memref<26x1024xi32, #tpu.memory_space<vmem>>, vector<16xi32>,
      %gather3A_404 = tpu.vector_load_idx %arg11[%get3A_403] : memref<1024xf32, #tpu.memory_space<vmem>>[vector<16xi32>], vector<16xf32>,
      %swap3A_405 = arith.constant 1008 : index
      %swap3A_406 = tpu.vector_load %arg10[%swap3A_405] {strides = array<i32>} : memref<1024xf32, #tpu.memory_space<vmem>>, vector<16xf32>,
      tpu.vector_store %arg10[%swap3A_405], %gather3A_404 {strides = array<i32>} : memref<1024xf32, #tpu.memory_space<vmem>>, vector<16xf32>,
      "tpu.region"() ({
        %run_scoped3A = tpu.sem_alloc : memref<!tpu.dma_semaphore, #tpu.memory_space<semaphore_mem>>
        %dma_start3A = arith.constant 0 : i32
        %dma_start3A_407 = tpu.memref_slice %arg6[%add3A, %dma_start3A] : memref<26x1024xf32, #tpu.memory_space<hbm>> -> memref<1x1024xf32, #tpu.memory_space<hbm>>
        %dma_start3A_408 = tpu.memref_squeeze %dma_start3A_407 : memref<1x1024xf32, #tpu.memory_space<hbm>> -> memref<1024xf32, #tpu.memory_space<hbm>>
        %dma_start3A_409 = arith.constant 0 : i32
        %dma_start3A_410 = tpu.memref_slice %arg6[%add3A, %dma_start3A_409] : memref<26x1024xf32, #tpu.memory_space<hbm>> -> memref<1x1024xf32, #tpu.memory_space<hbm>>
        %dma_start3A_411 = tpu.memref_squeeze %dma_start3A_410 : memref<1x1024xf32, #tpu.memory_space<hbm>> -> memref<1024xf32, #tpu.memory_space<hbm>>
        tpu.enqueue_dma source(%arg10 : memref<1024xf32, #tpu.memory_space<vmem>>) target(%dma_start3A_411 : memref<1024xf32, #tpu.memory_space<hbm>>) target_semaphore(%run_scoped3A : memref<!tpu.dma_semaphore, #tpu.memory_space<semaphore_mem>>)
        %dma_wait3A = arith.constant 0 : i32
        %dma_wait3A_412 = tpu.memref_slice %arg6[%add3A, %dma_wait3A] : memref<26x1024xf32, #tpu.memory_space<hbm>> -> memref<1x1024xf32, #tpu.memory_space<hbm>>
        %dma_wait3A_413 = tpu.memref_squeeze %dma_wait3A_412 : memref<1x1024xf32, #tpu.memory_space<hbm>> -> memref<1024xf32, #tpu.memory_space<hbm>>
        %dma_wait3A_414 = arith.constant 0 : i32
        %dma_wait3A_415 = tpu.memref_slice %arg6[%add3A, %dma_wait3A_414] : memref<26x1024xf32, #tpu.memory_space<hbm>> -> memref<1x1024xf32, #tpu.memory_space<hbm>>
        %dma_wait3A_416 = tpu.memref_squeeze %dma_wait3A_415 : memref<1x1024xf32, #tpu.memory_space<hbm>> -> memref<1024xf32, #tpu.memory_space<hbm>>
        tpu.wait_dma2 semaphore(%run_scoped3A : memref<!tpu.dma_semaphore, #tpu.memory_space<semaphore_mem>>) src(%arg10 : memref<1024xf32, #tpu.memory_space<vmem>>) dst(%dma_wait3A_416 : memref<1024xf32, #tpu.memory_space<hbm>>)
        tpu.yield
      }) : () -> ()
    } else {
    }
    %mul3A_3 = arith.constant 10 : i32
    %mul3A_4 = arith.muli %mul3A_3, %add3A : i32
    %min3A = arith.constant 5 : i32
    %min3A_5 = arith.minsi %add3A, %min3A : i32
    %add3A_6 = arith.addi %mul3A_4, %min3A_5 : i32
    %lt3A_7 = arith.constant 5 : i32
    %lt3A_8 = arith.cmpi slt, %add3A, %lt3A_7 : i32
    %jit3A = arith.constant 11 : i32
    %jit3A_9 = arith.constant 10 : i32
    %select_n3A = arith.select %lt3A_8, %jit3A, %jit3A_9 : i32
    %while3A = arith.constant 0 : i32
    %while3A_10 = arith.constant 25 : i32
    %while3A_11:3 = scf.while (%while3A_26 = %add3A_6, %while3A_27 = %while3A, %while3A_28 = %while3A_10) : (i32, i32, i32) -> (i32, i32, i32) {
      %ge3A = arith.cmpi sge, %while3A_26, %while3A_28 : i32
      scf.condition(%ge3A) %while3A_26, %while3A_27, %while3A_28 : i32, i32, i32
    } do {
    ^bb0(%while3A_26: i32, %while3A_27: i32, %while3A_28: i32):
      %sub3A = arith.subi %while3A_26, %while3A_28 : i32
      %add3A_29 = arith.constant 1 : i32
      %add3A_30 = arith.addi %while3A_27, %add3A_29 : i32
      %sub3A_31 = arith.constant 1 : i32
      %sub3A_32 = arith.subi %while3A_28, %sub3A_31 : i32
      scf.yield %sub3A, %add3A_30, %sub3A_32 : i32, i32, i32
    }
    %add3A_12 = arith.constant 1 : i32
    %add3A_13 = arith.addi %while3A_11#1, %add3A_12 : i32
    %add3A_14 = arith.addi %add3A_13, %while3A_11#0 : i32
    %iota3A = tpu.iota {dimensions = array<i32: 0>} : vector<16xi32>
    %while3A_15 = arith.constant 0 : i32
    %while3A_16 = arith.subi %select_n3A, %while3A_15 : i32
    %while3A_17 = arith.addi %while3A_15, %while3A_16 : i32
    %while3A_18 = arith.constant 1 : i32
    %while3A_19 = arith.divsi %while3A_16, %while3A_18 : i32
    %while3A_20 = arith.muli %while3A_19, %while3A_18 : i32
    %while3A_21 = arith.addi %while3A_15, %while3A_20 : i32
    %while3A_22 = arith.constant 1 : i32
    %while3A_23:2 = scf.for %while3A_26 = %while3A_15 to %while3A_21 step %while3A_22 iter_args(%while3A_27 = %while3A_11#1, %while3A_28 = %add3A_14) -> (i32, i32)  : i32 {
      %dma_start3A = arith.constant 0 : i32
      %dma_start3A_29 = arith.constant 0 : i32
      %dma_start3A_30 = tpu.memref_slice %arg2[%while3A_27, %while3A_28, %dma_start3A, %dma_start3A_29] : memref<26x26x1000x32xf32, #tpu.memory_space<hbm>> -> memref<1x1x1000x32xf32, #tpu.memory_space<hbm>>
      %dma_start3A_31 = tpu.memref_squeeze %dma_start3A_30 : memref<1x1x1000x32xf32, #tpu.memory_space<hbm>> -> memref<1000x32xf32, #tpu.memory_space<hbm>>
      %dma_start3A_32 = arith.constant 0 : i32
      %dma_start3A_33 = arith.constant 0 : i32
      %dma_start3A_34 = tpu.memref_slice %arg2[%while3A_27, %while3A_28, %dma_start3A_32, %dma_start3A_33] : memref<26x26x1000x32xf32, #tpu.memory_space<hbm>> -> memref<1x1x1000x32xf32, #tpu.memory_space<hbm>>
      %dma_start3A_35 = tpu.memref_squeeze %dma_start3A_34 : memref<1x1x1000x32xf32, #tpu.memory_space<hbm>> -> memref<1000x32xf32, #tpu.memory_space<hbm>>
      tpu.enqueue_dma source(%dma_start3A_35 : memref<1000x32xf32, #tpu.memory_space<hbm>>) target(%arg8 : memref<1000x32xf32, #tpu.memory_space<vmem>>) target_semaphore(%arg12 : memref<!tpu.dma_semaphore, #tpu.memory_space<semaphore_mem>>)
      %dma_start3A_36 = arith.constant 0 : i32
      %dma_start3A_37 = arith.constant 0 : i32
      %dma_start3A_38 = tpu.memref_slice %arg2[%while3A_28, %while3A_27, %dma_start3A_36, %dma_start3A_37] : memref<26x26x1000x32xf32, #tpu.memory_space<hbm>> -> memref<1x1x1000x32xf32, #tpu.memory_space<hbm>>
      %dma_start3A_39 = tpu.memref_squeeze %dma_start3A_38 : memref<1x1x1000x32xf32, #tpu.memory_space<hbm>> -> memref<1000x32xf32, #tpu.memory_space<hbm>>
      %dma_start3A_40 = arith.constant 0 : i32
      %dma_start3A_41 = arith.constant 0 : i32
      %dma_start3A_42 = tpu.memref_slice %arg2[%while3A_28, %while3A_27, %dma_start3A_40, %dma_start3A_41] : memref<26x26x1000x32xf32, #tpu.memory_space<hbm>> -> memref<1x1x1000x32xf32, #tpu.memory_space<hbm>>
      %dma_start3A_43 = tpu.memref_squeeze %dma_start3A_42 : memref<1x1x1000x32xf32, #tpu.memory_space<hbm>> -> memref<1000x32xf32, #tpu.memory_space<hbm>>
      tpu.enqueue_dma source(%dma_start3A_43 : memref<1000x32xf32, #tpu.memory_space<hbm>>) target(%arg9 : memref<1000x32xf32, #tpu.memory_space<vmem>>) target_semaphore(%arg12 : memref<!tpu.dma_semaphore, #tpu.memory_space<semaphore_mem>>)
      %dma_wait3A = arith.constant 0 : i32
      %dma_wait3A_44 = arith.constant 0 : i32
      %dma_wait3A_45 = tpu.memref_slice %arg2[%while3A_27, %while3A_28, %dma_wait3A, %dma_wait3A_44] : memref<26x26x1000x32xf32, #tpu.memory_space<hbm>> -> memref<1x1x1000x32xf32, #tpu.memory_space<hbm>>
      %dma_wait3A_46 = tpu.memref_squeeze %dma_wait3A_45 : memref<1x1x1000x32xf32, #tpu.memory_space<hbm>> -> memref<1000x32xf32, #tpu.memory_space<hbm>>
      %dma_wait3A_47 = arith.constant 0 : i32
      %dma_wait3A_48 = arith.constant 0 : i32
      %dma_wait3A_49 = tpu.memref_slice %arg2[%while3A_27, %while3A_28, %dma_wait3A_47, %dma_wait3A_48] : memref<26x26x1000x32xf32, #tpu.memory_space<hbm>> -> memref<1x1x1000x32xf32, #tpu.memory_space<hbm>>
      %dma_wait3A_50 = tpu.memref_squeeze %dma_wait3A_49 : memref<1x1x1000x32xf32, #tpu.memory_space<hbm>> -> memref<1000x32xf32, #tpu.memory_space<hbm>>
      tpu.wait_dma2 semaphore(%arg12 : memref<!tpu.dma_semaphore, #tpu.memory_space<semaphore_mem>>) src(%dma_wait3A_50 : memref<1000x32xf32, #tpu.memory_space<hbm>>) dst(%arg8 : memref<1000x32xf32, #tpu.memory_space<vmem>>)
      %dma_wait3A_51 = arith.constant 0 : i32
      %dma_wait3A_52 = arith.constant 0 : i32
      %dma_wait3A_53 = tpu.memref_slice %arg2[%while3A_28, %while3A_27, %dma_wait3A_51, %dma_wait3A_52] : memref<26x26x1000x32xf32, #tpu.memory_space<hbm>> -> memref<1x1x1000x32xf32, #tpu.memory_space<hbm>>
      %dma_wait3A_54 = tpu.memref_squeeze %dma_wait3A_53 : memref<1x1x1000x32xf32, #tpu.memory_space<hbm>> -> memref<1000x32xf32, #tpu.memory_space<hbm>>
      %dma_wait3A_55 = arith.constant 0 : i32
      %dma_wait3A_56 = arith.constant 0 : i32
      %dma_wait3A_57 = tpu.memref_slice %arg2[%while3A_28, %while3A_27, %dma_wait3A_55, %dma_wait3A_56] : memref<26x26x1000x32xf32, #tpu.memory_space<hbm>> -> memref<1x1x1000x32xf32, #tpu.memory_space<hbm>>
      %dma_wait3A_58 = tpu.memref_squeeze %dma_wait3A_57 : memref<1x1x1000x32xf32, #tpu.memory_space<hbm>> -> memref<1000x32xf32, #tpu.memory_space<hbm>>
      tpu.wait_dma2 semaphore(%arg12 : memref<!tpu.dma_semaphore, #tpu.memory_space<semaphore_mem>>) src(%dma_wait3A_58 : memref<1000x32xf32, #tpu.memory_space<hbm>>) dst(%arg9 : memref<1000x32xf32, #tpu.memory_space<vmem>>)
      %parallel_loop3A = arith.constant 0 : i32
      %parallel_loop3A_59 = arith.constant 64 : i32
      %parallel_loop3A_60 = arith.constant 1 : i32
      scf.for %parallel_loop3A_71 = %parallel_loop3A to %parallel_loop3A_59 step %parallel_loop3A_60  : i32 {
        %parallel_loop3A_72 = arith.constant 16 : i32
        %parallel_loop3A_73 = arith.muli %parallel_loop3A_71, %parallel_loop3A_72 : i32
        %parallel_loop3A_74 = arith.index_cast %while3A_27 : i32 to index
        %parallel_loop3A_75 = arith.index_cast %parallel_loop3A_73 : i32 to index
        %parallel_loop3A_76 = tpu.vector_load %arg7[%parallel_loop3A_74, %parallel_loop3A_75] {strides = array<i32>} : memref<26x1024xi32, #tpu.memory_space<vmem>>, vector<16xi32>,
        %parallel_loop3A_77 = arith.constant 16 : i32
        %parallel_loop3A_78 = arith.muli %parallel_loop3A_71, %parallel_loop3A_77 : i32
        %parallel_loop3A_79 = arith.index_cast %while3A_28 : i32 to index
        %parallel_loop3A_80 = arith.index_cast %parallel_loop3A_78 : i32 to index
        %parallel_loop3A_81 = tpu.vector_load %arg7[%parallel_loop3A_79, %parallel_loop3A_80] {strides = array<i32>} : memref<26x1024xi32, #tpu.memory_space<vmem>>, vector<16xi32>,
        %parallel_loop3A_82 = arith.constant 0.000000e+00 : f32
        %parallel_loop3A_83 = vector.broadcast %parallel_loop3A_82 : f32 to vector<16xf32>
        %parallel_loop3A_84 = vector.extract_strided_slice %parallel_loop3A_76 {offsets = [0], sizes = [1], strides = [1]} : vector<16xi32> to vector<1xi32>
        %parallel_loop3A_85 = vector.extract %parallel_loop3A_84[0] : i32 from vector<1xi32>
        %parallel_loop3A_86 = vector.extract_strided_slice %parallel_loop3A_81 {offsets = [0], sizes = [1], strides = [1]} : vector<16xi32> to vector<1xi32>
        %parallel_loop3A_87 = vector.extract %parallel_loop3A_86[0] : i32 from vector<1xi32>
        %parallel_loop3A_88 = arith.index_cast %parallel_loop3A_85 : i32 to index
        %parallel_loop3A_89 = arith.constant 0 : index
        %parallel_loop3A_90 = tpu.vector_load %arg8[%parallel_loop3A_88, %parallel_loop3A_89] {strides = array<i32>} : memref<1000x32xf32, #tpu.memory_space<vmem>>, vector<16xf32>,
        %parallel_loop3A_91 = arith.index_cast %parallel_loop3A_85 : i32 to index
        %parallel_loop3A_92 = arith.constant 16 : index
        %parallel_loop3A_93 = tpu.vector_load %arg8[%parallel_loop3A_91, %parallel_loop3A_92] {strides = array<i32>} : memref<1000x32xf32, #tpu.memory_space<vmem>>, vector<16xf32>,
        %parallel_loop3A_94 = arith.index_cast %parallel_loop3A_87 : i32 to index
        %parallel_loop3A_95 = arith.constant 0 : index
        %parallel_loop3A_96 = tpu.vector_load %arg9[%parallel_loop3A_94, %parallel_loop3A_95] {strides = array<i32>} : memref<1000x32xf32, #tpu.memory_space<vmem>>, vector<16xf32>,
        %parallel_loop3A_97 = arith.index_cast %parallel_loop3A_87 : i32 to index
        %parallel_loop3A_98 = arith.constant 16 : index
        %parallel_loop3A_99 = tpu.vector_load %arg9[%parallel_loop3A_97, %parallel_loop3A_98] {strides = array<i32>} : memref<1000x32xf32, #tpu.memory_space<vmem>>, vector<16xf32>,
        %parallel_loop3A_100 = arith.mulf %parallel_loop3A_90, %parallel_loop3A_96 : vector<16xf32>
        %parallel_loop3A_101 = arith.mulf %parallel_loop3A_93, %parallel_loop3A_99 : vector<16xf32>
        %parallel_loop3A_102 = arith.addf %parallel_loop3A_100, %parallel_loop3A_101 : vector<16xf32>
        %parallel_loop3A_103 = arith.constant true
        %parallel_loop3A_104 = vector.broadcast %parallel_loop3A_103 : i1 to vector<16xi1>
        %parallel_loop3A_105 = tpu.scan <sum>, %parallel_loop3A_102 masked %parallel_loop3A_104 : vector<16xf32>, vector<16xi1> -> vector<16xf32>
        %parallel_loop3A_106 = vector.extract %parallel_loop3A_105[15] : f32 from vector<16xf32>
        %parallel_loop3A_107 = arith.constant 0 : i32
        %parallel_loop3A_108 = vector.broadcast %parallel_loop3A_107 : i32 to vector<16xi32>
        %parallel_loop3A_109 = arith.cmpi eq, %iota3A, %parallel_loop3A_108 : vector<16xi32>
        %parallel_loop3A_110 = vector.broadcast %parallel_loop3A_106 : f32 to vector<16xf32>
        %parallel_loop3A_111 = arith.select %parallel_loop3A_109, %parallel_loop3A_110, %parallel_loop3A_83 : vector<16xi1>, vector<16xf32>
        %parallel_loop3A_112 = vector.extract_strided_slice %parallel_loop3A_76 {offsets = [1], sizes = [1], strides = [1]} : vector<16xi32> to vector<1xi32>
        %parallel_loop3A_113 = vector.extract %parallel_loop3A_112[0] : i32 from vector<1xi32>
        %parallel_loop3A_114 = vector.extract_strided_slice %parallel_loop3A_81 {offsets = [1], sizes = [1], strides = [1]} : vector<16xi32> to vector<1xi32>
        %parallel_loop3A_115 = vector.extract %parallel_loop3A_114[0] : i32 from vector<1xi32>
        %parallel_loop3A_116 = arith.index_cast %parallel_loop3A_113 : i32 to index
        %parallel_loop3A_117 = arith.constant 0 : index
        %parallel_loop3A_118 = tpu.vector_load %arg8[%parallel_loop3A_116, %parallel_loop3A_117] {strides = array<i32>} : memref<1000x32xf32, #tpu.memory_space<vmem>>, vector<16xf32>,
        %parallel_loop3A_119 = arith.index_cast %parallel_loop3A_113 : i32 to index
        %parallel_loop3A_120 = arith.constant 16 : index
        %parallel_loop3A_121 = tpu.vector_load %arg8[%parallel_loop3A_119, %parallel_loop3A_120] {strides = array<i32>} : memref<1000x32xf32, #tpu.memory_space<vmem>>, vector<16xf32>,
        %parallel_loop3A_122 = arith.index_cast %parallel_loop3A_115 : i32 to index
        %parallel_loop3A_123 = arith.constant 0 : index
        %parallel_loop3A_124 = tpu.vector_load %arg9[%parallel_loop3A_122, %parallel_loop3A_123] {strides = array<i32>} : memref<1000x32xf32, #tpu.memory_space<vmem>>, vector<16xf32>,
        %parallel_loop3A_125 = arith.index_cast %parallel_loop3A_115 : i32 to index
        %parallel_loop3A_126 = arith.constant 16 : index
        %parallel_loop3A_127 = tpu.vector_load %arg9[%parallel_loop3A_125, %parallel_loop3A_126] {strides = array<i32>} : memref<1000x32xf32, #tpu.memory_space<vmem>>, vector<16xf32>,
        %parallel_loop3A_128 = arith.mulf %parallel_loop3A_118, %parallel_loop3A_124 : vector<16xf32>
        %parallel_loop3A_129 = arith.mulf %parallel_loop3A_121, %parallel_loop3A_127 : vector<16xf32>
        %parallel_loop3A_130 = arith.addf %parallel_loop3A_128, %parallel_loop3A_129 : vector<16xf32>
        %parallel_loop3A_131 = arith.constant true
        %parallel_loop3A_132 = vector.broadcast %parallel_loop3A_131 : i1 to vector<16xi1>
        %parallel_loop3A_133 = tpu.scan <sum>, %parallel_loop3A_130 masked %parallel_loop3A_132 : vector<16xf32>, vector<16xi1> -> vector<16xf32>
        %parallel_loop3A_134 = vector.extract %parallel_loop3A_133[15] : f32 from vector<16xf32>
        %parallel_loop3A_135 = arith.constant 1 : i32
        %parallel_loop3A_136 = vector.broadcast %parallel_loop3A_135 : i32 to vector<16xi32>
        %parallel_loop3A_137 = arith.cmpi eq, %iota3A, %parallel_loop3A_136 : vector<16xi32>
        %parallel_loop3A_138 = vector.broadcast %parallel_loop3A_134 : f32 to vector<16xf32>
        %parallel_loop3A_139 = arith.select %parallel_loop3A_137, %parallel_loop3A_138, %parallel_loop3A_111 : vector<16xi1>, vector<16xf32>
        %parallel_loop3A_140 = vector.extract_strided_slice %parallel_loop3A_76 {offsets = [2], sizes = [1], strides = [1]} : vector<16xi32> to vector<1xi32>
        %parallel_loop3A_141 = vector.extract %parallel_loop3A_140[0] : i32 from vector<1xi32>
        %parallel_loop3A_142 = vector.extract_strided_slice %parallel_loop3A_81 {offsets = [2], sizes = [1], strides = [1]} : vector<16xi32> to vector<1xi32>
        %parallel_loop3A_143 = vector.extract %parallel_loop3A_142[0] : i32 from vector<1xi32>
        %parallel_loop3A_144 = arith.index_cast %parallel_loop3A_141 : i32 to index
        %parallel_loop3A_145 = arith.constant 0 : index
        %parallel_loop3A_146 = tpu.vector_load %arg8[%parallel_loop3A_144, %parallel_loop3A_145] {strides = array<i32>} : memref<1000x32xf32, #tpu.memory_space<vmem>>, vector<16xf32>,
        %parallel_loop3A_147 = arith.index_cast %parallel_loop3A_141 : i32 to index
        %parallel_loop3A_148 = arith.constant 16 : index
        %parallel_loop3A_149 = tpu.vector_load %arg8[%parallel_loop3A_147, %parallel_loop3A_148] {strides = array<i32>} : memref<1000x32xf32, #tpu.memory_space<vmem>>, vector<16xf32>,
        %parallel_loop3A_150 = arith.index_cast %parallel_loop3A_143 : i32 to index
        %parallel_loop3A_151 = arith.constant 0 : index
        %parallel_loop3A_152 = tpu.vector_load %arg9[%parallel_loop3A_150, %parallel_loop3A_151] {strides = array<i32>} : memref<1000x32xf32, #tpu.memory_space<vmem>>, vector<16xf32>,
        %parallel_loop3A_153 = arith.index_cast %parallel_loop3A_143 : i32 to index
        %parallel_loop3A_154 = arith.constant 16 : index
        %parallel_loop3A_155 = tpu.vector_load %arg9[%parallel_loop3A_153, %parallel_loop3A_154] {strides = array<i32>} : memref<1000x32xf32, #tpu.memory_space<vmem>>, vector<16xf32>,
        %parallel_loop3A_156 = arith.mulf %parallel_loop3A_146, %parallel_loop3A_152 : vector<16xf32>
        %parallel_loop3A_157 = arith.mulf %parallel_loop3A_149, %parallel_loop3A_155 : vector<16xf32>
        %parallel_loop3A_158 = arith.addf %parallel_loop3A_156, %parallel_loop3A_157 : vector<16xf32>
        %parallel_loop3A_159 = arith.constant true
        %parallel_loop3A_160 = vector.broadcast %parallel_loop3A_159 : i1 to vector<16xi1>
        %parallel_loop3A_161 = tpu.scan <sum>, %parallel_loop3A_158 masked %parallel_loop3A_160 : vector<16xf32>, vector<16xi1> -> vector<16xf32>
        %parallel_loop3A_162 = vector.extract %parallel_loop3A_161[15] : f32 from vector<16xf32>
        %parallel_loop3A_163 = arith.constant 2 : i32
        %parallel_loop3A_164 = vector.broadcast %parallel_loop3A_163 : i32 to vector<16xi32>
        %parallel_loop3A_165 = arith.cmpi eq, %iota3A, %parallel_loop3A_164 : vector<16xi32>
        %parallel_loop3A_166 = vector.broadcast %parallel_loop3A_162 : f32 to vector<16xf32>
        %parallel_loop3A_167 = arith.select %parallel_loop3A_165, %parallel_loop3A_166, %parallel_loop3A_139 : vector<16xi1>, vector<16xf32>
        %parallel_loop3A_168 = vector.extract_strided_slice %parallel_loop3A_76 {offsets = [3], sizes = [1], strides = [1]} : vector<16xi32> to vector<1xi32>
        %parallel_loop3A_169 = vector.extract %parallel_loop3A_168[0] : i32 from vector<1xi32>
        %parallel_loop3A_170 = vector.extract_strided_slice %parallel_loop3A_81 {offsets = [3], sizes = [1], strides = [1]} : vector<16xi32> to vector<1xi32>
        %parallel_loop3A_171 = vector.extract %parallel_loop3A_170[0] : i32 from vector<1xi32>
        %parallel_loop3A_172 = arith.index_cast %parallel_loop3A_169 : i32 to index
        %parallel_loop3A_173 = arith.constant 0 : index
        %parallel_loop3A_174 = tpu.vector_load %arg8[%parallel_loop3A_172, %parallel_loop3A_173] {strides = array<i32>} : memref<1000x32xf32, #tpu.memory_space<vmem>>, vector<16xf32>,
        %parallel_loop3A_175 = arith.index_cast %parallel_loop3A_169 : i32 to index
        %parallel_loop3A_176 = arith.constant 16 : index
        %parallel_loop3A_177 = tpu.vector_load %arg8[%parallel_loop3A_175, %parallel_loop3A_176] {strides = array<i32>} : memref<1000x32xf32, #tpu.memory_space<vmem>>, vector<16xf32>,
        %parallel_loop3A_178 = arith.index_cast %parallel_loop3A_171 : i32 to index
        %parallel_loop3A_179 = arith.constant 0 : index
        %parallel_loop3A_180 = tpu.vector_load %arg9[%parallel_loop3A_178, %parallel_loop3A_179] {strides = array<i32>} : memref<1000x32xf32, #tpu.memory_space<vmem>>, vector<16xf32>,
        %parallel_loop3A_181 = arith.index_cast %parallel_loop3A_171 : i32 to index
        %parallel_loop3A_182 = arith.constant 16 : index
        %parallel_loop3A_183 = tpu.vector_load %arg9[%parallel_loop3A_181, %parallel_loop3A_182] {strides = array<i32>} : memref<1000x32xf32, #tpu.memory_space<vmem>>, vector<16xf32>,
        %parallel_loop3A_184 = arith.mulf %parallel_loop3A_174, %parallel_loop3A_180 : vector<16xf32>
        %parallel_loop3A_185 = arith.mulf %parallel_loop3A_177, %parallel_loop3A_183 : vector<16xf32>
        %parallel_loop3A_186 = arith.addf %parallel_loop3A_184, %parallel_loop3A_185 : vector<16xf32>
        %parallel_loop3A_187 = arith.constant true
        %parallel_loop3A_188 = vector.broadcast %parallel_loop3A_187 : i1 to vector<16xi1>
        %parallel_loop3A_189 = tpu.scan <sum>, %parallel_loop3A_186 masked %parallel_loop3A_188 : vector<16xf32>, vector<16xi1> -> vector<16xf32>
        %parallel_loop3A_190 = vector.extract %parallel_loop3A_189[15] : f32 from vector<16xf32>
        %parallel_loop3A_191 = arith.constant 3 : i32
        %parallel_loop3A_192 = vector.broadcast %parallel_loop3A_191 : i32 to vector<16xi32>
        %parallel_loop3A_193 = arith.cmpi eq, %iota3A, %parallel_loop3A_192 : vector<16xi32>
        %parallel_loop3A_194 = vector.broadcast %parallel_loop3A_190 : f32 to vector<16xf32>
        %parallel_loop3A_195 = arith.select %parallel_loop3A_193, %parallel_loop3A_194, %parallel_loop3A_167 : vector<16xi1>, vector<16xf32>
        %parallel_loop3A_196 = vector.extract_strided_slice %parallel_loop3A_76 {offsets = [4], sizes = [1], strides = [1]} : vector<16xi32> to vector<1xi32>
        %parallel_loop3A_197 = vector.extract %parallel_loop3A_196[0] : i32 from vector<1xi32>
        %parallel_loop3A_198 = vector.extract_strided_slice %parallel_loop3A_81 {offsets = [4], sizes = [1], strides = [1]} : vector<16xi32> to vector<1xi32>
        %parallel_loop3A_199 = vector.extract %parallel_loop3A_198[0] : i32 from vector<1xi32>
        %parallel_loop3A_200 = arith.index_cast %parallel_loop3A_197 : i32 to index
        %parallel_loop3A_201 = arith.constant 0 : index
        %parallel_loop3A_202 = tpu.vector_load %arg8[%parallel_loop3A_200, %parallel_loop3A_201] {strides = array<i32>} : memref<1000x32xf32, #tpu.memory_space<vmem>>, vector<16xf32>,
        %parallel_loop3A_203 = arith.index_cast %parallel_loop3A_197 : i32 to index
        %parallel_loop3A_204 = arith.constant 16 : index
        %parallel_loop3A_205 = tpu.vector_load %arg8[%parallel_loop3A_203, %parallel_loop3A_204] {strides = array<i32>} : memref<1000x32xf32, #tpu.memory_space<vmem>>, vector<16xf32>,
        %parallel_loop3A_206 = arith.index_cast %parallel_loop3A_199 : i32 to index
        %parallel_loop3A_207 = arith.constant 0 : index
        %parallel_loop3A_208 = tpu.vector_load %arg9[%parallel_loop3A_206, %parallel_loop3A_207] {strides = array<i32>} : memref<1000x32xf32, #tpu.memory_space<vmem>>, vector<16xf32>,
        %parallel_loop3A_209 = arith.index_cast %parallel_loop3A_199 : i32 to index
        %parallel_loop3A_210 = arith.constant 16 : index
        %parallel_loop3A_211 = tpu.vector_load %arg9[%parallel_loop3A_209, %parallel_loop3A_210] {strides = array<i32>} : memref<1000x32xf32, #tpu.memory_space<vmem>>, vector<16xf32>,
        %parallel_loop3A_212 = arith.mulf %parallel_loop3A_202, %parallel_loop3A_208 : vector<16xf32>
        %parallel_loop3A_213 = arith.mulf %parallel_loop3A_205, %parallel_loop3A_211 : vector<16xf32>
        %parallel_loop3A_214 = arith.addf %parallel_loop3A_212, %parallel_loop3A_213 : vector<16xf32>
        %parallel_loop3A_215 = arith.constant true
        %parallel_loop3A_216 = vector.broadcast %parallel_loop3A_215 : i1 to vector<16xi1>
        %parallel_loop3A_217 = tpu.scan <sum>, %parallel_loop3A_214 masked %parallel_loop3A_216 : vector<16xf32>, vector<16xi1> -> vector<16xf32>
        %parallel_loop3A_218 = vector.extract %parallel_loop3A_217[15] : f32 from vector<16xf32>
        %parallel_loop3A_219 = arith.constant 4 : i32
        %parallel_loop3A_220 = vector.broadcast %parallel_loop3A_219 : i32 to vector<16xi32>
        %parallel_loop3A_221 = arith.cmpi eq, %iota3A, %parallel_loop3A_220 : vector<16xi32>
        %parallel_loop3A_222 = vector.broadcast %parallel_loop3A_218 : f32 to vector<16xf32>
        %parallel_loop3A_223 = arith.select %parallel_loop3A_221, %parallel_loop3A_222, %parallel_loop3A_195 : vector<16xi1>, vector<16xf32>
        %parallel_loop3A_224 = vector.extract_strided_slice %parallel_loop3A_76 {offsets = [5], sizes = [1], strides = [1]} : vector<16xi32> to vector<1xi32>
        %parallel_loop3A_225 = vector.extract %parallel_loop3A_224[0] : i32 from vector<1xi32>
        %parallel_loop3A_226 = vector.extract_strided_slice %parallel_loop3A_81 {offsets = [5], sizes = [1], strides = [1]} : vector<16xi32> to vector<1xi32>
        %parallel_loop3A_227 = vector.extract %parallel_loop3A_226[0] : i32 from vector<1xi32>
        %parallel_loop3A_228 = arith.index_cast %parallel_loop3A_225 : i32 to index
        %parallel_loop3A_229 = arith.constant 0 : index
        %parallel_loop3A_230 = tpu.vector_load %arg8[%parallel_loop3A_228, %parallel_loop3A_229] {strides = array<i32>} : memref<1000x32xf32, #tpu.memory_space<vmem>>, vector<16xf32>,
        %parallel_loop3A_231 = arith.index_cast %parallel_loop3A_225 : i32 to index
        %parallel_loop3A_232 = arith.constant 16 : index
        %parallel_loop3A_233 = tpu.vector_load %arg8[%parallel_loop3A_231, %parallel_loop3A_232] {strides = array<i32>} : memref<1000x32xf32, #tpu.memory_space<vmem>>, vector<16xf32>,
        %parallel_loop3A_234 = arith.index_cast %parallel_loop3A_227 : i32 to index
        %parallel_loop3A_235 = arith.constant 0 : index
        %parallel_loop3A_236 = tpu.vector_load %arg9[%parallel_loop3A_234, %parallel_loop3A_235] {strides = array<i32>} : memref<1000x32xf32, #tpu.memory_space<vmem>>, vector<16xf32>,
        %parallel_loop3A_237 = arith.index_cast %parallel_loop3A_227 : i32 to index
        %parallel_loop3A_238 = arith.constant 16 : index
        %parallel_loop3A_239 = tpu.vector_load %arg9[%parallel_loop3A_237, %parallel_loop3A_238] {strides = array<i32>} : memref<1000x32xf32, #tpu.memory_space<vmem>>, vector<16xf32>,
        %parallel_loop3A_240 = arith.mulf %parallel_loop3A_230, %parallel_loop3A_236 : vector<16xf32>
        %parallel_loop3A_241 = arith.mulf %parallel_loop3A_233, %parallel_loop3A_239 : vector<16xf32>
        %parallel_loop3A_242 = arith.addf %parallel_loop3A_240, %parallel_loop3A_241 : vector<16xf32>
        %parallel_loop3A_243 = arith.constant true
        %parallel_loop3A_244 = vector.broadcast %parallel_loop3A_243 : i1 to vector<16xi1>
        %parallel_loop3A_245 = tpu.scan <sum>, %parallel_loop3A_242 masked %parallel_loop3A_244 : vector<16xf32>, vector<16xi1> -> vector<16xf32>
        %parallel_loop3A_246 = vector.extract %parallel_loop3A_245[15] : f32 from vector<16xf32>
        %parallel_loop3A_247 = arith.constant 5 : i32
        %parallel_loop3A_248 = vector.broadcast %parallel_loop3A_247 : i32 to vector<16xi32>
        %parallel_loop3A_249 = arith.cmpi eq, %iota3A, %parallel_loop3A_248 : vector<16xi32>
        %parallel_loop3A_250 = vector.broadcast %parallel_loop3A_246 : f32 to vector<16xf32>
        %parallel_loop3A_251 = arith.select %parallel_loop3A_249, %parallel_loop3A_250, %parallel_loop3A_223 : vector<16xi1>, vector<16xf32>
        %parallel_loop3A_252 = vector.extract_strided_slice %parallel_loop3A_76 {offsets = [6], sizes = [1], strides = [1]} : vector<16xi32> to vector<1xi32>
        %parallel_loop3A_253 = vector.extract %parallel_loop3A_252[0] : i32 from vector<1xi32>
        %parallel_loop3A_254 = vector.extract_strided_slice %parallel_loop3A_81 {offsets = [6], sizes = [1], strides = [1]} : vector<16xi32> to vector<1xi32>
        %parallel_loop3A_255 = vector.extract %parallel_loop3A_254[0] : i32 from vector<1xi32>
        %parallel_loop3A_256 = arith.index_cast %parallel_loop3A_253 : i32 to index
        %parallel_loop3A_257 = arith.constant 0 : index
        %parallel_loop3A_258 = tpu.vector_load %arg8[%parallel_loop3A_256, %parallel_loop3A_257] {strides = array<i32>} : memref<1000x32xf32, #tpu.memory_space<vmem>>, vector<16xf32>,
        %parallel_loop3A_259 = arith.index_cast %parallel_loop3A_253 : i32 to index
        %parallel_loop3A_260 = arith.constant 16 : index
        %parallel_loop3A_261 = tpu.vector_load %arg8[%parallel_loop3A_259, %parallel_loop3A_260] {strides = array<i32>} : memref<1000x32xf32, #tpu.memory_space<vmem>>, vector<16xf32>,
        %parallel_loop3A_262 = arith.index_cast %parallel_loop3A_255 : i32 to index
        %parallel_loop3A_263 = arith.constant 0 : index
        %parallel_loop3A_264 = tpu.vector_load %arg9[%parallel_loop3A_262, %parallel_loop3A_263] {strides = array<i32>} : memref<1000x32xf32, #tpu.memory_space<vmem>>, vector<16xf32>,
        %parallel_loop3A_265 = arith.index_cast %parallel_loop3A_255 : i32 to index
        %parallel_loop3A_266 = arith.constant 16 : index
        %parallel_loop3A_267 = tpu.vector_load %arg9[%parallel_loop3A_265, %parallel_loop3A_266] {strides = array<i32>} : memref<1000x32xf32, #tpu.memory_space<vmem>>, vector<16xf32>,
        %parallel_loop3A_268 = arith.mulf %parallel_loop3A_258, %parallel_loop3A_264 : vector<16xf32>
        %parallel_loop3A_269 = arith.mulf %parallel_loop3A_261, %parallel_loop3A_267 : vector<16xf32>
        %parallel_loop3A_270 = arith.addf %parallel_loop3A_268, %parallel_loop3A_269 : vector<16xf32>
        %parallel_loop3A_271 = arith.constant true
        %parallel_loop3A_272 = vector.broadcast %parallel_loop3A_271 : i1 to vector<16xi1>
        %parallel_loop3A_273 = tpu.scan <sum>, %parallel_loop3A_270 masked %parallel_loop3A_272 : vector<16xf32>, vector<16xi1> -> vector<16xf32>
        %parallel_loop3A_274 = vector.extract %parallel_loop3A_273[15] : f32 from vector<16xf32>
        %parallel_loop3A_275 = arith.constant 6 : i32
        %parallel_loop3A_276 = vector.broadcast %parallel_loop3A_275 : i32 to vector<16xi32>
        %parallel_loop3A_277 = arith.cmpi eq, %iota3A, %parallel_loop3A_276 : vector<16xi32>
        %parallel_loop3A_278 = vector.broadcast %parallel_loop3A_274 : f32 to vector<16xf32>
        %parallel_loop3A_279 = arith.select %parallel_loop3A_277, %parallel_loop3A_278, %parallel_loop3A_251 : vector<16xi1>, vector<16xf32>
        %parallel_loop3A_280 = vector.extract_strided_slice %parallel_loop3A_76 {offsets = [7], sizes = [1], strides = [1]} : vector<16xi32> to vector<1xi32>
        %parallel_loop3A_281 = vector.extract %parallel_loop3A_280[0] : i32 from vector<1xi32>
        %parallel_loop3A_282 = vector.extract_strided_slice %parallel_loop3A_81 {offsets = [7], sizes = [1], strides = [1]} : vector<16xi32> to vector<1xi32>
        %parallel_loop3A_283 = vector.extract %parallel_loop3A_282[0] : i32 from vector<1xi32>
        %parallel_loop3A_284 = arith.index_cast %parallel_loop3A_281 : i32 to index
        %parallel_loop3A_285 = arith.constant 0 : index
        %parallel_loop3A_286 = tpu.vector_load %arg8[%parallel_loop3A_284, %parallel_loop3A_285] {strides = array<i32>} : memref<1000x32xf32, #tpu.memory_space<vmem>>, vector<16xf32>,
        %parallel_loop3A_287 = arith.index_cast %parallel_loop3A_281 : i32 to index
        %parallel_loop3A_288 = arith.constant 16 : index
        %parallel_loop3A_289 = tpu.vector_load %arg8[%parallel_loop3A_287, %parallel_loop3A_288] {strides = array<i32>} : memref<1000x32xf32, #tpu.memory_space<vmem>>, vector<16xf32>,
        %parallel_loop3A_290 = arith.index_cast %parallel_loop3A_283 : i32 to index
        %parallel_loop3A_291 = arith.constant 0 : index
        %parallel_loop3A_292 = tpu.vector_load %arg9[%parallel_loop3A_290, %parallel_loop3A_291] {strides = array<i32>} : memref<1000x32xf32, #tpu.memory_space<vmem>>, vector<16xf32>,
        %parallel_loop3A_293 = arith.index_cast %parallel_loop3A_283 : i32 to index
        %parallel_loop3A_294 = arith.constant 16 : index
        %parallel_loop3A_295 = tpu.vector_load %arg9[%parallel_loop3A_293, %parallel_loop3A_294] {strides = array<i32>} : memref<1000x32xf32, #tpu.memory_space<vmem>>, vector<16xf32>,
        %parallel_loop3A_296 = arith.mulf %parallel_loop3A_286, %parallel_loop3A_292 : vector<16xf32>
        %parallel_loop3A_297 = arith.mulf %parallel_loop3A_289, %parallel_loop3A_295 : vector<16xf32>
        %parallel_loop3A_298 = arith.addf %parallel_loop3A_296, %parallel_loop3A_297 : vector<16xf32>
        %parallel_loop3A_299 = arith.constant true
        %parallel_loop3A_300 = vector.broadcast %parallel_loop3A_299 : i1 to vector<16xi1>
        %parallel_loop3A_301 = tpu.scan <sum>, %parallel_loop3A_298 masked %parallel_loop3A_300 : vector<16xf32>, vector<16xi1> -> vector<16xf32>
        %parallel_loop3A_302 = vector.extract %parallel_loop3A_301[15] : f32 from vector<16xf32>
        %parallel_loop3A_303 = arith.constant 7 : i32
        %parallel_loop3A_304 = vector.broadcast %parallel_loop3A_303 : i32 to vector<16xi32>
        %parallel_loop3A_305 = arith.cmpi eq, %iota3A, %parallel_loop3A_304 : vector<16xi32>
        %parallel_loop3A_306 = vector.broadcast %parallel_loop3A_302 : f32 to vector<16xf32>
        %parallel_loop3A_307 = arith.select %parallel_loop3A_305, %parallel_loop3A_306, %parallel_loop3A_279 : vector<16xi1>, vector<16xf32>
        %parallel_loop3A_308 = vector.extract_strided_slice %parallel_loop3A_76 {offsets = [8], sizes = [1], strides = [1]} : vector<16xi32> to vector<1xi32>
        %parallel_loop3A_309 = vector.extract %parallel_loop3A_308[0] : i32 from vector<1xi32>
        %parallel_loop3A_310 = vector.extract_strided_slice %parallel_loop3A_81 {offsets = [8], sizes = [1], strides = [1]} : vector<16xi32> to vector<1xi32>
        %parallel_loop3A_311 = vector.extract %parallel_loop3A_310[0] : i32 from vector<1xi32>
        %parallel_loop3A_312 = arith.index_cast %parallel_loop3A_309 : i32 to index
        %parallel_loop3A_313 = arith.constant 0 : index
        %parallel_loop3A_314 = tpu.vector_load %arg8[%parallel_loop3A_312, %parallel_loop3A_313] {strides = array<i32>} : memref<1000x32xf32, #tpu.memory_space<vmem>>, vector<16xf32>,
        %parallel_loop3A_315 = arith.index_cast %parallel_loop3A_309 : i32 to index
        %parallel_loop3A_316 = arith.constant 16 : index
        %parallel_loop3A_317 = tpu.vector_load %arg8[%parallel_loop3A_315, %parallel_loop3A_316] {strides = array<i32>} : memref<1000x32xf32, #tpu.memory_space<vmem>>, vector<16xf32>,
        %parallel_loop3A_318 = arith.index_cast %parallel_loop3A_311 : i32 to index
        %parallel_loop3A_319 = arith.constant 0 : index
        %parallel_loop3A_320 = tpu.vector_load %arg9[%parallel_loop3A_318, %parallel_loop3A_319] {strides = array<i32>} : memref<1000x32xf32, #tpu.memory_space<vmem>>, vector<16xf32>,
        %parallel_loop3A_321 = arith.index_cast %parallel_loop3A_311 : i32 to index
        %parallel_loop3A_322 = arith.constant 16 : index
        %parallel_loop3A_323 = tpu.vector_load %arg9[%parallel_loop3A_321, %parallel_loop3A_322] {strides = array<i32>} : memref<1000x32xf32, #tpu.memory_space<vmem>>, vector<16xf32>,
        %parallel_loop3A_324 = arith.mulf %parallel_loop3A_314, %parallel_loop3A_320 : vector<16xf32>
        %parallel_loop3A_325 = arith.mulf %parallel_loop3A_317, %parallel_loop3A_323 : vector<16xf32>
        %parallel_loop3A_326 = arith.addf %parallel_loop3A_324, %parallel_loop3A_325 : vector<16xf32>
        %parallel_loop3A_327 = arith.constant true
        %parallel_loop3A_328 = vector.broadcast %parallel_loop3A_327 : i1 to vector<16xi1>
        %parallel_loop3A_329 = tpu.scan <sum>, %parallel_loop3A_326 masked %parallel_loop3A_328 : vector<16xf32>, vector<16xi1> -> vector<16xf32>
        %parallel_loop3A_330 = vector.extract %parallel_loop3A_329[15] : f32 from vector<16xf32>
        %parallel_loop3A_331 = arith.constant 8 : i32
        %parallel_loop3A_332 = vector.broadcast %parallel_loop3A_331 : i32 to vector<16xi32>
        %parallel_loop3A_333 = arith.cmpi eq, %iota3A, %parallel_loop3A_332 : vector<16xi32>
        %parallel_loop3A_334 = vector.broadcast %parallel_loop3A_330 : f32 to vector<16xf32>
        %parallel_loop3A_335 = arith.select %parallel_loop3A_333, %parallel_loop3A_334, %parallel_loop3A_307 : vector<16xi1>, vector<16xf32>
        %parallel_loop3A_336 = vector.extract_strided_slice %parallel_loop3A_76 {offsets = [9], sizes = [1], strides = [1]} : vector<16xi32> to vector<1xi32>
        %parallel_loop3A_337 = vector.extract %parallel_loop3A_336[0] : i32 from vector<1xi32>
        %parallel_loop3A_338 = vector.extract_strided_slice %parallel_loop3A_81 {offsets = [9], sizes = [1], strides = [1]} : vector<16xi32> to vector<1xi32>
        %parallel_loop3A_339 = vector.extract %parallel_loop3A_338[0] : i32 from vector<1xi32>
        %parallel_loop3A_340 = arith.index_cast %parallel_loop3A_337 : i32 to index
        %parallel_loop3A_341 = arith.constant 0 : index
        %parallel_loop3A_342 = tpu.vector_load %arg8[%parallel_loop3A_340, %parallel_loop3A_341] {strides = array<i32>} : memref<1000x32xf32, #tpu.memory_space<vmem>>, vector<16xf32>,
        %parallel_loop3A_343 = arith.index_cast %parallel_loop3A_337 : i32 to index
        %parallel_loop3A_344 = arith.constant 16 : index
        %parallel_loop3A_345 = tpu.vector_load %arg8[%parallel_loop3A_343, %parallel_loop3A_344] {strides = array<i32>} : memref<1000x32xf32, #tpu.memory_space<vmem>>, vector<16xf32>,
        %parallel_loop3A_346 = arith.index_cast %parallel_loop3A_339 : i32 to index
        %parallel_loop3A_347 = arith.constant 0 : index
        %parallel_loop3A_348 = tpu.vector_load %arg9[%parallel_loop3A_346, %parallel_loop3A_347] {strides = array<i32>} : memref<1000x32xf32, #tpu.memory_space<vmem>>, vector<16xf32>,
        %parallel_loop3A_349 = arith.index_cast %parallel_loop3A_339 : i32 to index
        %parallel_loop3A_350 = arith.constant 16 : index
        %parallel_loop3A_351 = tpu.vector_load %arg9[%parallel_loop3A_349, %parallel_loop3A_350] {strides = array<i32>} : memref<1000x32xf32, #tpu.memory_space<vmem>>, vector<16xf32>,
        %parallel_loop3A_352 = arith.mulf %parallel_loop3A_342, %parallel_loop3A_348 : vector<16xf32>
        %parallel_loop3A_353 = arith.mulf %parallel_loop3A_345, %parallel_loop3A_351 : vector<16xf32>
        %parallel_loop3A_354 = arith.addf %parallel_loop3A_352, %parallel_loop3A_353 : vector<16xf32>
        %parallel_loop3A_355 = arith.constant true
        %parallel_loop3A_356 = vector.broadcast %parallel_loop3A_355 : i1 to vector<16xi1>
        %parallel_loop3A_357 = tpu.scan <sum>, %parallel_loop3A_354 masked %parallel_loop3A_356 : vector<16xf32>, vector<16xi1> -> vector<16xf32>
        %parallel_loop3A_358 = vector.extract %parallel_loop3A_357[15] : f32 from vector<16xf32>
        %parallel_loop3A_359 = arith.constant 9 : i32
        %parallel_loop3A_360 = vector.broadcast %parallel_loop3A_359 : i32 to vector<16xi32>
        %parallel_loop3A_361 = arith.cmpi eq, %iota3A, %parallel_loop3A_360 : vector<16xi32>
        %parallel_loop3A_362 = vector.broadcast %parallel_loop3A_358 : f32 to vector<16xf32>
        %parallel_loop3A_363 = arith.select %parallel_loop3A_361, %parallel_loop3A_362, %parallel_loop3A_335 : vector<16xi1>, vector<16xf32>
        %parallel_loop3A_364 = vector.extract_strided_slice %parallel_loop3A_76 {offsets = [10], sizes = [1], strides = [1]} : vector<16xi32> to vector<1xi32>
        %parallel_loop3A_365 = vector.extract %parallel_loop3A_364[0] : i32 from vector<1xi32>
        %parallel_loop3A_366 = vector.extract_strided_slice %parallel_loop3A_81 {offsets = [10], sizes = [1], strides = [1]} : vector<16xi32> to vector<1xi32>
        %parallel_loop3A_367 = vector.extract %parallel_loop3A_366[0] : i32 from vector<1xi32>
        %parallel_loop3A_368 = arith.index_cast %parallel_loop3A_365 : i32 to index
        %parallel_loop3A_369 = arith.constant 0 : index
        %parallel_loop3A_370 = tpu.vector_load %arg8[%parallel_loop3A_368, %parallel_loop3A_369] {strides = array<i32>} : memref<1000x32xf32, #tpu.memory_space<vmem>>, vector<16xf32>,
        %parallel_loop3A_371 = arith.index_cast %parallel_loop3A_365 : i32 to index
        %parallel_loop3A_372 = arith.constant 16 : index
        %parallel_loop3A_373 = tpu.vector_load %arg8[%parallel_loop3A_371, %parallel_loop3A_372] {strides = array<i32>} : memref<1000x32xf32, #tpu.memory_space<vmem>>, vector<16xf32>,
        %parallel_loop3A_374 = arith.index_cast %parallel_loop3A_367 : i32 to index
        %parallel_loop3A_375 = arith.constant 0 : index
        %parallel_loop3A_376 = tpu.vector_load %arg9[%parallel_loop3A_374, %parallel_loop3A_375] {strides = array<i32>} : memref<1000x32xf32, #tpu.memory_space<vmem>>, vector<16xf32>,
        %parallel_loop3A_377 = arith.index_cast %parallel_loop3A_367 : i32 to index
        %parallel_loop3A_378 = arith.constant 16 : index
        %parallel_loop3A_379 = tpu.vector_load %arg9[%parallel_loop3A_377, %parallel_loop3A_378] {strides = array<i32>} : memref<1000x32xf32, #tpu.memory_space<vmem>>, vector<16xf32>,
        %parallel_loop3A_380 = arith.mulf %parallel_loop3A_370, %parallel_loop3A_376 : vector<16xf32>
        %parallel_loop3A_381 = arith.mulf %parallel_loop3A_373, %parallel_loop3A_379 : vector<16xf32>
        %parallel_loop3A_382 = arith.addf %parallel_loop3A_380, %parallel_loop3A_381 : vector<16xf32>
        %parallel_loop3A_383 = arith.constant true
        %parallel_loop3A_384 = vector.broadcast %parallel_loop3A_383 : i1 to vector<16xi1>
        %parallel_loop3A_385 = tpu.scan <sum>, %parallel_loop3A_382 masked %parallel_loop3A_384 : vector<16xf32>, vector<16xi1> -> vector<16xf32>
        %parallel_loop3A_386 = vector.extract %parallel_loop3A_385[15] : f32 from vector<16xf32>
        %parallel_loop3A_387 = arith.constant 10 : i32
        %parallel_loop3A_388 = vector.broadcast %parallel_loop3A_387 : i32 to vector<16xi32>
        %parallel_loop3A_389 = arith.cmpi eq, %iota3A, %parallel_loop3A_388 : vector<16xi32>
        %parallel_loop3A_390 = vector.broadcast %parallel_loop3A_386 : f32 to vector<16xf32>
        %parallel_loop3A_391 = arith.select %parallel_loop3A_389, %parallel_loop3A_390, %parallel_loop3A_363 : vector<16xi1>, vector<16xf32>
        %parallel_loop3A_392 = vector.extract_strided_slice %parallel_loop3A_76 {offsets = [11], sizes = [1], strides = [1]} : vector<16xi32> to vector<1xi32>
        %parallel_loop3A_393 = vector.extract %parallel_loop3A_392[0] : i32 from vector<1xi32>
        %parallel_loop3A_394 = vector.extract_strided_slice %parallel_loop3A_81 {offsets = [11], sizes = [1], strides = [1]} : vector<16xi32> to vector<1xi32>
        %parallel_loop3A_395 = vector.extract %parallel_loop3A_394[0] : i32 from vector<1xi32>
        %parallel_loop3A_396 = arith.index_cast %parallel_loop3A_393 : i32 to index
        %parallel_loop3A_397 = arith.constant 0 : index
        %parallel_loop3A_398 = tpu.vector_load %arg8[%parallel_loop3A_396, %parallel_loop3A_397] {strides = array<i32>} : memref<1000x32xf32, #tpu.memory_space<vmem>>, vector<16xf32>,
        %parallel_loop3A_399 = arith.index_cast %parallel_loop3A_393 : i32 to index
        %parallel_loop3A_400 = arith.constant 16 : index
        %parallel_loop3A_401 = tpu.vector_load %arg8[%parallel_loop3A_399, %parallel_loop3A_400] {strides = array<i32>} : memref<1000x32xf32, #tpu.memory_space<vmem>>, vector<16xf32>,
        %parallel_loop3A_402 = arith.index_cast %parallel_loop3A_395 : i32 to index
        %parallel_loop3A_403 = arith.constant 0 : index
        %parallel_loop3A_404 = tpu.vector_load %arg9[%parallel_loop3A_402, %parallel_loop3A_403] {strides = array<i32>} : memref<1000x32xf32, #tpu.memory_space<vmem>>, vector<16xf32>,
        %parallel_loop3A_405 = arith.index_cast %parallel_loop3A_395 : i32 to index
        %parallel_loop3A_406 = arith.constant 16 : index
        %parallel_loop3A_407 = tpu.vector_load %arg9[%parallel_loop3A_405, %parallel_loop3A_406] {strides = array<i32>} : memref<1000x32xf32, #tpu.memory_space<vmem>>, vector<16xf32>,
        %parallel_loop3A_408 = arith.mulf %parallel_loop3A_398, %parallel_loop3A_404 : vector<16xf32>
        %parallel_loop3A_409 = arith.mulf %parallel_loop3A_401, %parallel_loop3A_407 : vector<16xf32>
        %parallel_loop3A_410 = arith.addf %parallel_loop3A_408, %parallel_loop3A_409 : vector<16xf32>
        %parallel_loop3A_411 = arith.constant true
        %parallel_loop3A_412 = vector.broadcast %parallel_loop3A_411 : i1 to vector<16xi1>
        %parallel_loop3A_413 = tpu.scan <sum>, %parallel_loop3A_410 masked %parallel_loop3A_412 : vector<16xf32>, vector<16xi1> -> vector<16xf32>
        %parallel_loop3A_414 = vector.extract %parallel_loop3A_413[15] : f32 from vector<16xf32>
        %parallel_loop3A_415 = arith.constant 11 : i32
        %parallel_loop3A_416 = vector.broadcast %parallel_loop3A_415 : i32 to vector<16xi32>
        %parallel_loop3A_417 = arith.cmpi eq, %iota3A, %parallel_loop3A_416 : vector<16xi32>
        %parallel_loop3A_418 = vector.broadcast %parallel_loop3A_414 : f32 to vector<16xf32>
        %parallel_loop3A_419 = arith.select %parallel_loop3A_417, %parallel_loop3A_418, %parallel_loop3A_391 : vector<16xi1>, vector<16xf32>
        %parallel_loop3A_420 = vector.extract_strided_slice %parallel_loop3A_76 {offsets = [12], sizes = [1], strides = [1]} : vector<16xi32> to vector<1xi32>
        %parallel_loop3A_421 = vector.extract %parallel_loop3A_420[0] : i32 from vector<1xi32>
        %parallel_loop3A_422 = vector.extract_strided_slice %parallel_loop3A_81 {offsets = [12], sizes = [1], strides = [1]} : vector<16xi32> to vector<1xi32>
        %parallel_loop3A_423 = vector.extract %parallel_loop3A_422[0] : i32 from vector<1xi32>
        %parallel_loop3A_424 = arith.index_cast %parallel_loop3A_421 : i32 to index
        %parallel_loop3A_425 = arith.constant 0 : index
        %parallel_loop3A_426 = tpu.vector_load %arg8[%parallel_loop3A_424, %parallel_loop3A_425] {strides = array<i32>} : memref<1000x32xf32, #tpu.memory_space<vmem>>, vector<16xf32>,
        %parallel_loop3A_427 = arith.index_cast %parallel_loop3A_421 : i32 to index
        %parallel_loop3A_428 = arith.constant 16 : index
        %parallel_loop3A_429 = tpu.vector_load %arg8[%parallel_loop3A_427, %parallel_loop3A_428] {strides = array<i32>} : memref<1000x32xf32, #tpu.memory_space<vmem>>, vector<16xf32>,
        %parallel_loop3A_430 = arith.index_cast %parallel_loop3A_423 : i32 to index
        %parallel_loop3A_431 = arith.constant 0 : index
        %parallel_loop3A_432 = tpu.vector_load %arg9[%parallel_loop3A_430, %parallel_loop3A_431] {strides = array<i32>} : memref<1000x32xf32, #tpu.memory_space<vmem>>, vector<16xf32>,
        %parallel_loop3A_433 = arith.index_cast %parallel_loop3A_423 : i32 to index
        %parallel_loop3A_434 = arith.constant 16 : index
        %parallel_loop3A_435 = tpu.vector_load %arg9[%parallel_loop3A_433, %parallel_loop3A_434] {strides = array<i32>} : memref<1000x32xf32, #tpu.memory_space<vmem>>, vector<16xf32>,
        %parallel_loop3A_436 = arith.mulf %parallel_loop3A_426, %parallel_loop3A_432 : vector<16xf32>
        %parallel_loop3A_437 = arith.mulf %parallel_loop3A_429, %parallel_loop3A_435 : vector<16xf32>
        %parallel_loop3A_438 = arith.addf %parallel_loop3A_436, %parallel_loop3A_437 : vector<16xf32>
        %parallel_loop3A_439 = arith.constant true
        %parallel_loop3A_440 = vector.broadcast %parallel_loop3A_439 : i1 to vector<16xi1>
        %parallel_loop3A_441 = tpu.scan <sum>, %parallel_loop3A_438 masked %parallel_loop3A_440 : vector<16xf32>, vector<16xi1> -> vector<16xf32>
        %parallel_loop3A_442 = vector.extract %parallel_loop3A_441[15] : f32 from vector<16xf32>
        %parallel_loop3A_443 = arith.constant 12 : i32
        %parallel_loop3A_444 = vector.broadcast %parallel_loop3A_443 : i32 to vector<16xi32>
        %parallel_loop3A_445 = arith.cmpi eq, %iota3A, %parallel_loop3A_444 : vector<16xi32>
        %parallel_loop3A_446 = vector.broadcast %parallel_loop3A_442 : f32 to vector<16xf32>
        %parallel_loop3A_447 = arith.select %parallel_loop3A_445, %parallel_loop3A_446, %parallel_loop3A_419 : vector<16xi1>, vector<16xf32>
        %parallel_loop3A_448 = vector.extract_strided_slice %parallel_loop3A_76 {offsets = [13], sizes = [1], strides = [1]} : vector<16xi32> to vector<1xi32>
        %parallel_loop3A_449 = vector.extract %parallel_loop3A_448[0] : i32 from vector<1xi32>
        %parallel_loop3A_450 = vector.extract_strided_slice %parallel_loop3A_81 {offsets = [13], sizes = [1], strides = [1]} : vector<16xi32> to vector<1xi32>
        %parallel_loop3A_451 = vector.extract %parallel_loop3A_450[0] : i32 from vector<1xi32>
        %parallel_loop3A_452 = arith.index_cast %parallel_loop3A_449 : i32 to index
        %parallel_loop3A_453 = arith.constant 0 : index
        %parallel_loop3A_454 = tpu.vector_load %arg8[%parallel_loop3A_452, %parallel_loop3A_453] {strides = array<i32>} : memref<1000x32xf32, #tpu.memory_space<vmem>>, vector<16xf32>,
        %parallel_loop3A_455 = arith.index_cast %parallel_loop3A_449 : i32 to index
        %parallel_loop3A_456 = arith.constant 16 : index
        %parallel_loop3A_457 = tpu.vector_load %arg8[%parallel_loop3A_455, %parallel_loop3A_456] {strides = array<i32>} : memref<1000x32xf32, #tpu.memory_space<vmem>>, vector<16xf32>,
        %parallel_loop3A_458 = arith.index_cast %parallel_loop3A_451 : i32 to index
        %parallel_loop3A_459 = arith.constant 0 : index
        %parallel_loop3A_460 = tpu.vector_load %arg9[%parallel_loop3A_458, %parallel_loop3A_459] {strides = array<i32>} : memref<1000x32xf32, #tpu.memory_space<vmem>>, vector<16xf32>,
        %parallel_loop3A_461 = arith.index_cast %parallel_loop3A_451 : i32 to index
        %parallel_loop3A_462 = arith.constant 16 : index
        %parallel_loop3A_463 = tpu.vector_load %arg9[%parallel_loop3A_461, %parallel_loop3A_462] {strides = array<i32>} : memref<1000x32xf32, #tpu.memory_space<vmem>>, vector<16xf32>,
        %parallel_loop3A_464 = arith.mulf %parallel_loop3A_454, %parallel_loop3A_460 : vector<16xf32>
        %parallel_loop3A_465 = arith.mulf %parallel_loop3A_457, %parallel_loop3A_463 : vector<16xf32>
        %parallel_loop3A_466 = arith.addf %parallel_loop3A_464, %parallel_loop3A_465 : vector<16xf32>
        %parallel_loop3A_467 = arith.constant true
        %parallel_loop3A_468 = vector.broadcast %parallel_loop3A_467 : i1 to vector<16xi1>
        %parallel_loop3A_469 = tpu.scan <sum>, %parallel_loop3A_466 masked %parallel_loop3A_468 : vector<16xf32>, vector<16xi1> -> vector<16xf32>
        %parallel_loop3A_470 = vector.extract %parallel_loop3A_469[15] : f32 from vector<16xf32>
        %parallel_loop3A_471 = arith.constant 13 : i32
        %parallel_loop3A_472 = vector.broadcast %parallel_loop3A_471 : i32 to vector<16xi32>
        %parallel_loop3A_473 = arith.cmpi eq, %iota3A, %parallel_loop3A_472 : vector<16xi32>
        %parallel_loop3A_474 = vector.broadcast %parallel_loop3A_470 : f32 to vector<16xf32>
        %parallel_loop3A_475 = arith.select %parallel_loop3A_473, %parallel_loop3A_474, %parallel_loop3A_447 : vector<16xi1>, vector<16xf32>
        %parallel_loop3A_476 = vector.extract_strided_slice %parallel_loop3A_76 {offsets = [14], sizes = [1], strides = [1]} : vector<16xi32> to vector<1xi32>
        %parallel_loop3A_477 = vector.extract %parallel_loop3A_476[0] : i32 from vector<1xi32>
        %parallel_loop3A_478 = vector.extract_strided_slice %parallel_loop3A_81 {offsets = [14], sizes = [1], strides = [1]} : vector<16xi32> to vector<1xi32>
        %parallel_loop3A_479 = vector.extract %parallel_loop3A_478[0] : i32 from vector<1xi32>
        %parallel_loop3A_480 = arith.index_cast %parallel_loop3A_477 : i32 to index
        %parallel_loop3A_481 = arith.constant 0 : index
        %parallel_loop3A_482 = tpu.vector_load %arg8[%parallel_loop3A_480, %parallel_loop3A_481] {strides = array<i32>} : memref<1000x32xf32, #tpu.memory_space<vmem>>, vector<16xf32>,
        %parallel_loop3A_483 = arith.index_cast %parallel_loop3A_477 : i32 to index
        %parallel_loop3A_484 = arith.constant 16 : index
        %parallel_loop3A_485 = tpu.vector_load %arg8[%parallel_loop3A_483, %parallel_loop3A_484] {strides = array<i32>} : memref<1000x32xf32, #tpu.memory_space<vmem>>, vector<16xf32>,
        %parallel_loop3A_486 = arith.index_cast %parallel_loop3A_479 : i32 to index
        %parallel_loop3A_487 = arith.constant 0 : index
        %parallel_loop3A_488 = tpu.vector_load %arg9[%parallel_loop3A_486, %parallel_loop3A_487] {strides = array<i32>} : memref<1000x32xf32, #tpu.memory_space<vmem>>, vector<16xf32>,
        %parallel_loop3A_489 = arith.index_cast %parallel_loop3A_479 : i32 to index
        %parallel_loop3A_490 = arith.constant 16 : index
        %parallel_loop3A_491 = tpu.vector_load %arg9[%parallel_loop3A_489, %parallel_loop3A_490] {strides = array<i32>} : memref<1000x32xf32, #tpu.memory_space<vmem>>, vector<16xf32>,
        %parallel_loop3A_492 = arith.mulf %parallel_loop3A_482, %parallel_loop3A_488 : vector<16xf32>
        %parallel_loop3A_493 = arith.mulf %parallel_loop3A_485, %parallel_loop3A_491 : vector<16xf32>
        %parallel_loop3A_494 = arith.addf %parallel_loop3A_492, %parallel_loop3A_493 : vector<16xf32>
        %parallel_loop3A_495 = arith.constant true
        %parallel_loop3A_496 = vector.broadcast %parallel_loop3A_495 : i1 to vector<16xi1>
        %parallel_loop3A_497 = tpu.scan <sum>, %parallel_loop3A_494 masked %parallel_loop3A_496 : vector<16xf32>, vector<16xi1> -> vector<16xf32>
        %parallel_loop3A_498 = vector.extract %parallel_loop3A_497[15] : f32 from vector<16xf32>
        %parallel_loop3A_499 = arith.constant 14 : i32
        %parallel_loop3A_500 = vector.broadcast %parallel_loop3A_499 : i32 to vector<16xi32>
        %parallel_loop3A_501 = arith.cmpi eq, %iota3A, %parallel_loop3A_500 : vector<16xi32>
        %parallel_loop3A_502 = vector.broadcast %parallel_loop3A_498 : f32 to vector<16xf32>
        %parallel_loop3A_503 = arith.select %parallel_loop3A_501, %parallel_loop3A_502, %parallel_loop3A_475 : vector<16xi1>, vector<16xf32>
        %parallel_loop3A_504 = vector.extract_strided_slice %parallel_loop3A_76 {offsets = [15], sizes = [1], strides = [1]} : vector<16xi32> to vector<1xi32>
        %parallel_loop3A_505 = vector.extract %parallel_loop3A_504[0] : i32 from vector<1xi32>
        %parallel_loop3A_506 = vector.extract_strided_slice %parallel_loop3A_81 {offsets = [15], sizes = [1], strides = [1]} : vector<16xi32> to vector<1xi32>
        %parallel_loop3A_507 = vector.extract %parallel_loop3A_506[0] : i32 from vector<1xi32>
        %parallel_loop3A_508 = arith.index_cast %parallel_loop3A_505 : i32 to index
        %parallel_loop3A_509 = arith.constant 0 : index
        %parallel_loop3A_510 = tpu.vector_load %arg8[%parallel_loop3A_508, %parallel_loop3A_509] {strides = array<i32>} : memref<1000x32xf32, #tpu.memory_space<vmem>>, vector<16xf32>,
        %parallel_loop3A_511 = arith.index_cast %parallel_loop3A_505 : i32 to index
        %parallel_loop3A_512 = arith.constant 16 : index
        %parallel_loop3A_513 = tpu.vector_load %arg8[%parallel_loop3A_511, %parallel_loop3A_512] {strides = array<i32>} : memref<1000x32xf32, #tpu.memory_space<vmem>>, vector<16xf32>,
        %parallel_loop3A_514 = arith.index_cast %parallel_loop3A_507 : i32 to index
        %parallel_loop3A_515 = arith.constant 0 : index
        %parallel_loop3A_516 = tpu.vector_load %arg9[%parallel_loop3A_514, %parallel_loop3A_515] {strides = array<i32>} : memref<1000x32xf32, #tpu.memory_space<vmem>>, vector<16xf32>,
        %parallel_loop3A_517 = arith.index_cast %parallel_loop3A_507 : i32 to index
        %parallel_loop3A_518 = arith.constant 16 : index
        %parallel_loop3A_519 = tpu.vector_load %arg9[%parallel_loop3A_517, %parallel_loop3A_518] {strides = array<i32>} : memref<1000x32xf32, #tpu.memory_space<vmem>>, vector<16xf32>,
        %parallel_loop3A_520 = arith.mulf %parallel_loop3A_510, %parallel_loop3A_516 : vector<16xf32>
        %parallel_loop3A_521 = arith.mulf %parallel_loop3A_513, %parallel_loop3A_519 : vector<16xf32>
        %parallel_loop3A_522 = arith.addf %parallel_loop3A_520, %parallel_loop3A_521 : vector<16xf32>
        %parallel_loop3A_523 = arith.constant true
        %parallel_loop3A_524 = vector.broadcast %parallel_loop3A_523 : i1 to vector<16xi1>
        %parallel_loop3A_525 = tpu.scan <sum>, %parallel_loop3A_522 masked %parallel_loop3A_524 : vector<16xf32>, vector<16xi1> -> vector<16xf32>
        %parallel_loop3A_526 = vector.extract %parallel_loop3A_525[15] : f32 from vector<16xf32>
        %parallel_loop3A_527 = arith.constant 15 : i32
        %parallel_loop3A_528 = vector.broadcast %parallel_loop3A_527 : i32 to vector<16xi32>
        %parallel_loop3A_529 = arith.cmpi eq, %iota3A, %parallel_loop3A_528 : vector<16xi32>
        %parallel_loop3A_530 = vector.broadcast %parallel_loop3A_526 : f32 to vector<16xf32>
        %parallel_loop3A_531 = arith.select %parallel_loop3A_529, %parallel_loop3A_530, %parallel_loop3A_503 : vector<16xi1>, vector<16xf32>
        %parallel_loop3A_532 = arith.constant 16 : i32
        %parallel_loop3A_533 = arith.muli %parallel_loop3A_71, %parallel_loop3A_532 : i32
        %parallel_loop3A_534 = arith.index_cast %parallel_loop3A_533 : i32 to index
        %parallel_loop3A_535 = tpu.vector_load %arg10[%parallel_loop3A_534] {strides = array<i32>} : memref<1024xf32, #tpu.memory_space<vmem>>, vector<16xf32>,
        tpu.vector_store %arg10[%parallel_loop3A_534], %parallel_loop3A_531 {strides = array<i32>} : memref<1024xf32, #tpu.memory_space<vmem>>, vector<16xf32>,
      } {sc.loop_unroll_factor = 1 : i64, sc.parallel_access}
      %add3A_61 = arith.addi %add3A_6, %while3A_26 : i32
      "tpu.region"() ({
        %run_scoped3A = tpu.sem_alloc : memref<!tpu.dma_semaphore, #tpu.memory_space<semaphore_mem>>
        %dma_start3A_71 = arith.constant 0 : i32
        %dma_start3A_72 = tpu.memref_slice %arg5[%add3A_61, %dma_start3A_71] : memref<325x1024xf32, #tpu.memory_space<hbm>> -> memref<1x1024xf32, #tpu.memory_space<hbm>>
        %dma_start3A_73 = tpu.memref_squeeze %dma_start3A_72 : memref<1x1024xf32, #tpu.memory_space<hbm>> -> memref<1024xf32, #tpu.memory_space<hbm>>
        %dma_start3A_74 = arith.constant 0 : i32
        %dma_start3A_75 = tpu.memref_slice %arg5[%add3A_61, %dma_start3A_74] : memref<325x1024xf32, #tpu.memory_space<hbm>> -> memref<1x1024xf32, #tpu.memory_space<hbm>>
        %dma_start3A_76 = tpu.memref_squeeze %dma_start3A_75 : memref<1x1024xf32, #tpu.memory_space<hbm>> -> memref<1024xf32, #tpu.memory_space<hbm>>
        tpu.enqueue_dma source(%arg10 : memref<1024xf32, #tpu.memory_space<vmem>>) target(%dma_start3A_76 : memref<1024xf32, #tpu.memory_space<hbm>>) target_semaphore(%run_scoped3A : memref<!tpu.dma_semaphore, #tpu.memory_space<semaphore_mem>>)
        %dma_wait3A_77 = arith.constant 0 : i32
        %dma_wait3A_78 = tpu.memref_slice %arg5[%add3A_61, %dma_wait3A_77] : memref<325x1024xf32, #tpu.memory_space<hbm>> -> memref<1x1024xf32, #tpu.memory_space<hbm>>
        %dma_wait3A_79 = tpu.memref_squeeze %dma_wait3A_78 : memref<1x1024xf32, #tpu.memory_space<hbm>> -> memref<1024xf32, #tpu.memory_space<hbm>>
        %dma_wait3A_80 = arith.constant 0 : i32
        %dma_wait3A_81 = tpu.memref_slice %arg5[%add3A_61, %dma_wait3A_80] : memref<325x1024xf32, #tpu.memory_space<hbm>> -> memref<1x1024xf32, #tpu.memory_space<hbm>>
        %dma_wait3A_82 = tpu.memref_squeeze %dma_wait3A_81 : memref<1x1024xf32, #tpu.memory_space<hbm>> -> memref<1024xf32, #tpu.memory_space<hbm>>
        tpu.wait_dma2 semaphore(%run_scoped3A : memref<!tpu.dma_semaphore, #tpu.memory_space<semaphore_mem>>) src(%arg10 : memref<1024xf32, #tpu.memory_space<vmem>>) dst(%dma_wait3A_82 : memref<1024xf32, #tpu.memory_space<hbm>>)
        tpu.yield
      }) : () -> ()
      %add3A_62 = arith.constant 1 : i32
      %add3A_63 = arith.addi %while3A_28, %add3A_62 : i32
      %eq3A = arith.constant 26 : i32
      %eq3A_64 = arith.cmpi eq, %add3A_63, %eq3A : i32
      %add3A_65 = arith.constant 1 : i32
      %add3A_66 = arith.addi %while3A_27, %add3A_65 : i32
      %select_n3A_67 = arith.select %eq3A_64, %add3A_66, %while3A_27 : i32
      %add3A_68 = arith.constant 1 : i32
      %add3A_69 = arith.addi %select_n3A_67, %add3A_68 : i32
      %select_n3A_70 = arith.select %eq3A_64, %add3A_69, %add3A_63 : i32
      scf.yield %select_n3A_67, %select_n3A_70 : i32, i32
    }
    %while3A_24 = arith.constant 1 : i32
    %while3A_25:2 = scf.for %while3A_26 = %while3A_21 to %while3A_17 step %while3A_24 iter_args(%while3A_27 = %while3A_23#0, %while3A_28 = %while3A_23#1) -> (i32, i32)  : i32 {
      %dma_start3A = arith.constant 0 : i32
      %dma_start3A_29 = arith.constant 0 : i32
      %dma_start3A_30 = tpu.memref_slice %arg2[%while3A_27, %while3A_28, %dma_start3A, %dma_start3A_29] : memref<26x26x1000x32xf32, #tpu.memory_space<hbm>> -> memref<1x1x1000x32xf32, #tpu.memory_space<hbm>>
      %dma_start3A_31 = tpu.memref_squeeze %dma_start3A_30 : memref<1x1x1000x32xf32, #tpu.memory_space<hbm>> -> memref<1000x32xf32, #tpu.memory_space<hbm>>
      %dma_start3A_32 = arith.constant 0 : i32
      %dma_start3A_33 = arith.constant 0 : i32
      %dma_start3A_34 = tpu.memref_slice %arg2[%while3A_27, %while3A_28, %dma_start3A_32, %dma_start3A_33] : memref<26x26x1000x32xf32, #tpu.memory_space<hbm>> -> memref<1x1x1000x32xf32, #tpu.memory_space<hbm>>
      %dma_start3A_35 = tpu.memref_squeeze %dma_start3A_34 : memref<1x1x1000x32xf32, #tpu.memory_space<hbm>> -> memref<1000x32xf32, #tpu.memory_space<hbm>>
      tpu.enqueue_dma source(%dma_start3A_35 : memref<1000x32xf32, #tpu.memory_space<hbm>>) target(%arg8 : memref<1000x32xf32, #tpu.memory_space<vmem>>) target_semaphore(%arg12 : memref<!tpu.dma_semaphore, #tpu.memory_space<semaphore_mem>>)
      %dma_start3A_36 = arith.constant 0 : i32
      %dma_start3A_37 = arith.constant 0 : i32
      %dma_start3A_38 = tpu.memref_slice %arg2[%while3A_28, %while3A_27, %dma_start3A_36, %dma_start3A_37] : memref<26x26x1000x32xf32, #tpu.memory_space<hbm>> -> memref<1x1x1000x32xf32, #tpu.memory_space<hbm>>
      %dma_start3A_39 = tpu.memref_squeeze %dma_start3A_38 : memref<1x1x1000x32xf32, #tpu.memory_space<hbm>> -> memref<1000x32xf32, #tpu.memory_space<hbm>>
      %dma_start3A_40 = arith.constant 0 : i32
      %dma_start3A_41 = arith.constant 0 : i32
      %dma_start3A_42 = tpu.memref_slice %arg2[%while3A_28, %while3A_27, %dma_start3A_40, %dma_start3A_41] : memref<26x26x1000x32xf32, #tpu.memory_space<hbm>> -> memref<1x1x1000x32xf32, #tpu.memory_space<hbm>>
      %dma_start3A_43 = tpu.memref_squeeze %dma_start3A_42 : memref<1x1x1000x32xf32, #tpu.memory_space<hbm>> -> memref<1000x32xf32, #tpu.memory_space<hbm>>
      tpu.enqueue_dma source(%dma_start3A_43 : memref<1000x32xf32, #tpu.memory_space<hbm>>) target(%arg9 : memref<1000x32xf32, #tpu.memory_space<vmem>>) target_semaphore(%arg12 : memref<!tpu.dma_semaphore, #tpu.memory_space<semaphore_mem>>)
      %dma_wait3A = arith.constant 0 : i32
      %dma_wait3A_44 = arith.constant 0 : i32
      %dma_wait3A_45 = tpu.memref_slice %arg2[%while3A_27, %while3A_28, %dma_wait3A, %dma_wait3A_44] : memref<26x26x1000x32xf32, #tpu.memory_space<hbm>> -> memref<1x1x1000x32xf32, #tpu.memory_space<hbm>>
      %dma_wait3A_46 = tpu.memref_squeeze %dma_wait3A_45 : memref<1x1x1000x32xf32, #tpu.memory_space<hbm>> -> memref<1000x32xf32, #tpu.memory_space<hbm>>
      %dma_wait3A_47 = arith.constant 0 : i32
      %dma_wait3A_48 = arith.constant 0 : i32
      %dma_wait3A_49 = tpu.memref_slice %arg2[%while3A_27, %while3A_28, %dma_wait3A_47, %dma_wait3A_48] : memref<26x26x1000x32xf32, #tpu.memory_space<hbm>> -> memref<1x1x1000x32xf32, #tpu.memory_space<hbm>>
      %dma_wait3A_50 = tpu.memref_squeeze %dma_wait3A_49 : memref<1x1x1000x32xf32, #tpu.memory_space<hbm>> -> memref<1000x32xf32, #tpu.memory_space<hbm>>
      tpu.wait_dma2 semaphore(%arg12 : memref<!tpu.dma_semaphore, #tpu.memory_space<semaphore_mem>>) src(%dma_wait3A_50 : memref<1000x32xf32, #tpu.memory_space<hbm>>) dst(%arg8 : memref<1000x32xf32, #tpu.memory_space<vmem>>)
      %dma_wait3A_51 = arith.constant 0 : i32
      %dma_wait3A_52 = arith.constant 0 : i32
      %dma_wait3A_53 = tpu.memref_slice %arg2[%while3A_28, %while3A_27, %dma_wait3A_51, %dma_wait3A_52] : memref<26x26x1000x32xf32, #tpu.memory_space<hbm>> -> memref<1x1x1000x32xf32, #tpu.memory_space<hbm>>
      %dma_wait3A_54 = tpu.memref_squeeze %dma_wait3A_53 : memref<1x1x1000x32xf32, #tpu.memory_space<hbm>> -> memref<1000x32xf32, #tpu.memory_space<hbm>>
      %dma_wait3A_55 = arith.constant 0 : i32
      %dma_wait3A_56 = arith.constant 0 : i32
      %dma_wait3A_57 = tpu.memref_slice %arg2[%while3A_28, %while3A_27, %dma_wait3A_55, %dma_wait3A_56] : memref<26x26x1000x32xf32, #tpu.memory_space<hbm>> -> memref<1x1x1000x32xf32, #tpu.memory_space<hbm>>
      %dma_wait3A_58 = tpu.memref_squeeze %dma_wait3A_57 : memref<1x1x1000x32xf32, #tpu.memory_space<hbm>> -> memref<1000x32xf32, #tpu.memory_space<hbm>>
      tpu.wait_dma2 semaphore(%arg12 : memref<!tpu.dma_semaphore, #tpu.memory_space<semaphore_mem>>) src(%dma_wait3A_58 : memref<1000x32xf32, #tpu.memory_space<hbm>>) dst(%arg9 : memref<1000x32xf32, #tpu.memory_space<vmem>>)
      %parallel_loop3A = arith.constant 0 : i32
      %parallel_loop3A_59 = arith.constant 64 : i32
      %parallel_loop3A_60 = arith.constant 1 : i32
      scf.for %parallel_loop3A_71 = %parallel_loop3A to %parallel_loop3A_59 step %parallel_loop3A_60  : i32 {
        %parallel_loop3A_72 = arith.constant 16 : i32
        %parallel_loop3A_73 = arith.muli %parallel_loop3A_71, %parallel_loop3A_72 : i32
        %parallel_loop3A_74 = arith.index_cast %while3A_27 : i32 to index
        %parallel_loop3A_75 = arith.index_cast %parallel_loop3A_73 : i32 to index
        %parallel_loop3A_76 = tpu.vector_load %arg7[%parallel_loop3A_74, %parallel_loop3A_75] {strides = array<i32>} : memref<26x1024xi32, #tpu.memory_space<vmem>>, vector<16xi32>,
        %parallel_loop3A_77 = arith.constant 16 : i32
        %parallel_loop3A_78 = arith.muli %parallel_loop3A_71, %parallel_loop3A_77 : i32
        %parallel_loop3A_79 = arith.index_cast %while3A_28 : i32 to index
        %parallel_loop3A_80 = arith.index_cast %parallel_loop3A_78 : i32 to index
        %parallel_loop3A_81 = tpu.vector_load %arg7[%parallel_loop3A_79, %parallel_loop3A_80] {strides = array<i32>} : memref<26x1024xi32, #tpu.memory_space<vmem>>, vector<16xi32>,
        %parallel_loop3A_82 = arith.constant 0.000000e+00 : f32
        %parallel_loop3A_83 = vector.broadcast %parallel_loop3A_82 : f32 to vector<16xf32>
        %parallel_loop3A_84 = vector.extract_strided_slice %parallel_loop3A_76 {offsets = [0], sizes = [1], strides = [1]} : vector<16xi32> to vector<1xi32>
        %parallel_loop3A_85 = vector.extract %parallel_loop3A_84[0] : i32 from vector<1xi32>
        %parallel_loop3A_86 = vector.extract_strided_slice %parallel_loop3A_81 {offsets = [0], sizes = [1], strides = [1]} : vector<16xi32> to vector<1xi32>
        %parallel_loop3A_87 = vector.extract %parallel_loop3A_86[0] : i32 from vector<1xi32>
        %parallel_loop3A_88 = arith.index_cast %parallel_loop3A_85 : i32 to index
        %parallel_loop3A_89 = arith.constant 0 : index
        %parallel_loop3A_90 = tpu.vector_load %arg8[%parallel_loop3A_88, %parallel_loop3A_89] {strides = array<i32>} : memref<1000x32xf32, #tpu.memory_space<vmem>>, vector<16xf32>,
        %parallel_loop3A_91 = arith.index_cast %parallel_loop3A_85 : i32 to index
        %parallel_loop3A_92 = arith.constant 16 : index
        %parallel_loop3A_93 = tpu.vector_load %arg8[%parallel_loop3A_91, %parallel_loop3A_92] {strides = array<i32>} : memref<1000x32xf32, #tpu.memory_space<vmem>>, vector<16xf32>,
        %parallel_loop3A_94 = arith.index_cast %parallel_loop3A_87 : i32 to index
        %parallel_loop3A_95 = arith.constant 0 : index
        %parallel_loop3A_96 = tpu.vector_load %arg9[%parallel_loop3A_94, %parallel_loop3A_95] {strides = array<i32>} : memref<1000x32xf32, #tpu.memory_space<vmem>>, vector<16xf32>,
        %parallel_loop3A_97 = arith.index_cast %parallel_loop3A_87 : i32 to index
        %parallel_loop3A_98 = arith.constant 16 : index
        %parallel_loop3A_99 = tpu.vector_load %arg9[%parallel_loop3A_97, %parallel_loop3A_98] {strides = array<i32>} : memref<1000x32xf32, #tpu.memory_space<vmem>>, vector<16xf32>,
        %parallel_loop3A_100 = arith.mulf %parallel_loop3A_90, %parallel_loop3A_96 : vector<16xf32>
        %parallel_loop3A_101 = arith.mulf %parallel_loop3A_93, %parallel_loop3A_99 : vector<16xf32>
        %parallel_loop3A_102 = arith.addf %parallel_loop3A_100, %parallel_loop3A_101 : vector<16xf32>
        %parallel_loop3A_103 = arith.constant true
        %parallel_loop3A_104 = vector.broadcast %parallel_loop3A_103 : i1 to vector<16xi1>
        %parallel_loop3A_105 = tpu.scan <sum>, %parallel_loop3A_102 masked %parallel_loop3A_104 : vector<16xf32>, vector<16xi1> -> vector<16xf32>
        %parallel_loop3A_106 = vector.extract %parallel_loop3A_105[15] : f32 from vector<16xf32>
        %parallel_loop3A_107 = arith.constant 0 : i32
        %parallel_loop3A_108 = vector.broadcast %parallel_loop3A_107 : i32 to vector<16xi32>
        %parallel_loop3A_109 = arith.cmpi eq, %iota3A, %parallel_loop3A_108 : vector<16xi32>
        %parallel_loop3A_110 = vector.broadcast %parallel_loop3A_106 : f32 to vector<16xf32>
        %parallel_loop3A_111 = arith.select %parallel_loop3A_109, %parallel_loop3A_110, %parallel_loop3A_83 : vector<16xi1>, vector<16xf32>
        %parallel_loop3A_112 = vector.extract_strided_slice %parallel_loop3A_76 {offsets = [1], sizes = [1], strides = [1]} : vector<16xi32> to vector<1xi32>
        %parallel_loop3A_113 = vector.extract %parallel_loop3A_112[0] : i32 from vector<1xi32>
        %parallel_loop3A_114 = vector.extract_strided_slice %parallel_loop3A_81 {offsets = [1], sizes = [1], strides = [1]} : vector<16xi32> to vector<1xi32>
        %parallel_loop3A_115 = vector.extract %parallel_loop3A_114[0] : i32 from vector<1xi32>
        %parallel_loop3A_116 = arith.index_cast %parallel_loop3A_113 : i32 to index
        %parallel_loop3A_117 = arith.constant 0 : index
        %parallel_loop3A_118 = tpu.vector_load %arg8[%parallel_loop3A_116, %parallel_loop3A_117] {strides = array<i32>} : memref<1000x32xf32, #tpu.memory_space<vmem>>, vector<16xf32>,
        %parallel_loop3A_119 = arith.index_cast %parallel_loop3A_113 : i32 to index
        %parallel_loop3A_120 = arith.constant 16 : index
        %parallel_loop3A_121 = tpu.vector_load %arg8[%parallel_loop3A_119, %parallel_loop3A_120] {strides = array<i32>} : memref<1000x32xf32, #tpu.memory_space<vmem>>, vector<16xf32>,
        %parallel_loop3A_122 = arith.index_cast %parallel_loop3A_115 : i32 to index
        %parallel_loop3A_123 = arith.constant 0 : index
        %parallel_loop3A_124 = tpu.vector_load %arg9[%parallel_loop3A_122, %parallel_loop3A_123] {strides = array<i32>} : memref<1000x32xf32, #tpu.memory_space<vmem>>, vector<16xf32>,
        %parallel_loop3A_125 = arith.index_cast %parallel_loop3A_115 : i32 to index
        %parallel_loop3A_126 = arith.constant 16 : index
        %parallel_loop3A_127 = tpu.vector_load %arg9[%parallel_loop3A_125, %parallel_loop3A_126] {strides = array<i32>} : memref<1000x32xf32, #tpu.memory_space<vmem>>, vector<16xf32>,
        %parallel_loop3A_128 = arith.mulf %parallel_loop3A_118, %parallel_loop3A_124 : vector<16xf32>
        %parallel_loop3A_129 = arith.mulf %parallel_loop3A_121, %parallel_loop3A_127 : vector<16xf32>
        %parallel_loop3A_130 = arith.addf %parallel_loop3A_128, %parallel_loop3A_129 : vector<16xf32>
        %parallel_loop3A_131 = arith.constant true
        %parallel_loop3A_132 = vector.broadcast %parallel_loop3A_131 : i1 to vector<16xi1>
        %parallel_loop3A_133 = tpu.scan <sum>, %parallel_loop3A_130 masked %parallel_loop3A_132 : vector<16xf32>, vector<16xi1> -> vector<16xf32>
        %parallel_loop3A_134 = vector.extract %parallel_loop3A_133[15] : f32 from vector<16xf32>
        %parallel_loop3A_135 = arith.constant 1 : i32
        %parallel_loop3A_136 = vector.broadcast %parallel_loop3A_135 : i32 to vector<16xi32>
        %parallel_loop3A_137 = arith.cmpi eq, %iota3A, %parallel_loop3A_136 : vector<16xi32>
        %parallel_loop3A_138 = vector.broadcast %parallel_loop3A_134 : f32 to vector<16xf32>
        %parallel_loop3A_139 = arith.select %parallel_loop3A_137, %parallel_loop3A_138, %parallel_loop3A_111 : vector<16xi1>, vector<16xf32>
        %parallel_loop3A_140 = vector.extract_strided_slice %parallel_loop3A_76 {offsets = [2], sizes = [1], strides = [1]} : vector<16xi32> to vector<1xi32>
        %parallel_loop3A_141 = vector.extract %parallel_loop3A_140[0] : i32 from vector<1xi32>
        %parallel_loop3A_142 = vector.extract_strided_slice %parallel_loop3A_81 {offsets = [2], sizes = [1], strides = [1]} : vector<16xi32> to vector<1xi32>
        %parallel_loop3A_143 = vector.extract %parallel_loop3A_142[0] : i32 from vector<1xi32>
        %parallel_loop3A_144 = arith.index_cast %parallel_loop3A_141 : i32 to index
        %parallel_loop3A_145 = arith.constant 0 : index
        %parallel_loop3A_146 = tpu.vector_load %arg8[%parallel_loop3A_144, %parallel_loop3A_145] {strides = array<i32>} : memref<1000x32xf32, #tpu.memory_space<vmem>>, vector<16xf32>,
        %parallel_loop3A_147 = arith.index_cast %parallel_loop3A_141 : i32 to index
        %parallel_loop3A_148 = arith.constant 16 : index
        %parallel_loop3A_149 = tpu.vector_load %arg8[%parallel_loop3A_147, %parallel_loop3A_148] {strides = array<i32>} : memref<1000x32xf32, #tpu.memory_space<vmem>>, vector<16xf32>,
        %parallel_loop3A_150 = arith.index_cast %parallel_loop3A_143 : i32 to index
        %parallel_loop3A_151 = arith.constant 0 : index
        %parallel_loop3A_152 = tpu.vector_load %arg9[%parallel_loop3A_150, %parallel_loop3A_151] {strides = array<i32>} : memref<1000x32xf32, #tpu.memory_space<vmem>>, vector<16xf32>,
        %parallel_loop3A_153 = arith.index_cast %parallel_loop3A_143 : i32 to index
        %parallel_loop3A_154 = arith.constant 16 : index
        %parallel_loop3A_155 = tpu.vector_load %arg9[%parallel_loop3A_153, %parallel_loop3A_154] {strides = array<i32>} : memref<1000x32xf32, #tpu.memory_space<vmem>>, vector<16xf32>,
        %parallel_loop3A_156 = arith.mulf %parallel_loop3A_146, %parallel_loop3A_152 : vector<16xf32>
        %parallel_loop3A_157 = arith.mulf %parallel_loop3A_149, %parallel_loop3A_155 : vector<16xf32>
        %parallel_loop3A_158 = arith.addf %parallel_loop3A_156, %parallel_loop3A_157 : vector<16xf32>
        %parallel_loop3A_159 = arith.constant true
        %parallel_loop3A_160 = vector.broadcast %parallel_loop3A_159 : i1 to vector<16xi1>
        %parallel_loop3A_161 = tpu.scan <sum>, %parallel_loop3A_158 masked %parallel_loop3A_160 : vector<16xf32>, vector<16xi1> -> vector<16xf32>
        %parallel_loop3A_162 = vector.extract %parallel_loop3A_161[15] : f32 from vector<16xf32>
        %parallel_loop3A_163 = arith.constant 2 : i32
        %parallel_loop3A_164 = vector.broadcast %parallel_loop3A_163 : i32 to vector<16xi32>
        %parallel_loop3A_165 = arith.cmpi eq, %iota3A, %parallel_loop3A_164 : vector<16xi32>
        %parallel_loop3A_166 = vector.broadcast %parallel_loop3A_162 : f32 to vector<16xf32>
        %parallel_loop3A_167 = arith.select %parallel_loop3A_165, %parallel_loop3A_166, %parallel_loop3A_139 : vector<16xi1>, vector<16xf32>
        %parallel_loop3A_168 = vector.extract_strided_slice %parallel_loop3A_76 {offsets = [3], sizes = [1], strides = [1]} : vector<16xi32> to vector<1xi32>
        %parallel_loop3A_169 = vector.extract %parallel_loop3A_168[0] : i32 from vector<1xi32>
        %parallel_loop3A_170 = vector.extract_strided_slice %parallel_loop3A_81 {offsets = [3], sizes = [1], strides = [1]} : vector<16xi32> to vector<1xi32>
        %parallel_loop3A_171 = vector.extract %parallel_loop3A_170[0] : i32 from vector<1xi32>
        %parallel_loop3A_172 = arith.index_cast %parallel_loop3A_169 : i32 to index
        %parallel_loop3A_173 = arith.constant 0 : index
        %parallel_loop3A_174 = tpu.vector_load %arg8[%parallel_loop3A_172, %parallel_loop3A_173] {strides = array<i32>} : memref<1000x32xf32, #tpu.memory_space<vmem>>, vector<16xf32>,
        %parallel_loop3A_175 = arith.index_cast %parallel_loop3A_169 : i32 to index
        %parallel_loop3A_176 = arith.constant 16 : index
        %parallel_loop3A_177 = tpu.vector_load %arg8[%parallel_loop3A_175, %parallel_loop3A_176] {strides = array<i32>} : memref<1000x32xf32, #tpu.memory_space<vmem>>, vector<16xf32>,
        %parallel_loop3A_178 = arith.index_cast %parallel_loop3A_171 : i32 to index
        %parallel_loop3A_179 = arith.constant 0 : index
        %parallel_loop3A_180 = tpu.vector_load %arg9[%parallel_loop3A_178, %parallel_loop3A_179] {strides = array<i32>} : memref<1000x32xf32, #tpu.memory_space<vmem>>, vector<16xf32>,
        %parallel_loop3A_181 = arith.index_cast %parallel_loop3A_171 : i32 to index
        %parallel_loop3A_182 = arith.constant 16 : index
        %parallel_loop3A_183 = tpu.vector_load %arg9[%parallel_loop3A_181, %parallel_loop3A_182] {strides = array<i32>} : memref<1000x32xf32, #tpu.memory_space<vmem>>, vector<16xf32>,
        %parallel_loop3A_184 = arith.mulf %parallel_loop3A_174, %parallel_loop3A_180 : vector<16xf32>
        %parallel_loop3A_185 = arith.mulf %parallel_loop3A_177, %parallel_loop3A_183 : vector<16xf32>
        %parallel_loop3A_186 = arith.addf %parallel_loop3A_184, %parallel_loop3A_185 : vector<16xf32>
        %parallel_loop3A_187 = arith.constant true
        %parallel_loop3A_188 = vector.broadcast %parallel_loop3A_187 : i1 to vector<16xi1>
        %parallel_loop3A_189 = tpu.scan <sum>, %parallel_loop3A_186 masked %parallel_loop3A_188 : vector<16xf32>, vector<16xi1> -> vector<16xf32>
        %parallel_loop3A_190 = vector.extract %parallel_loop3A_189[15] : f32 from vector<16xf32>
        %parallel_loop3A_191 = arith.constant 3 : i32
        %parallel_loop3A_192 = vector.broadcast %parallel_loop3A_191 : i32 to vector<16xi32>
        %parallel_loop3A_193 = arith.cmpi eq, %iota3A, %parallel_loop3A_192 : vector<16xi32>
        %parallel_loop3A_194 = vector.broadcast %parallel_loop3A_190 : f32 to vector<16xf32>
        %parallel_loop3A_195 = arith.select %parallel_loop3A_193, %parallel_loop3A_194, %parallel_loop3A_167 : vector<16xi1>, vector<16xf32>
        %parallel_loop3A_196 = vector.extract_strided_slice %parallel_loop3A_76 {offsets = [4], sizes = [1], strides = [1]} : vector<16xi32> to vector<1xi32>
        %parallel_loop3A_197 = vector.extract %parallel_loop3A_196[0] : i32 from vector<1xi32>
        %parallel_loop3A_198 = vector.extract_strided_slice %parallel_loop3A_81 {offsets = [4], sizes = [1], strides = [1]} : vector<16xi32> to vector<1xi32>
        %parallel_loop3A_199 = vector.extract %parallel_loop3A_198[0] : i32 from vector<1xi32>
        %parallel_loop3A_200 = arith.index_cast %parallel_loop3A_197 : i32 to index
        %parallel_loop3A_201 = arith.constant 0 : index
        %parallel_loop3A_202 = tpu.vector_load %arg8[%parallel_loop3A_200, %parallel_loop3A_201] {strides = array<i32>} : memref<1000x32xf32, #tpu.memory_space<vmem>>, vector<16xf32>,
        %parallel_loop3A_203 = arith.index_cast %parallel_loop3A_197 : i32 to index
        %parallel_loop3A_204 = arith.constant 16 : index
        %parallel_loop3A_205 = tpu.vector_load %arg8[%parallel_loop3A_203, %parallel_loop3A_204] {strides = array<i32>} : memref<1000x32xf32, #tpu.memory_space<vmem>>, vector<16xf32>,
        %parallel_loop3A_206 = arith.index_cast %parallel_loop3A_199 : i32 to index
        %parallel_loop3A_207 = arith.constant 0 : index
        %parallel_loop3A_208 = tpu.vector_load %arg9[%parallel_loop3A_206, %parallel_loop3A_207] {strides = array<i32>} : memref<1000x32xf32, #tpu.memory_space<vmem>>, vector<16xf32>,
        %parallel_loop3A_209 = arith.index_cast %parallel_loop3A_199 : i32 to index
        %parallel_loop3A_210 = arith.constant 16 : index
        %parallel_loop3A_211 = tpu.vector_load %arg9[%parallel_loop3A_209, %parallel_loop3A_210] {strides = array<i32>} : memref<1000x32xf32, #tpu.memory_space<vmem>>, vector<16xf32>,
        %parallel_loop3A_212 = arith.mulf %parallel_loop3A_202, %parallel_loop3A_208 : vector<16xf32>
        %parallel_loop3A_213 = arith.mulf %parallel_loop3A_205, %parallel_loop3A_211 : vector<16xf32>
        %parallel_loop3A_214 = arith.addf %parallel_loop3A_212, %parallel_loop3A_213 : vector<16xf32>
        %parallel_loop3A_215 = arith.constant true
        %parallel_loop3A_216 = vector.broadcast %parallel_loop3A_215 : i1 to vector<16xi1>
        %parallel_loop3A_217 = tpu.scan <sum>, %parallel_loop3A_214 masked %parallel_loop3A_216 : vector<16xf32>, vector<16xi1> -> vector<16xf32>
        %parallel_loop3A_218 = vector.extract %parallel_loop3A_217[15] : f32 from vector<16xf32>
        %parallel_loop3A_219 = arith.constant 4 : i32
        %parallel_loop3A_220 = vector.broadcast %parallel_loop3A_219 : i32 to vector<16xi32>
        %parallel_loop3A_221 = arith.cmpi eq, %iota3A, %parallel_loop3A_220 : vector<16xi32>
        %parallel_loop3A_222 = vector.broadcast %parallel_loop3A_218 : f32 to vector<16xf32>
        %parallel_loop3A_223 = arith.select %parallel_loop3A_221, %parallel_loop3A_222, %parallel_loop3A_195 : vector<16xi1>, vector<16xf32>
        %parallel_loop3A_224 = vector.extract_strided_slice %parallel_loop3A_76 {offsets = [5], sizes = [1], strides = [1]} : vector<16xi32> to vector<1xi32>
        %parallel_loop3A_225 = vector.extract %parallel_loop3A_224[0] : i32 from vector<1xi32>
        %parallel_loop3A_226 = vector.extract_strided_slice %parallel_loop3A_81 {offsets = [5], sizes = [1], strides = [1]} : vector<16xi32> to vector<1xi32>
        %parallel_loop3A_227 = vector.extract %parallel_loop3A_226[0] : i32 from vector<1xi32>
        %parallel_loop3A_228 = arith.index_cast %parallel_loop3A_225 : i32 to index
        %parallel_loop3A_229 = arith.constant 0 : index
        %parallel_loop3A_230 = tpu.vector_load %arg8[%parallel_loop3A_228, %parallel_loop3A_229] {strides = array<i32>} : memref<1000x32xf32, #tpu.memory_space<vmem>>, vector<16xf32>,
        %parallel_loop3A_231 = arith.index_cast %parallel_loop3A_225 : i32 to index
        %parallel_loop3A_232 = arith.constant 16 : index
        %parallel_loop3A_233 = tpu.vector_load %arg8[%parallel_loop3A_231, %parallel_loop3A_232] {strides = array<i32>} : memref<1000x32xf32, #tpu.memory_space<vmem>>, vector<16xf32>,
        %parallel_loop3A_234 = arith.index_cast %parallel_loop3A_227 : i32 to index
        %parallel_loop3A_235 = arith.constant 0 : index
        %parallel_loop3A_236 = tpu.vector_load %arg9[%parallel_loop3A_234, %parallel_loop3A_235] {strides = array<i32>} : memref<1000x32xf32, #tpu.memory_space<vmem>>, vector<16xf32>,
        %parallel_loop3A_237 = arith.index_cast %parallel_loop3A_227 : i32 to index
        %parallel_loop3A_238 = arith.constant 16 : index
        %parallel_loop3A_239 = tpu.vector_load %arg9[%parallel_loop3A_237, %parallel_loop3A_238] {strides = array<i32>} : memref<1000x32xf32, #tpu.memory_space<vmem>>, vector<16xf32>,
        %parallel_loop3A_240 = arith.mulf %parallel_loop3A_230, %parallel_loop3A_236 : vector<16xf32>
        %parallel_loop3A_241 = arith.mulf %parallel_loop3A_233, %parallel_loop3A_239 : vector<16xf32>
        %parallel_loop3A_242 = arith.addf %parallel_loop3A_240, %parallel_loop3A_241 : vector<16xf32>
        %parallel_loop3A_243 = arith.constant true
        %parallel_loop3A_244 = vector.broadcast %parallel_loop3A_243 : i1 to vector<16xi1>
        %parallel_loop3A_245 = tpu.scan <sum>, %parallel_loop3A_242 masked %parallel_loop3A_244 : vector<16xf32>, vector<16xi1> -> vector<16xf32>
        %parallel_loop3A_246 = vector.extract %parallel_loop3A_245[15] : f32 from vector<16xf32>
        %parallel_loop3A_247 = arith.constant 5 : i32
        %parallel_loop3A_248 = vector.broadcast %parallel_loop3A_247 : i32 to vector<16xi32>
        %parallel_loop3A_249 = arith.cmpi eq, %iota3A, %parallel_loop3A_248 : vector<16xi32>
        %parallel_loop3A_250 = vector.broadcast %parallel_loop3A_246 : f32 to vector<16xf32>
        %parallel_loop3A_251 = arith.select %parallel_loop3A_249, %parallel_loop3A_250, %parallel_loop3A_223 : vector<16xi1>, vector<16xf32>
        %parallel_loop3A_252 = vector.extract_strided_slice %parallel_loop3A_76 {offsets = [6], sizes = [1], strides = [1]} : vector<16xi32> to vector<1xi32>
        %parallel_loop3A_253 = vector.extract %parallel_loop3A_252[0] : i32 from vector<1xi32>
        %parallel_loop3A_254 = vector.extract_strided_slice %parallel_loop3A_81 {offsets = [6], sizes = [1], strides = [1]} : vector<16xi32> to vector<1xi32>
        %parallel_loop3A_255 = vector.extract %parallel_loop3A_254[0] : i32 from vector<1xi32>
        %parallel_loop3A_256 = arith.index_cast %parallel_loop3A_253 : i32 to index
        %parallel_loop3A_257 = arith.constant 0 : index
        %parallel_loop3A_258 = tpu.vector_load %arg8[%parallel_loop3A_256, %parallel_loop3A_257] {strides = array<i32>} : memref<1000x32xf32, #tpu.memory_space<vmem>>, vector<16xf32>,
        %parallel_loop3A_259 = arith.index_cast %parallel_loop3A_253 : i32 to index
        %parallel_loop3A_260 = arith.constant 16 : index
        %parallel_loop3A_261 = tpu.vector_load %arg8[%parallel_loop3A_259, %parallel_loop3A_260] {strides = array<i32>} : memref<1000x32xf32, #tpu.memory_space<vmem>>, vector<16xf32>,
        %parallel_loop3A_262 = arith.index_cast %parallel_loop3A_255 : i32 to index
        %parallel_loop3A_263 = arith.constant 0 : index
        %parallel_loop3A_264 = tpu.vector_load %arg9[%parallel_loop3A_262, %parallel_loop3A_263] {strides = array<i32>} : memref<1000x32xf32, #tpu.memory_space<vmem>>, vector<16xf32>,
        %parallel_loop3A_265 = arith.index_cast %parallel_loop3A_255 : i32 to index
        %parallel_loop3A_266 = arith.constant 16 : index
        %parallel_loop3A_267 = tpu.vector_load %arg9[%parallel_loop3A_265, %parallel_loop3A_266] {strides = array<i32>} : memref<1000x32xf32, #tpu.memory_space<vmem>>, vector<16xf32>,
        %parallel_loop3A_268 = arith.mulf %parallel_loop3A_258, %parallel_loop3A_264 : vector<16xf32>
        %parallel_loop3A_269 = arith.mulf %parallel_loop3A_261, %parallel_loop3A_267 : vector<16xf32>
        %parallel_loop3A_270 = arith.addf %parallel_loop3A_268, %parallel_loop3A_269 : vector<16xf32>
        %parallel_loop3A_271 = arith.constant true
        %parallel_loop3A_272 = vector.broadcast %parallel_loop3A_271 : i1 to vector<16xi1>
        %parallel_loop3A_273 = tpu.scan <sum>, %parallel_loop3A_270 masked %parallel_loop3A_272 : vector<16xf32>, vector<16xi1> -> vector<16xf32>
        %parallel_loop3A_274 = vector.extract %parallel_loop3A_273[15] : f32 from vector<16xf32>
        %parallel_loop3A_275 = arith.constant 6 : i32
        %parallel_loop3A_276 = vector.broadcast %parallel_loop3A_275 : i32 to vector<16xi32>
        %parallel_loop3A_277 = arith.cmpi eq, %iota3A, %parallel_loop3A_276 : vector<16xi32>
        %parallel_loop3A_278 = vector.broadcast %parallel_loop3A_274 : f32 to vector<16xf32>
        %parallel_loop3A_279 = arith.select %parallel_loop3A_277, %parallel_loop3A_278, %parallel_loop3A_251 : vector<16xi1>, vector<16xf32>
        %parallel_loop3A_280 = vector.extract_strided_slice %parallel_loop3A_76 {offsets = [7], sizes = [1], strides = [1]} : vector<16xi32> to vector<1xi32>
        %parallel_loop3A_281 = vector.extract %parallel_loop3A_280[0] : i32 from vector<1xi32>
        %parallel_loop3A_282 = vector.extract_strided_slice %parallel_loop3A_81 {offsets = [7], sizes = [1], strides = [1]} : vector<16xi32> to vector<1xi32>
        %parallel_loop3A_283 = vector.extract %parallel_loop3A_282[0] : i32 from vector<1xi32>
        %parallel_loop3A_284 = arith.index_cast %parallel_loop3A_281 : i32 to index
        %parallel_loop3A_285 = arith.constant 0 : index
        %parallel_loop3A_286 = tpu.vector_load %arg8[%parallel_loop3A_284, %parallel_loop3A_285] {strides = array<i32>} : memref<1000x32xf32, #tpu.memory_space<vmem>>, vector<16xf32>,
        %parallel_loop3A_287 = arith.index_cast %parallel_loop3A_281 : i32 to index
        %parallel_loop3A_288 = arith.constant 16 : index
        %parallel_loop3A_289 = tpu.vector_load %arg8[%parallel_loop3A_287, %parallel_loop3A_288] {strides = array<i32>} : memref<1000x32xf32, #tpu.memory_space<vmem>>, vector<16xf32>,
        %parallel_loop3A_290 = arith.index_cast %parallel_loop3A_283 : i32 to index
        %parallel_loop3A_291 = arith.constant 0 : index
        %parallel_loop3A_292 = tpu.vector_load %arg9[%parallel_loop3A_290, %parallel_loop3A_291] {strides = array<i32>} : memref<1000x32xf32, #tpu.memory_space<vmem>>, vector<16xf32>,
        %parallel_loop3A_293 = arith.index_cast %parallel_loop3A_283 : i32 to index
        %parallel_loop3A_294 = arith.constant 16 : index
        %parallel_loop3A_295 = tpu.vector_load %arg9[%parallel_loop3A_293, %parallel_loop3A_294] {strides = array<i32>} : memref<1000x32xf32, #tpu.memory_space<vmem>>, vector<16xf32>,
        %parallel_loop3A_296 = arith.mulf %parallel_loop3A_286, %parallel_loop3A_292 : vector<16xf32>
        %parallel_loop3A_297 = arith.mulf %parallel_loop3A_289, %parallel_loop3A_295 : vector<16xf32>
        %parallel_loop3A_298 = arith.addf %parallel_loop3A_296, %parallel_loop3A_297 : vector<16xf32>
        %parallel_loop3A_299 = arith.constant true
        %parallel_loop3A_300 = vector.broadcast %parallel_loop3A_299 : i1 to vector<16xi1>
        %parallel_loop3A_301 = tpu.scan <sum>, %parallel_loop3A_298 masked %parallel_loop3A_300 : vector<16xf32>, vector<16xi1> -> vector<16xf32>
        %parallel_loop3A_302 = vector.extract %parallel_loop3A_301[15] : f32 from vector<16xf32>
        %parallel_loop3A_303 = arith.constant 7 : i32
        %parallel_loop3A_304 = vector.broadcast %parallel_loop3A_303 : i32 to vector<16xi32>
        %parallel_loop3A_305 = arith.cmpi eq, %iota3A, %parallel_loop3A_304 : vector<16xi32>
        %parallel_loop3A_306 = vector.broadcast %parallel_loop3A_302 : f32 to vector<16xf32>
        %parallel_loop3A_307 = arith.select %parallel_loop3A_305, %parallel_loop3A_306, %parallel_loop3A_279 : vector<16xi1>, vector<16xf32>
        %parallel_loop3A_308 = vector.extract_strided_slice %parallel_loop3A_76 {offsets = [8], sizes = [1], strides = [1]} : vector<16xi32> to vector<1xi32>
        %parallel_loop3A_309 = vector.extract %parallel_loop3A_308[0] : i32 from vector<1xi32>
        %parallel_loop3A_310 = vector.extract_strided_slice %parallel_loop3A_81 {offsets = [8], sizes = [1], strides = [1]} : vector<16xi32> to vector<1xi32>
        %parallel_loop3A_311 = vector.extract %parallel_loop3A_310[0] : i32 from vector<1xi32>
        %parallel_loop3A_312 = arith.index_cast %parallel_loop3A_309 : i32 to index
        %parallel_loop3A_313 = arith.constant 0 : index
        %parallel_loop3A_314 = tpu.vector_load %arg8[%parallel_loop3A_312, %parallel_loop3A_313] {strides = array<i32>} : memref<1000x32xf32, #tpu.memory_space<vmem>>, vector<16xf32>,
        %parallel_loop3A_315 = arith.index_cast %parallel_loop3A_309 : i32 to index
        %parallel_loop3A_316 = arith.constant 16 : index
        %parallel_loop3A_317 = tpu.vector_load %arg8[%parallel_loop3A_315, %parallel_loop3A_316] {strides = array<i32>} : memref<1000x32xf32, #tpu.memory_space<vmem>>, vector<16xf32>,
        %parallel_loop3A_318 = arith.index_cast %parallel_loop3A_311 : i32 to index
        %parallel_loop3A_319 = arith.constant 0 : index
        %parallel_loop3A_320 = tpu.vector_load %arg9[%parallel_loop3A_318, %parallel_loop3A_319] {strides = array<i32>} : memref<1000x32xf32, #tpu.memory_space<vmem>>, vector<16xf32>,
        %parallel_loop3A_321 = arith.index_cast %parallel_loop3A_311 : i32 to index
        %parallel_loop3A_322 = arith.constant 16 : index
        %parallel_loop3A_323 = tpu.vector_load %arg9[%parallel_loop3A_321, %parallel_loop3A_322] {strides = array<i32>} : memref<1000x32xf32, #tpu.memory_space<vmem>>, vector<16xf32>,
        %parallel_loop3A_324 = arith.mulf %parallel_loop3A_314, %parallel_loop3A_320 : vector<16xf32>
        %parallel_loop3A_325 = arith.mulf %parallel_loop3A_317, %parallel_loop3A_323 : vector<16xf32>
        %parallel_loop3A_326 = arith.addf %parallel_loop3A_324, %parallel_loop3A_325 : vector<16xf32>
        %parallel_loop3A_327 = arith.constant true
        %parallel_loop3A_328 = vector.broadcast %parallel_loop3A_327 : i1 to vector<16xi1>
        %parallel_loop3A_329 = tpu.scan <sum>, %parallel_loop3A_326 masked %parallel_loop3A_328 : vector<16xf32>, vector<16xi1> -> vector<16xf32>
        %parallel_loop3A_330 = vector.extract %parallel_loop3A_329[15] : f32 from vector<16xf32>
        %parallel_loop3A_331 = arith.constant 8 : i32
        %parallel_loop3A_332 = vector.broadcast %parallel_loop3A_331 : i32 to vector<16xi32>
        %parallel_loop3A_333 = arith.cmpi eq, %iota3A, %parallel_loop3A_332 : vector<16xi32>
        %parallel_loop3A_334 = vector.broadcast %parallel_loop3A_330 : f32 to vector<16xf32>
        %parallel_loop3A_335 = arith.select %parallel_loop3A_333, %parallel_loop3A_334, %parallel_loop3A_307 : vector<16xi1>, vector<16xf32>
        %parallel_loop3A_336 = vector.extract_strided_slice %parallel_loop3A_76 {offsets = [9], sizes = [1], strides = [1]} : vector<16xi32> to vector<1xi32>
        %parallel_loop3A_337 = vector.extract %parallel_loop3A_336[0] : i32 from vector<1xi32>
        %parallel_loop3A_338 = vector.extract_strided_slice %parallel_loop3A_81 {offsets = [9], sizes = [1], strides = [1]} : vector<16xi32> to vector<1xi32>
        %parallel_loop3A_339 = vector.extract %parallel_loop3A_338[0] : i32 from vector<1xi32>
        %parallel_loop3A_340 = arith.index_cast %parallel_loop3A_337 : i32 to index
        %parallel_loop3A_341 = arith.constant 0 : index
        %parallel_loop3A_342 = tpu.vector_load %arg8[%parallel_loop3A_340, %parallel_loop3A_341] {strides = array<i32>} : memref<1000x32xf32, #tpu.memory_space<vmem>>, vector<16xf32>,
        %parallel_loop3A_343 = arith.index_cast %parallel_loop3A_337 : i32 to index
        %parallel_loop3A_344 = arith.constant 16 : index
        %parallel_loop3A_345 = tpu.vector_load %arg8[%parallel_loop3A_343, %parallel_loop3A_344] {strides = array<i32>} : memref<1000x32xf32, #tpu.memory_space<vmem>>, vector<16xf32>,
        %parallel_loop3A_346 = arith.index_cast %parallel_loop3A_339 : i32 to index
        %parallel_loop3A_347 = arith.constant 0 : index
        %parallel_loop3A_348 = tpu.vector_load %arg9[%parallel_loop3A_346, %parallel_loop3A_347] {strides = array<i32>} : memref<1000x32xf32, #tpu.memory_space<vmem>>, vector<16xf32>,
        %parallel_loop3A_349 = arith.index_cast %parallel_loop3A_339 : i32 to index
        %parallel_loop3A_350 = arith.constant 16 : index
        %parallel_loop3A_351 = tpu.vector_load %arg9[%parallel_loop3A_349, %parallel_loop3A_350] {strides = array<i32>} : memref<1000x32xf32, #tpu.memory_space<vmem>>, vector<16xf32>,
        %parallel_loop3A_352 = arith.mulf %parallel_loop3A_342, %parallel_loop3A_348 : vector<16xf32>
        %parallel_loop3A_353 = arith.mulf %parallel_loop3A_345, %parallel_loop3A_351 : vector<16xf32>
        %parallel_loop3A_354 = arith.addf %parallel_loop3A_352, %parallel_loop3A_353 : vector<16xf32>
        %parallel_loop3A_355 = arith.constant true
        %parallel_loop3A_356 = vector.broadcast %parallel_loop3A_355 : i1 to vector<16xi1>
        %parallel_loop3A_357 = tpu.scan <sum>, %parallel_loop3A_354 masked %parallel_loop3A_356 : vector<16xf32>, vector<16xi1> -> vector<16xf32>
        %parallel_loop3A_358 = vector.extract %parallel_loop3A_357[15] : f32 from vector<16xf32>
        %parallel_loop3A_359 = arith.constant 9 : i32
        %parallel_loop3A_360 = vector.broadcast %parallel_loop3A_359 : i32 to vector<16xi32>
        %parallel_loop3A_361 = arith.cmpi eq, %iota3A, %parallel_loop3A_360 : vector<16xi32>
        %parallel_loop3A_362 = vector.broadcast %parallel_loop3A_358 : f32 to vector<16xf32>
        %parallel_loop3A_363 = arith.select %parallel_loop3A_361, %parallel_loop3A_362, %parallel_loop3A_335 : vector<16xi1>, vector<16xf32>
        %parallel_loop3A_364 = vector.extract_strided_slice %parallel_loop3A_76 {offsets = [10], sizes = [1], strides = [1]} : vector<16xi32> to vector<1xi32>
        %parallel_loop3A_365 = vector.extract %parallel_loop3A_364[0] : i32 from vector<1xi32>
        %parallel_loop3A_366 = vector.extract_strided_slice %parallel_loop3A_81 {offsets = [10], sizes = [1], strides = [1]} : vector<16xi32> to vector<1xi32>
        %parallel_loop3A_367 = vector.extract %parallel_loop3A_366[0] : i32 from vector<1xi32>
        %parallel_loop3A_368 = arith.index_cast %parallel_loop3A_365 : i32 to index
        %parallel_loop3A_369 = arith.constant 0 : index
        %parallel_loop3A_370 = tpu.vector_load %arg8[%parallel_loop3A_368, %parallel_loop3A_369] {strides = array<i32>} : memref<1000x32xf32, #tpu.memory_space<vmem>>, vector<16xf32>,
        %parallel_loop3A_371 = arith.index_cast %parallel_loop3A_365 : i32 to index
        %parallel_loop3A_372 = arith.constant 16 : index
        %parallel_loop3A_373 = tpu.vector_load %arg8[%parallel_loop3A_371, %parallel_loop3A_372] {strides = array<i32>} : memref<1000x32xf32, #tpu.memory_space<vmem>>, vector<16xf32>,
        %parallel_loop3A_374 = arith.index_cast %parallel_loop3A_367 : i32 to index
        %parallel_loop3A_375 = arith.constant 0 : index
        %parallel_loop3A_376 = tpu.vector_load %arg9[%parallel_loop3A_374, %parallel_loop3A_375] {strides = array<i32>} : memref<1000x32xf32, #tpu.memory_space<vmem>>, vector<16xf32>,
        %parallel_loop3A_377 = arith.index_cast %parallel_loop3A_367 : i32 to index
        %parallel_loop3A_378 = arith.constant 16 : index
        %parallel_loop3A_379 = tpu.vector_load %arg9[%parallel_loop3A_377, %parallel_loop3A_378] {strides = array<i32>} : memref<1000x32xf32, #tpu.memory_space<vmem>>, vector<16xf32>,
        %parallel_loop3A_380 = arith.mulf %parallel_loop3A_370, %parallel_loop3A_376 : vector<16xf32>
        %parallel_loop3A_381 = arith.mulf %parallel_loop3A_373, %parallel_loop3A_379 : vector<16xf32>
        %parallel_loop3A_382 = arith.addf %parallel_loop3A_380, %parallel_loop3A_381 : vector<16xf32>
        %parallel_loop3A_383 = arith.constant true
        %parallel_loop3A_384 = vector.broadcast %parallel_loop3A_383 : i1 to vector<16xi1>
        %parallel_loop3A_385 = tpu.scan <sum>, %parallel_loop3A_382 masked %parallel_loop3A_384 : vector<16xf32>, vector<16xi1> -> vector<16xf32>
        %parallel_loop3A_386 = vector.extract %parallel_loop3A_385[15] : f32 from vector<16xf32>
        %parallel_loop3A_387 = arith.constant 10 : i32
        %parallel_loop3A_388 = vector.broadcast %parallel_loop3A_387 : i32 to vector<16xi32>
        %parallel_loop3A_389 = arith.cmpi eq, %iota3A, %parallel_loop3A_388 : vector<16xi32>
        %parallel_loop3A_390 = vector.broadcast %parallel_loop3A_386 : f32 to vector<16xf32>
        %parallel_loop3A_391 = arith.select %parallel_loop3A_389, %parallel_loop3A_390, %parallel_loop3A_363 : vector<16xi1>, vector<16xf32>
        %parallel_loop3A_392 = vector.extract_strided_slice %parallel_loop3A_76 {offsets = [11], sizes = [1], strides = [1]} : vector<16xi32> to vector<1xi32>
        %parallel_loop3A_393 = vector.extract %parallel_loop3A_392[0] : i32 from vector<1xi32>
        %parallel_loop3A_394 = vector.extract_strided_slice %parallel_loop3A_81 {offsets = [11], sizes = [1], strides = [1]} : vector<16xi32> to vector<1xi32>
        %parallel_loop3A_395 = vector.extract %parallel_loop3A_394[0] : i32 from vector<1xi32>
        %parallel_loop3A_396 = arith.index_cast %parallel_loop3A_393 : i32 to index
        %parallel_loop3A_397 = arith.constant 0 : index
        %parallel_loop3A_398 = tpu.vector_load %arg8[%parallel_loop3A_396, %parallel_loop3A_397] {strides = array<i32>} : memref<1000x32xf32, #tpu.memory_space<vmem>>, vector<16xf32>,
        %parallel_loop3A_399 = arith.index_cast %parallel_loop3A_393 : i32 to index
        %parallel_loop3A_400 = arith.constant 16 : index
        %parallel_loop3A_401 = tpu.vector_load %arg8[%parallel_loop3A_399, %parallel_loop3A_400] {strides = array<i32>} : memref<1000x32xf32, #tpu.memory_space<vmem>>, vector<16xf32>,
        %parallel_loop3A_402 = arith.index_cast %parallel_loop3A_395 : i32 to index
        %parallel_loop3A_403 = arith.constant 0 : index
        %parallel_loop3A_404 = tpu.vector_load %arg9[%parallel_loop3A_402, %parallel_loop3A_403] {strides = array<i32>} : memref<1000x32xf32, #tpu.memory_space<vmem>>, vector<16xf32>,
        %parallel_loop3A_405 = arith.index_cast %parallel_loop3A_395 : i32 to index
        %parallel_loop3A_406 = arith.constant 16 : index
        %parallel_loop3A_407 = tpu.vector_load %arg9[%parallel_loop3A_405, %parallel_loop3A_406] {strides = array<i32>} : memref<1000x32xf32, #tpu.memory_space<vmem>>, vector<16xf32>,
        %parallel_loop3A_408 = arith.mulf %parallel_loop3A_398, %parallel_loop3A_404 : vector<16xf32>
        %parallel_loop3A_409 = arith.mulf %parallel_loop3A_401, %parallel_loop3A_407 : vector<16xf32>
        %parallel_loop3A_410 = arith.addf %parallel_loop3A_408, %parallel_loop3A_409 : vector<16xf32>
        %parallel_loop3A_411 = arith.constant true
        %parallel_loop3A_412 = vector.broadcast %parallel_loop3A_411 : i1 to vector<16xi1>
        %parallel_loop3A_413 = tpu.scan <sum>, %parallel_loop3A_410 masked %parallel_loop3A_412 : vector<16xf32>, vector<16xi1> -> vector<16xf32>
        %parallel_loop3A_414 = vector.extract %parallel_loop3A_413[15] : f32 from vector<16xf32>
        %parallel_loop3A_415 = arith.constant 11 : i32
        %parallel_loop3A_416 = vector.broadcast %parallel_loop3A_415 : i32 to vector<16xi32>
        %parallel_loop3A_417 = arith.cmpi eq, %iota3A, %parallel_loop3A_416 : vector<16xi32>
        %parallel_loop3A_418 = vector.broadcast %parallel_loop3A_414 : f32 to vector<16xf32>
        %parallel_loop3A_419 = arith.select %parallel_loop3A_417, %parallel_loop3A_418, %parallel_loop3A_391 : vector<16xi1>, vector<16xf32>
        %parallel_loop3A_420 = vector.extract_strided_slice %parallel_loop3A_76 {offsets = [12], sizes = [1], strides = [1]} : vector<16xi32> to vector<1xi32>
        %parallel_loop3A_421 = vector.extract %parallel_loop3A_420[0] : i32 from vector<1xi32>
        %parallel_loop3A_422 = vector.extract_strided_slice %parallel_loop3A_81 {offsets = [12], sizes = [1], strides = [1]} : vector<16xi32> to vector<1xi32>
        %parallel_loop3A_423 = vector.extract %parallel_loop3A_422[0] : i32 from vector<1xi32>
        %parallel_loop3A_424 = arith.index_cast %parallel_loop3A_421 : i32 to index
        %parallel_loop3A_425 = arith.constant 0 : index
        %parallel_loop3A_426 = tpu.vector_load %arg8[%parallel_loop3A_424, %parallel_loop3A_425] {strides = array<i32>} : memref<1000x32xf32, #tpu.memory_space<vmem>>, vector<16xf32>,
        %parallel_loop3A_427 = arith.index_cast %parallel_loop3A_421 : i32 to index
        %parallel_loop3A_428 = arith.constant 16 : index
        %parallel_loop3A_429 = tpu.vector_load %arg8[%parallel_loop3A_427, %parallel_loop3A_428] {strides = array<i32>} : memref<1000x32xf32, #tpu.memory_space<vmem>>, vector<16xf32>,
        %parallel_loop3A_430 = arith.index_cast %parallel_loop3A_423 : i32 to index
        %parallel_loop3A_431 = arith.constant 0 : index
        %parallel_loop3A_432 = tpu.vector_load %arg9[%parallel_loop3A_430, %parallel_loop3A_431] {strides = array<i32>} : memref<1000x32xf32, #tpu.memory_space<vmem>>, vector<16xf32>,
        %parallel_loop3A_433 = arith.index_cast %parallel_loop3A_423 : i32 to index
        %parallel_loop3A_434 = arith.constant 16 : index
        %parallel_loop3A_435 = tpu.vector_load %arg9[%parallel_loop3A_433, %parallel_loop3A_434] {strides = array<i32>} : memref<1000x32xf32, #tpu.memory_space<vmem>>, vector<16xf32>,
        %parallel_loop3A_436 = arith.mulf %parallel_loop3A_426, %parallel_loop3A_432 : vector<16xf32>
        %parallel_loop3A_437 = arith.mulf %parallel_loop3A_429, %parallel_loop3A_435 : vector<16xf32>
        %parallel_loop3A_438 = arith.addf %parallel_loop3A_436, %parallel_loop3A_437 : vector<16xf32>
        %parallel_loop3A_439 = arith.constant true
        %parallel_loop3A_440 = vector.broadcast %parallel_loop3A_439 : i1 to vector<16xi1>
        %parallel_loop3A_441 = tpu.scan <sum>, %parallel_loop3A_438 masked %parallel_loop3A_440 : vector<16xf32>, vector<16xi1> -> vector<16xf32>
        %parallel_loop3A_442 = vector.extract %parallel_loop3A_441[15] : f32 from vector<16xf32>
        %parallel_loop3A_443 = arith.constant 12 : i32
        %parallel_loop3A_444 = vector.broadcast %parallel_loop3A_443 : i32 to vector<16xi32>
        %parallel_loop3A_445 = arith.cmpi eq, %iota3A, %parallel_loop3A_444 : vector<16xi32>
        %parallel_loop3A_446 = vector.broadcast %parallel_loop3A_442 : f32 to vector<16xf32>
        %parallel_loop3A_447 = arith.select %parallel_loop3A_445, %parallel_loop3A_446, %parallel_loop3A_419 : vector<16xi1>, vector<16xf32>
        %parallel_loop3A_448 = vector.extract_strided_slice %parallel_loop3A_76 {offsets = [13], sizes = [1], strides = [1]} : vector<16xi32> to vector<1xi32>
        %parallel_loop3A_449 = vector.extract %parallel_loop3A_448[0] : i32 from vector<1xi32>
        %parallel_loop3A_450 = vector.extract_strided_slice %parallel_loop3A_81 {offsets = [13], sizes = [1], strides = [1]} : vector<16xi32> to vector<1xi32>
        %parallel_loop3A_451 = vector.extract %parallel_loop3A_450[0] : i32 from vector<1xi32>
        %parallel_loop3A_452 = arith.index_cast %parallel_loop3A_449 : i32 to index
        %parallel_loop3A_453 = arith.constant 0 : index
        %parallel_loop3A_454 = tpu.vector_load %arg8[%parallel_loop3A_452, %parallel_loop3A_453] {strides = array<i32>} : memref<1000x32xf32, #tpu.memory_space<vmem>>, vector<16xf32>,
        %parallel_loop3A_455 = arith.index_cast %parallel_loop3A_449 : i32 to index
        %parallel_loop3A_456 = arith.constant 16 : index
        %parallel_loop3A_457 = tpu.vector_load %arg8[%parallel_loop3A_455, %parallel_loop3A_456] {strides = array<i32>} : memref<1000x32xf32, #tpu.memory_space<vmem>>, vector<16xf32>,
        %parallel_loop3A_458 = arith.index_cast %parallel_loop3A_451 : i32 to index
        %parallel_loop3A_459 = arith.constant 0 : index
        %parallel_loop3A_460 = tpu.vector_load %arg9[%parallel_loop3A_458, %parallel_loop3A_459] {strides = array<i32>} : memref<1000x32xf32, #tpu.memory_space<vmem>>, vector<16xf32>,
        %parallel_loop3A_461 = arith.index_cast %parallel_loop3A_451 : i32 to index
        %parallel_loop3A_462 = arith.constant 16 : index
        %parallel_loop3A_463 = tpu.vector_load %arg9[%parallel_loop3A_461, %parallel_loop3A_462] {strides = array<i32>} : memref<1000x32xf32, #tpu.memory_space<vmem>>, vector<16xf32>,
        %parallel_loop3A_464 = arith.mulf %parallel_loop3A_454, %parallel_loop3A_460 : vector<16xf32>
        %parallel_loop3A_465 = arith.mulf %parallel_loop3A_457, %parallel_loop3A_463 : vector<16xf32>
        %parallel_loop3A_466 = arith.addf %parallel_loop3A_464, %parallel_loop3A_465 : vector<16xf32>
        %parallel_loop3A_467 = arith.constant true
        %parallel_loop3A_468 = vector.broadcast %parallel_loop3A_467 : i1 to vector<16xi1>
        %parallel_loop3A_469 = tpu.scan <sum>, %parallel_loop3A_466 masked %parallel_loop3A_468 : vector<16xf32>, vector<16xi1> -> vector<16xf32>
        %parallel_loop3A_470 = vector.extract %parallel_loop3A_469[15] : f32 from vector<16xf32>
        %parallel_loop3A_471 = arith.constant 13 : i32
        %parallel_loop3A_472 = vector.broadcast %parallel_loop3A_471 : i32 to vector<16xi32>
        %parallel_loop3A_473 = arith.cmpi eq, %iota3A, %parallel_loop3A_472 : vector<16xi32>
        %parallel_loop3A_474 = vector.broadcast %parallel_loop3A_470 : f32 to vector<16xf32>
        %parallel_loop3A_475 = arith.select %parallel_loop3A_473, %parallel_loop3A_474, %parallel_loop3A_447 : vector<16xi1>, vector<16xf32>
        %parallel_loop3A_476 = vector.extract_strided_slice %parallel_loop3A_76 {offsets = [14], sizes = [1], strides = [1]} : vector<16xi32> to vector<1xi32>
        %parallel_loop3A_477 = vector.extract %parallel_loop3A_476[0] : i32 from vector<1xi32>
        %parallel_loop3A_478 = vector.extract_strided_slice %parallel_loop3A_81 {offsets = [14], sizes = [1], strides = [1]} : vector<16xi32> to vector<1xi32>
        %parallel_loop3A_479 = vector.extract %parallel_loop3A_478[0] : i32 from vector<1xi32>
        %parallel_loop3A_480 = arith.index_cast %parallel_loop3A_477 : i32 to index
        %parallel_loop3A_481 = arith.constant 0 : index
        %parallel_loop3A_482 = tpu.vector_load %arg8[%parallel_loop3A_480, %parallel_loop3A_481] {strides = array<i32>} : memref<1000x32xf32, #tpu.memory_space<vmem>>, vector<16xf32>,
        %parallel_loop3A_483 = arith.index_cast %parallel_loop3A_477 : i32 to index
        %parallel_loop3A_484 = arith.constant 16 : index
        %parallel_loop3A_485 = tpu.vector_load %arg8[%parallel_loop3A_483, %parallel_loop3A_484] {strides = array<i32>} : memref<1000x32xf32, #tpu.memory_space<vmem>>, vector<16xf32>,
        %parallel_loop3A_486 = arith.index_cast %parallel_loop3A_479 : i32 to index
        %parallel_loop3A_487 = arith.constant 0 : index
        %parallel_loop3A_488 = tpu.vector_load %arg9[%parallel_loop3A_486, %parallel_loop3A_487] {strides = array<i32>} : memref<1000x32xf32, #tpu.memory_space<vmem>>, vector<16xf32>,
        %parallel_loop3A_489 = arith.index_cast %parallel_loop3A_479 : i32 to index
        %parallel_loop3A_490 = arith.constant 16 : index
        %parallel_loop3A_491 = tpu.vector_load %arg9[%parallel_loop3A_489, %parallel_loop3A_490] {strides = array<i32>} : memref<1000x32xf32, #tpu.memory_space<vmem>>, vector<16xf32>,
        %parallel_loop3A_492 = arith.mulf %parallel_loop3A_482, %parallel_loop3A_488 : vector<16xf32>
        %parallel_loop3A_493 = arith.mulf %parallel_loop3A_485, %parallel_loop3A_491 : vector<16xf32>
        %parallel_loop3A_494 = arith.addf %parallel_loop3A_492, %parallel_loop3A_493 : vector<16xf32>
        %parallel_loop3A_495 = arith.constant true
        %parallel_loop3A_496 = vector.broadcast %parallel_loop3A_495 : i1 to vector<16xi1>
        %parallel_loop3A_497 = tpu.scan <sum>, %parallel_loop3A_494 masked %parallel_loop3A_496 : vector<16xf32>, vector<16xi1> -> vector<16xf32>
        %parallel_loop3A_498 = vector.extract %parallel_loop3A_497[15] : f32 from vector<16xf32>
        %parallel_loop3A_499 = arith.constant 14 : i32
        %parallel_loop3A_500 = vector.broadcast %parallel_loop3A_499 : i32 to vector<16xi32>
        %parallel_loop3A_501 = arith.cmpi eq, %iota3A, %parallel_loop3A_500 : vector<16xi32>
        %parallel_loop3A_502 = vector.broadcast %parallel_loop3A_498 : f32 to vector<16xf32>
        %parallel_loop3A_503 = arith.select %parallel_loop3A_501, %parallel_loop3A_502, %parallel_loop3A_475 : vector<16xi1>, vector<16xf32>
        %parallel_loop3A_504 = vector.extract_strided_slice %parallel_loop3A_76 {offsets = [15], sizes = [1], strides = [1]} : vector<16xi32> to vector<1xi32>
        %parallel_loop3A_505 = vector.extract %parallel_loop3A_504[0] : i32 from vector<1xi32>
        %parallel_loop3A_506 = vector.extract_strided_slice %parallel_loop3A_81 {offsets = [15], sizes = [1], strides = [1]} : vector<16xi32> to vector<1xi32>
        %parallel_loop3A_507 = vector.extract %parallel_loop3A_506[0] : i32 from vector<1xi32>
        %parallel_loop3A_508 = arith.index_cast %parallel_loop3A_505 : i32 to index
        %parallel_loop3A_509 = arith.constant 0 : index
        %parallel_loop3A_510 = tpu.vector_load %arg8[%parallel_loop3A_508, %parallel_loop3A_509] {strides = array<i32>} : memref<1000x32xf32, #tpu.memory_space<vmem>>, vector<16xf32>,
        %parallel_loop3A_511 = arith.index_cast %parallel_loop3A_505 : i32 to index
        %parallel_loop3A_512 = arith.constant 16 : index
        %parallel_loop3A_513 = tpu.vector_load %arg8[%parallel_loop3A_511, %parallel_loop3A_512] {strides = array<i32>} : memref<1000x32xf32, #tpu.memory_space<vmem>>, vector<16xf32>,
        %parallel_loop3A_514 = arith.index_cast %parallel_loop3A_507 : i32 to index
        %parallel_loop3A_515 = arith.constant 0 : index
        %parallel_loop3A_516 = tpu.vector_load %arg9[%parallel_loop3A_514, %parallel_loop3A_515] {strides = array<i32>} : memref<1000x32xf32, #tpu.memory_space<vmem>>, vector<16xf32>,
        %parallel_loop3A_517 = arith.index_cast %parallel_loop3A_507 : i32 to index
        %parallel_loop3A_518 = arith.constant 16 : index
        %parallel_loop3A_519 = tpu.vector_load %arg9[%parallel_loop3A_517, %parallel_loop3A_518] {strides = array<i32>} : memref<1000x32xf32, #tpu.memory_space<vmem>>, vector<16xf32>,
        %parallel_loop3A_520 = arith.mulf %parallel_loop3A_510, %parallel_loop3A_516 : vector<16xf32>
        %parallel_loop3A_521 = arith.mulf %parallel_loop3A_513, %parallel_loop3A_519 : vector<16xf32>
        %parallel_loop3A_522 = arith.addf %parallel_loop3A_520, %parallel_loop3A_521 : vector<16xf32>
        %parallel_loop3A_523 = arith.constant true
        %parallel_loop3A_524 = vector.broadcast %parallel_loop3A_523 : i1 to vector<16xi1>
        %parallel_loop3A_525 = tpu.scan <sum>, %parallel_loop3A_522 masked %parallel_loop3A_524 : vector<16xf32>, vector<16xi1> -> vector<16xf32>
        %parallel_loop3A_526 = vector.extract %parallel_loop3A_525[15] : f32 from vector<16xf32>
        %parallel_loop3A_527 = arith.constant 15 : i32
        %parallel_loop3A_528 = vector.broadcast %parallel_loop3A_527 : i32 to vector<16xi32>
        %parallel_loop3A_529 = arith.cmpi eq, %iota3A, %parallel_loop3A_528 : vector<16xi32>
        %parallel_loop3A_530 = vector.broadcast %parallel_loop3A_526 : f32 to vector<16xf32>
        %parallel_loop3A_531 = arith.select %parallel_loop3A_529, %parallel_loop3A_530, %parallel_loop3A_503 : vector<16xi1>, vector<16xf32>
        %parallel_loop3A_532 = arith.constant 16 : i32
        %parallel_loop3A_533 = arith.muli %parallel_loop3A_71, %parallel_loop3A_532 : i32
        %parallel_loop3A_534 = arith.index_cast %parallel_loop3A_533 : i32 to index
        %parallel_loop3A_535 = tpu.vector_load %arg10[%parallel_loop3A_534] {strides = array<i32>} : memref<1024xf32, #tpu.memory_space<vmem>>, vector<16xf32>,
        tpu.vector_store %arg10[%parallel_loop3A_534], %parallel_loop3A_531 {strides = array<i32>} : memref<1024xf32, #tpu.memory_space<vmem>>, vector<16xf32>,
      } {sc.loop_unroll_factor = 1 : i64, sc.parallel_access}
      %add3A_61 = arith.addi %add3A_6, %while3A_26 : i32
      "tpu.region"() ({
        %run_scoped3A = tpu.sem_alloc : memref<!tpu.dma_semaphore, #tpu.memory_space<semaphore_mem>>
        %dma_start3A_71 = arith.constant 0 : i32
        %dma_start3A_72 = tpu.memref_slice %arg5[%add3A_61, %dma_start3A_71] : memref<325x1024xf32, #tpu.memory_space<hbm>> -> memref<1x1024xf32, #tpu.memory_space<hbm>>
        %dma_start3A_73 = tpu.memref_squeeze %dma_start3A_72 : memref<1x1024xf32, #tpu.memory_space<hbm>> -> memref<1024xf32, #tpu.memory_space<hbm>>
        %dma_start3A_74 = arith.constant 0 : i32
        %dma_start3A_75 = tpu.memref_slice %arg5[%add3A_61, %dma_start3A_74] : memref<325x1024xf32, #tpu.memory_space<hbm>> -> memref<1x1024xf32, #tpu.memory_space<hbm>>
        %dma_start3A_76 = tpu.memref_squeeze %dma_start3A_75 : memref<1x1024xf32, #tpu.memory_space<hbm>> -> memref<1024xf32, #tpu.memory_space<hbm>>
        tpu.enqueue_dma source(%arg10 : memref<1024xf32, #tpu.memory_space<vmem>>) target(%dma_start3A_76 : memref<1024xf32, #tpu.memory_space<hbm>>) target_semaphore(%run_scoped3A : memref<!tpu.dma_semaphore, #tpu.memory_space<semaphore_mem>>)
        %dma_wait3A_77 = arith.constant 0 : i32
        %dma_wait3A_78 = tpu.memref_slice %arg5[%add3A_61, %dma_wait3A_77] : memref<325x1024xf32, #tpu.memory_space<hbm>> -> memref<1x1024xf32, #tpu.memory_space<hbm>>
        %dma_wait3A_79 = tpu.memref_squeeze %dma_wait3A_78 : memref<1x1024xf32, #tpu.memory_space<hbm>> -> memref<1024xf32, #tpu.memory_space<hbm>>
        %dma_wait3A_80 = arith.constant 0 : i32
        %dma_wait3A_81 = tpu.memref_slice %arg5[%add3A_61, %dma_wait3A_80] : memref<325x1024xf32, #tpu.memory_space<hbm>> -> memref<1x1024xf32, #tpu.memory_space<hbm>>
        %dma_wait3A_82 = tpu.memref_squeeze %dma_wait3A_81 : memref<1x1024xf32, #tpu.memory_space<hbm>> -> memref<1024xf32, #tpu.memory_space<hbm>>
        tpu.wait_dma2 semaphore(%run_scoped3A : memref<!tpu.dma_semaphore, #tpu.memory_space<semaphore_mem>>) src(%arg10 : memref<1024xf32, #tpu.memory_space<vmem>>) dst(%dma_wait3A_82 : memref<1024xf32, #tpu.memory_space<hbm>>)
        tpu.yield
      }) : () -> ()
      %add3A_62 = arith.constant 1 : i32
      %add3A_63 = arith.addi %while3A_28, %add3A_62 : i32
      %eq3A = arith.constant 26 : i32
      %eq3A_64 = arith.cmpi eq, %add3A_63, %eq3A : i32
      %add3A_65 = arith.constant 1 : i32
      %add3A_66 = arith.addi %while3A_27, %add3A_65 : i32
      %select_n3A_67 = arith.select %eq3A_64, %add3A_66, %while3A_27 : i32
      %add3A_68 = arith.constant 1 : i32
      %add3A_69 = arith.addi %select_n3A_67, %add3A_68 : i32
      %select_n3A_70 = arith.select %eq3A_64, %add3A_69, %add3A_63 : i32
      scf.yield %select_n3A_67, %select_n3A_70 : i32, i32
    }
    return
  }
}

module attributes {stable_mosaic.version = 14 : i64} {
  func.func @_mlp_body(%arg0: memref<325x1024xf32, #tpu.memory_space<vmem>>, %arg1: memref<26x1024xf32, #tpu.memory_space<vmem>>, %arg2: memref<1024x26xf32, #tpu.memory_space<vmem>>, %arg3: memref<325x26xf32, #tpu.memory_space<vmem>>, %arg4: memref<325x26xf32, #tpu.memory_space<vmem>>, %arg5: memref<300x325xf32, #tpu.memory_space<vmem>>, %arg6: memref<300x1xf32, #tpu.memory_space<vmem>>, %arg7: memref<150x300xf32, #tpu.memory_space<vmem>>, %arg8: memref<150x1xf32, #tpu.memory_space<vmem>>, %arg9: memref<5x176xf32, #tpu.memory_space<vmem>>, %arg10: memref<5x1xf32, #tpu.memory_space<vmem>>, %arg11: memref<1024x5xf32, #tpu.memory_space<vmem>>, %arg12: memref<1024xi32, #tpu.memory_space<vmem>>) attributes {dimension_semantics = [], scalar_prefetch = 0 : i64, scratch_operands = 0 : i64, tpu.core_type = #tpu.core_type<tc>} {
    %get3A = arith.constant 0 : index
    %get3A_0 = arith.constant 0 : index
    %get3A_1 = vector.load %arg2[%get3A, %get3A_0] : memref<1024x26xf32, #tpu.memory_space<vmem>>, vector<1024x26xf32>
    %transpose3A = tpu.transpose %get3A_1, [1, 0] : vector<1024x26xf32> -> vector<26x1024xf32>
    %get3A_2 = arith.constant 0 : index
    %get3A_3 = arith.constant 0 : index
    %get3A_4 = vector.load %arg3[%get3A_2, %get3A_3] : memref<325x26xf32, #tpu.memory_space<vmem>>, vector<325x26xf32>
    %dot_general3A = arith.constant dense<0.000000e+00> : vector<325x1024xf32>
    %dot_general3A_5 = tpu.matmul %get3A_4, %transpose3A, %dot_general3A {dimension_numbers = #tpu.dot_dimension_numbers<[1], [0], [0], [1], [0, 0, 1, 1], [], []>, transpose_lhs_hint = false} : vector<325x26xf32>, vector<26x1024xf32>, vector<325x1024xf32> -> vector<325x1024xf32>
    %get3A_6 = arith.constant 0 : index
    %get3A_7 = arith.constant 0 : index
    %get3A_8 = vector.load %arg4[%get3A_6, %get3A_7] : memref<325x26xf32, #tpu.memory_space<vmem>>, vector<325x26xf32>
    %dot_general3A_9 = arith.constant dense<0.000000e+00> : vector<325x1024xf32>
    %dot_general3A_10 = tpu.matmul %get3A_8, %transpose3A, %dot_general3A_9 {dimension_numbers = #tpu.dot_dimension_numbers<[1], [0], [0], [1], [0, 0, 1, 1], [], []>, transpose_lhs_hint = false} : vector<325x26xf32>, vector<26x1024xf32>, vector<325x1024xf32> -> vector<325x1024xf32>
    %get3A_11 = arith.constant 0 : index
    %get3A_12 = arith.constant 0 : index
    %get3A_13 = vector.load %arg0[%get3A_11, %get3A_12] : memref<325x1024xf32, #tpu.memory_space<vmem>>, vector<325x1024xf32>
    %mul3A = arith.mulf %get3A_13, %dot_general3A_5 : vector<325x1024xf32>
    %mul3A_14 = arith.mulf %mul3A, %dot_general3A_10 : vector<325x1024xf32>
    %get3A_15 = arith.constant 0 : index
    %get3A_16 = arith.constant 0 : index
    %get3A_17 = vector.load %arg5[%get3A_15, %get3A_16] : memref<300x325xf32, #tpu.memory_space<vmem>>, vector<300x325xf32>
    %dot_general3A_18 = arith.constant dense<0.000000e+00> : vector<300x1024xf32>
    %dot_general3A_19 = tpu.matmul %get3A_17, %mul3A_14, %dot_general3A_18 {dimension_numbers = #tpu.dot_dimension_numbers<[1], [0], [0], [1], [0, 0, 1, 1], [], []>, transpose_lhs_hint = false} : vector<300x325xf32>, vector<325x1024xf32>, vector<300x1024xf32> -> vector<300x1024xf32>
    %get3A_20 = arith.constant 0 : index
    %get3A_21 = arith.constant 0 : index
    %get3A_22 = vector.load %arg6[%get3A_20, %get3A_21] : memref<300x1xf32, #tpu.memory_space<vmem>>, vector<300x1xf32>
    %add3A = vector.broadcast %get3A_22 : vector<300x1xf32> to vector<300x1024xf32>
    %add3A_23 = arith.addf %dot_general3A_19, %add3A : vector<300x1024xf32>
    %max3A = arith.constant 0.000000e+00 : f32
    %max3A_24 = vector.broadcast %max3A : f32 to vector<300x1024xf32>
    %max3A_25 = arith.maximumf %add3A_23, %max3A_24 : vector<300x1024xf32>
    %get3A_26 = arith.constant 0 : index
    %get3A_27 = arith.constant 0 : index
    %get3A_28 = vector.load %arg7[%get3A_26, %get3A_27] : memref<150x300xf32, #tpu.memory_space<vmem>>, vector<150x300xf32>
    %dot_general3A_29 = arith.constant dense<0.000000e+00> : vector<150x1024xf32>
    %dot_general3A_30 = tpu.matmul %get3A_28, %max3A_25, %dot_general3A_29 {dimension_numbers = #tpu.dot_dimension_numbers<[1], [0], [0], [1], [0, 0, 1, 1], [], []>, transpose_lhs_hint = false} : vector<150x300xf32>, vector<300x1024xf32>, vector<150x1024xf32> -> vector<150x1024xf32>
    %get3A_31 = arith.constant 0 : index
    %get3A_32 = arith.constant 0 : index
    %get3A_33 = vector.load %arg8[%get3A_31, %get3A_32] : memref<150x1xf32, #tpu.memory_space<vmem>>, vector<150x1xf32>
    %add3A_34 = vector.broadcast %get3A_33 : vector<150x1xf32> to vector<150x1024xf32>
    %add3A_35 = arith.addf %dot_general3A_30, %add3A_34 : vector<150x1024xf32>
    %max3A_36 = arith.constant 0.000000e+00 : f32
    %max3A_37 = vector.broadcast %max3A_36 : f32 to vector<150x1024xf32>
    %max3A_38 = arith.maximumf %add3A_35, %max3A_37 : vector<150x1024xf32>
    %get3A_39 = arith.constant 0 : index
    %get3A_40 = arith.constant 0 : index
    %get3A_41 = vector.load %arg1[%get3A_39, %get3A_40] : memref<26x1024xf32, #tpu.memory_space<vmem>>, vector<26x1024xf32>
    %mul3A_42 = arith.mulf %get3A_41, %transpose3A : vector<26x1024xf32>
    %concatenate3A = tpu.concatenate %mul3A_42, %max3A_38 in 0 : vector<26x1024xf32>, vector<150x1024xf32> -> vector<176x1024xf32>
    %get3A_43 = arith.constant 0 : index
    %get3A_44 = arith.constant 0 : index
    %get3A_45 = vector.load %arg9[%get3A_43, %get3A_44] : memref<5x176xf32, #tpu.memory_space<vmem>>, vector<5x176xf32>
    %dot_general3A_46 = arith.constant dense<0.000000e+00> : vector<5x1024xf32>
    %dot_general3A_47 = tpu.matmul %get3A_45, %concatenate3A, %dot_general3A_46 {dimension_numbers = #tpu.dot_dimension_numbers<[1], [0], [0], [1], [0, 0, 1, 1], [], []>, transpose_lhs_hint = false} : vector<5x176xf32>, vector<176x1024xf32>, vector<5x1024xf32> -> vector<5x1024xf32>
    %get3A_48 = arith.constant 0 : index
    %get3A_49 = arith.constant 0 : index
    %get3A_50 = vector.load %arg10[%get3A_48, %get3A_49] : memref<5x1xf32, #tpu.memory_space<vmem>>, vector<5x1xf32>
    %add3A_51 = vector.broadcast %get3A_50 : vector<5x1xf32> to vector<5x1024xf32>
    %add3A_52 = arith.addf %dot_general3A_47, %add3A_51 : vector<5x1024xf32>
    %transpose3A_53 = tpu.transpose %add3A_52, [1, 0] : vector<5x1024xf32> -> vector<1024x5xf32>
    %swap3A = arith.constant 0 : index
    %swap3A_54 = arith.constant 0 : index
    %swap3A_55 = vector.load %arg11[%swap3A, %swap3A_54] : memref<1024x5xf32, #tpu.memory_space<vmem>>, vector<1024x5xf32>
    tpu.vector_store %arg11[%swap3A, %swap3A_54], %transpose3A_53 {strides = array<i32>} : memref<1024x5xf32, #tpu.memory_space<vmem>>, vector<1024x5xf32>,
    %slice3A = vector.extract_strided_slice %add3A_52 {offsets = [0, 0], sizes = [1, 1024], strides = [1, 1]} : vector<5x1024xf32> to vector<1x1024xf32>
    %broadcast_in_dim3A = arith.constant 0 : i32
    %broadcast_in_dim3A_56 = vector.broadcast %broadcast_in_dim3A : i32 to vector<1x1024xi32>
    %slice3A_57 = vector.extract_strided_slice %add3A_52 {offsets = [1, 0], sizes = [1, 1024], strides = [1, 1]} : vector<5x1024xf32> to vector<1x1024xf32>
    %gt3A = arith.cmpf ogt, %slice3A_57, %slice3A : vector<1x1024xf32>
    %select_n3A = arith.select %gt3A, %slice3A_57, %slice3A : vector<1x1024xi1>, vector<1x1024xf32>
    %jit3A = arith.constant 1 : i32
    %broadcast_in_dim3A_58 = vector.broadcast %jit3A : i32 to vector<1x1024xi32>
    %select_n3A_59 = arith.select %gt3A, %broadcast_in_dim3A_58, %broadcast_in_dim3A_56 : vector<1x1024xi1>, vector<1x1024xi32>
    %slice3A_60 = vector.extract_strided_slice %add3A_52 {offsets = [2, 0], sizes = [1, 1024], strides = [1, 1]} : vector<5x1024xf32> to vector<1x1024xf32>
    %gt3A_61 = arith.cmpf ogt, %slice3A_60, %select_n3A : vector<1x1024xf32>
    %select_n3A_62 = arith.select %gt3A_61, %slice3A_60, %select_n3A : vector<1x1024xi1>, vector<1x1024xf32>
    %jit3A_63 = arith.constant 2 : i32
    %broadcast_in_dim3A_64 = vector.broadcast %jit3A_63 : i32 to vector<1x1024xi32>
    %select_n3A_65 = arith.select %gt3A_61, %broadcast_in_dim3A_64, %select_n3A_59 : vector<1x1024xi1>, vector<1x1024xi32>
    %slice3A_66 = vector.extract_strided_slice %add3A_52 {offsets = [3, 0], sizes = [1, 1024], strides = [1, 1]} : vector<5x1024xf32> to vector<1x1024xf32>
    %gt3A_67 = arith.cmpf ogt, %slice3A_66, %select_n3A_62 : vector<1x1024xf32>
    %select_n3A_68 = arith.select %gt3A_67, %slice3A_66, %select_n3A_62 : vector<1x1024xi1>, vector<1x1024xf32>
    %jit3A_69 = arith.constant 3 : i32
    %broadcast_in_dim3A_70 = vector.broadcast %jit3A_69 : i32 to vector<1x1024xi32>
    %select_n3A_71 = arith.select %gt3A_67, %broadcast_in_dim3A_70, %select_n3A_65 : vector<1x1024xi1>, vector<1x1024xi32>
    %slice3A_72 = vector.extract_strided_slice %add3A_52 {offsets = [4, 0], sizes = [1, 1024], strides = [1, 1]} : vector<5x1024xf32> to vector<1x1024xf32>
    %gt3A_73 = arith.cmpf ogt, %slice3A_72, %select_n3A_68 : vector<1x1024xf32>
    %jit3A_74 = arith.constant 4 : i32
    %broadcast_in_dim3A_75 = vector.broadcast %jit3A_74 : i32 to vector<1x1024xi32>
    %select_n3A_76 = arith.select %gt3A_73, %broadcast_in_dim3A_75, %select_n3A_71 : vector<1x1024xi1>, vector<1x1024xi32>
    %reshape3A = vector.shape_cast %select_n3A_76 : vector<1x1024xi32> to vector<1024xi32>
    %swap3A_77 = arith.constant 0 : index
    %swap3A_78 = vector.load %arg12[%swap3A_77] : memref<1024xi32, #tpu.memory_space<vmem>>, vector<1024xi32>
    tpu.vector_store %arg12[%swap3A_77], %reshape3A {strides = array<i32>} : memref<1024xi32, #tpu.memory_space<vmem>>, vector<1024xi32>,
    return
  }
}

</mosaic_0001>

<sc_bundles>
// kernel: kernel.4.cloned.1.call-start
scs
__scs_entry_jumppad:
0x0: {  	(pc) =	sbr.rel $0x88, $3  }
0x1: {  	(tag) =	ssettag $0x0;
	lr =	simm.s32 $0x1  }
0x2: {  	[smem:$0x3F97] =	sst lr;
	_ =	strace $0xD0000000  }
0x3: {  	_ = 	snop  }
0x4: {  	_ = 	snop  }
0x5: {  	_ = 	snop  }
0x6: {  	_ = 	snop  }
0x7: {  	_ = 	snop  }
__scs_overlays_trampoline_lowered:
0x8: {  	[smem:$0x3FA6] =	sst s0  }
0x9: {  	[smem:$0x3FA7] =	sst s1  }
0xa: {  	[smem:$0x3FA8] =	sst s2  }
0xb: {  	[smem:$0x3FA9] =	sst s3  }
0xc: {  	[smem:$0x3FAA] =	sst s4  }
0xd: {  	[smem:$0x3FAB] =	sst s5  }
0xe: {  	[smem:$0x3FAC] =	sst s6  }
0xf: {  	[smem:$0x3FAD] =	sst s7  }
0x10: {  	[smem:$0x3FAE] =	sst s8  }
0x11: {  	[smem:$0x3FAF] =	sst s9;
	s0 =	simm.s32 @!p0 $0x0  }
0x12: {  	s1 =	sld [smem:$0x3F95];
	s0 =	simm.s32 @p0 $0x1  }
0x13: {  	[smem:$0x3FB0] =	sst s0;
	s0 =	simm.s32 @!p1 $0x0  }
0x14: {  	s2 =	sld [smem:$0x3F94];
	s0 =	simm.s32 @p1 $0x1  }
0x15: {  	[smem:$0x3FB1] =	sst s0;
	s0 =	simm.s32 @!p2 $0x0  }
0x16: {  	s3 =	sld [smem:$0x3FDB];
	s0 =	simm.s32 @p2 $0x1  }
0x17: {  	s4 =	simm.s32 $0x1BF5;
	[smem:$0x3FB3] =	sst s0  }
0x18: {  	s0 =	sld [smem:$0x3F96];
	_ =	swait.ge [sflag:s4], $0x0  }
0x19: {  	s7 =	sld [smem:$0x3F97]  }
0x1a: {  	s8 =	sadd.s32 $0xFFFFE003, lr  }
0x1b: {  	s9 =	sadd.s32 $0xFFFFFEF7, lr;
	s5 =	simm.s32 $0xFFFFFFFF;
	p2 =	slt.u32 s8, $0xFFFFF086  }
0x1c: {  	p1 =	slt.u32 s9, $0xF7A;
	s5 =	simm.s32 @!p2 $0x0  }
0x1d: {  	s5 =	simm.s32 @p1 $0x1;
	p0 =	seq.s32 s7, s2  }
0x1e: {  	s7 =	smul.u32 @!p0 $0xF7A, s2;
	p2 =	seq.s32 @!p0 s5, $0x0  }
0x1f: {  	s9 =	smul.u32 $0xF7A, s1;
	s8 =	simm.s32 @!p0 $0x1BF5;
	p2 =	por !p2, p0  }
0x20: {  	[sflag:s8] =	ssyncset.s32 @!p0 $0xFFFFF086;
	s6 =	sadd.s32 @!p0 s3, s7;
	s7 =	simm.s32 @!p0 $0x108  }
0x21: {  	s3 =	sadd.s32 s3, s9;
	s6 =	sadd.s32 @!p0 $0x88, s6;
	s7 =	simm.s32 @p2 $0x1082  }
0x22: {  	[simem:s7], [sflag:s8] =	dma.local @!p0 [hbm:s6], $0xF7A  }
0x23: {  	s9 =	sor.u32 $0xD0000000, s2;
	s6 =	simm.s32 $0x108;
	_ =	swait.ge @!p0 [sflag:s8], $0x0  }
0x24: {  	s3 =	sadd.s32 $0x88, s3;
	s6 =	simm.s32 @!p1 $0x1082;
	[sflag:s4] =	ssyncset.s32 $0xFFFFF086  }
0x25: {  	[simem:s6], [sflag:s4] =	dma.local [hbm:s3], $0xF7A  }
0x26: {  	[smem:$0x3F97] =	sst s1;
	(tag) =	ssettag s2;
	_ =	strace s9  }
0x27: {  	s1 =	sld [smem:$0x3FA7]  }
0x28: {  	s2 =	sld [smem:$0x3FA8]  }
0x29: {  	s4 =	sld [smem:$0x3FAA]  }
0x2a: {  	p0 =	seq.s32 s5, $0x0;
	s5 =	sld [smem:$0x3FAB]  }
0x2b: {  	s6 =	sld [smem:$0x3FAC]  }
0x2c: {  	s7 =	sld [smem:$0x3FAD]  }
0x2d: {  	s3 =	simm.s32 $0x108;
	s8 =	sld [smem:$0x3FAE]  }
0x2e: {  	s3 =	simm.s32 @!p0 $0x1082;
	s9 =	sld [smem:$0x3FAF]  }
0x2f: {  	lr =	sadd.s32 s0, s3;
	s0 =	sld [smem:$0x3FA6]  }
0x30: {  	s3 =	sld [smem:$0x3FA9]  }
0x31: {  	[smem:$0x3FB2] =	sst s10  }
0x32: {  	s10 =	sld [smem:$0x3FB0];
	_ =	sdelay $0x3  }
0x33: {  	p0 =	seq.s32 s10, $0x1;
	s10 =	sld [smem:$0x3FB2];
	_ =	sdelay $0x3  }
0x34: {  	[smem:$0x3FB2] =	sst s10  }
0x35: {  	s10 =	sld [smem:$0x3FB1];
	_ =	sdelay $0x3  }
0x36: {  	p1 =	seq.s32 s10, $0x1;
	s10 =	sld [smem:$0x3FB2];
	_ =	sdelay $0x3  }
0x37: {  	[smem:$0x3FB2] =	sst s10  }
0x38: {  	s10 =	sld [smem:$0x3FB3]  }
0x39: {  	_ = 	snop;
	(pc) =	sbr.ind lr, $3  }
0x3a: {  	_ = 	snop  }
0x3b: {  	_ = 	snop  }
0x3c: {  	p2 =	seq.s32 s10, $0x1;
	s10 =	sld [smem:$0x3FB2]  }
0x3d: {  	_ =	shalt  }
0x3e: {  	_ =	shalt  }
0x3f: {  	_ =	shalt  }
0x40: {  	_ =	shalt  }
0x41: {  	_ =	shalt  }
0x42: {  	_ =	shalt  }
0x43: {  	_ =	shalt  }
0x44: {  	_ =	shalt  }
0x45: {  	_ =	shalt  }
0x46: {  	_ =	shalt  }
0x47: {  	_ =	shalt  }
0x48: {  	_ =	shalt  }
0x49: {  	_ =	shalt  }
0x4a: {  	_ =	shalt  }
0x4b: {  	_ =	shalt  }
0x4c: {  	_ =	shalt  }
0x4d: {  	_ =	shalt  }
0x4e: {  	_ =	shalt  }
0x4f: {  	_ =	shalt  }
0x50: {  	_ =	shalt  }
0x51: {  	_ =	shalt  }
0x52: {  	_ =	shalt  }
0x53: {  	_ =	shalt  }
0x54: {  	_ =	shalt  }
0x55: {  	_ =	shalt  }
0x56: {  	_ =	shalt  }
0x57: {  	_ =	shalt  }
0x58: {  	_ =	shalt  }
0x59: {  	_ =	shalt  }
0x5a: {  	_ =	shalt  }
0x5b: {  	_ =	shalt  }
0x5c: {  	_ =	shalt  }
0x5d: {  	_ =	shalt  }
0x5e: {  	_ =	shalt  }
0x5f: {  	_ =	shalt  }
0x60: {  	_ =	shalt  }
0x61: {  	_ =	shalt  }
0x62: {  	_ =	shalt  }
0x63: {  	_ =	shalt  }
0x64: {  	_ =	shalt  }
0x65: {  	_ =	shalt  }
0x66: {  	_ =	shalt  }
0x67: {  	_ =	shalt  }
0x68: {  	_ =	shalt  }
0x69: {  	_ =	shalt  }
0x6a: {  	_ =	shalt  }
0x6b: {  	_ =	shalt  }
0x6c: {  	_ =	shalt  }
0x6d: {  	_ =	shalt  }
0x6e: {  	_ =	shalt  }
0x6f: {  	_ =	shalt  }
0x70: {  	_ =	shalt  }
0x71: {  	_ =	shalt  }
0x72: {  	_ =	shalt  }
0x73: {  	_ =	shalt  }
0x74: {  	_ =	shalt  }
0x75: {  	_ =	shalt  }
0x76: {  	_ =	shalt  }
0x77: {  	_ =	shalt  }
0x78: {  	_ =	shalt  }
0x79: {  	_ =	shalt  }
0x7a: {  	_ =	shalt  }
0x7b: {  	_ =	shalt  }
0x7c: {  	_ =	shalt  }
0x7d: {  	_ =	shalt  }
0x7e: {  	_ =	shalt  }
0x7f: {  	_ =	shalt  }
0x80: {  	_ =	shalt  }
0x81: {  	_ =	shalt  }
0x82: {  	_ =	shalt  }
0x83: {  	_ =	shalt  }
0x84: {  	_ =	shalt  }
0x85: {  	_ =	shalt  }
0x86: {  	_ =	shalt  }
0x87: {  	_ =	shalt  }
.Lfunc_end0:
.L_simem_size_0:
called_computation_lowered:
.L_overlay_start_0:
0x88: {  	s2 =	sld [smem:$0x3FD9]  }
0x89: {  	s3 =	sld [smem:$0x3FFE];
	_ =	sdelay $0x1  }
0x8a: {  	s1 =	srdreg.scid  }
0x8b: {  	s0 =	sand.u32 $0x1, s1  }
0x8c: {  	s16 =	sshll.u32 s0, $0xA;
	s2 =	sadd.s32 s3, s2  }
0x8d: {  	s2 =	sadd.s32 s2, s16  }
0x8e: {  	[smem:$0x3FBE] =	sst s2  }
0x8f: {  	_ = 	snop  }
0x90: {  	(tm) =	ssettm $0x1  }
0x91: {  	s17 =	sld [smem:$0x3FFB];
	_ =	sdelay $0x3  }
0x92: {  	_ =	strace s17  }
0x93: {  	s2 =	sld [smem:$0x3FFC];
	_ =	sdelay $0x3  }
0x94: {  	_ =	strace s2  }
0x95: {  	s2 =	sld [smem:$0x3FFD];
	_ =	sdelay $0x3  }
0x96: {  	_ =	strace s2  }
0x97: {  	_ =	strace $0x8FFFFFFF  }
0x98: {  	s18 =	sld [smem:$0x3FDB];
	_ =	sdelay $0x1  }
0x99: {  	s19 =	simm.s32 $_scs_section_size  }
0x9a: {  	s4 =	simm.s32 $_size__tile_overlayer_lowered;
	s5 =	simm.s32 $_tile_overlayer_lowered  }
0x9b: {  	s22 =	simm.s32 $0x1BFF;
	s21 =	sshll.u32 s5, $0x1;
	s2 =	sadd.s32 s19, s18  }
0x9c: {  	s6 =	simm.s32 $0x0;
	s20 =	sshll.u32 s4, $0x1;
	s4 =	sadd.s32 s21, s2  }
0x9d: {  	[timem:s6], [sflag:s22] =	dma.local [hbm:s4], s20  }
0x9e: {  	_ =	swait.ge [sflag:s22], s20  }
0x9f: {  	s3 =	ssub.s32 $0x0, s20;
	[sflag:s22] =	ssyncset.done $0x0  }
0xa0: {  	[sflag:s22] =	ssyncadd.s32 s3;
	_ =	sdelay $0x1  }
0xa1: {  	s23 =	simm.s32 $0x1B8B  }
0xa2: {  	_ =	swait.ge [sflag:s23], $0x1  }
0xa3: {  	[sflag:s23] =	ssyncset.done $0x0  }
0xa4: {  	s25 =	simm.s32 $0x1B8E;
	s24 =	sld [smem:$0x3FFE];
	[sflag:s23] =	ssyncadd.s32 $0xFFFFFFFF  }
0xa5: {  	s26 =	simm.s32 $execute0_lowered;
	[smem:$0x3FD2] =	sst s25  }
0xa6: {  	s4 =	sshll.u32 s26, $0x1;
	_ =	strace $0x80000046;
	[dreg:$0x1] =	wrdreg $0xFFFFFFFF  }
0xa7: {  	s28 =	simm.s32 $_size_execute0_lowered;
	s2 =	sadd.s32 s2, s4;
	[dreg:$0x0] =	wrdreg $0x0  }
0xa8: {  	s4 =	sshll.u32 s28, $0x1;
	[dreg:$0x2] =	wrdreg s2  }
0xa9: {  	[dreg:$0x3] =	wrdreg s4  }
0xaa: {  	[dreg:$0x4] =	wrdreg $0xC0  }
0xab: {  	_ =	task [dreg:s6], $0x5FFFF  }
0xac: {  	[dreg:$0x1] =	wrdreg $0xFFFFFFFF  }
0xad: {  	[dreg:$0x0] =	wrdreg $0x60  }
0xae: {  	[dreg:$0x2] =	wrdreg s24  }
0xaf: {  	[dreg:$0x3] =	wrdreg $0x9  }
0xb0: {  	_ =	task.clear_ibuf [dreg:s6], $0x4FFFF;
	_ =	strace $0x90000046  }
0xb1: {  	s29 =	simm.s32 $0x9;
	_ =	strace $0x80000048  }
0xb2: {  	_ =	swait.ge [sflag:s29], $0x1  }
0xb3: {  	[sflag:s29] =	ssyncadd.s32 $0xFFFFFFFF  }
0xb4: {  	_ =	strace $0x90000048  }
0xb5: {  	_ =	sfence  }
0xb6: {  	s30 =	sld [smem:$0x0];
	_ =	sdelay $0x2  }
0xb7: {  	s31 =	sshll.u32 s1, $0xD;
	s1 =	sshrl.u32 s1, $0x2  }
0xb8: {  	s3 =	sand.u32 $0x4000, s31;
	s1 =	sadd.s32 s1, s30  }
0xb9: {  	s0 =	sor.u32 s3, s0;
	s1 =	sshll.u32 s1, $0x11  }
0xba: {  	s0 =	sor.u32 s1, s0  }
0xbb: {  	s0 =	sadd.s32 $0x8F2B, s0  }
0xbc: {  	[sflag:s0] =	ssyncadd.remote.s32 $0x1  }
0xbd: {  	_ =	sfence.sel $0xFFFF  }
0xbe: {  	[dreg:$0x0] =	wrdreg $0xFFFFFFFF;
	(pc) =	sbr.abs _section_cstart, $3  }
0xbf: {  	[dreg:$0x1] =	wrdreg $0xFFFFFFFF  }
0xc0: {  	_ =	task.clear_ibuf [dreg:s6], $0x2FFFF;
	_ =	strace $0x9FFFFFFF  }
0xc1: {  	(tm) =	ssettm $0x7FFFFFFF  }
tec
execute0_lowered:
.L_overlay_start_1:
0x0: {  	(tag) =	ssettag $0x1  }
0x1: {  	s5 =	rddreg [dreg:$0x0]  }
0x2: {  	s1 =	srdreg.scid;
	s2 =	simm.s32 $0x0;
	s0 =	stileid.u32  }
0x3: {  	s9 =	simm.s32 $0xB;
	s14 =	simm.s32 $0x16200;
	s15 =	simm.s32 $0x6800  }
0x4: {  	s16 =	simm.s32 $0xE500;
	s17 =	simm.s32 $0x1;
	s4 =	sand.u32 $0x1, s1  }
0x5: {  	s18 =	simm.s32 $0x0;
	[smem:$0x7FF] =	sst s2;
	s3 =	sshll.u32 s4, $0x4  }
0x6: {  	_ =	strace $0x80000047;
	s7 =	ssub.s32 $0x2, s4;
	s4 =	sadd.s32 $0x2E00, s5  }
0x7: {  	s12 =	sor.u32 s0, s3;
	s3 =	sadd.s32 $0xA52A00, s5;
	s30 =	sshrl.u32 s7, $0x1  }
0x8: {  	s6 =	sshll.u32 s12, $0x7;
	s11 =	ssub.s32 s7, s30;
	s7 =	sshll.u32 s12, $0xA  }
0x9: {  	vm0 =	vmmov $0x1;
	vm1 =	vmmov $0x3;
	vm2 =	vmmov $0x7;
	s10 =	smul.u32 $0xA, s12;
	s13 =	smin.u32 s12, $0x5;
	p0 =	slt.u32 s12, $0x5  }
0xa: {  	vm3 =	vmmov $0xf;
	vm4 =	vmmov $0x1f;
	vm5 =	vmmov $0x3f;
	s8 =	sadd.s32 s6, s5;
	s5 =	sadd.s32 $0x3C00, s5;
	s9 =	simm.s32 @!p0 $0xA  }
0xb: {  	vm6 =	vmmov $0x7f;
	vm7 =	vmmov $0xff;
	vm8 =	vmmov $0x1ff;
	s11 =	smax.u32 s11, $0x1;
	p0 =	sgt.u32 s12, $0x19;
	s12 =	simm.s32 $0x2  }
0xc: {  	vm9 =	vmmov $0x3ff;
	vm10 =	vmmov $0x7ff;
	vm11 =	vmmov $0xfff;
	s31 =	sadd.s32 $0x2000, s8;
	s8 =	sadd.s32 $0xE000, s8;
	s10 =	sadd.s32 s13, s10  }
0xd: {  	vm12 =	vmmov $0x1fff;
	vm13 =	vmmov $0x3fff;
	vm14 =	vmmov $0x7fff;
	s13 =	simm.s32 $0x16600;
	[dreg:$0x2] =	wrdreg s31;
	p1 =	slt.u32 s10, $0x19  }
.LBB2_1:
.Ltmp0:
0xe: {  	(pc) =	sbr.rel @p0 .LBB2_3-.Ltmp0, $4  }
0xf: {  	[tilespmem:s2], [sflag:$0x2] =	stream.linear.gather [hbm4b:s4+s2], $0x6800, $0x38;
	[tilespmem:$0x16A00] =	vst v63  }
0x10: {  	_ =	swait.ge [sflag:s12], $0x6800  }
0x11: {  	[sflag:s12] =	ssyncset.done $0x0  }
0x12: {  	[sflag:s12] =	ssyncadd.s32 $0xFFFF9800  }
0x13: {  	s0 =	rddreg [dreg:$0x2]  }
0x14: {  	[tilespmem:s13], [sflag:$0x2] =	stream.linear.gather [hbm4b:s0+s2], $0x400, $0x38;
	[tilespmem:$0x16A00] =	vst v63  }
0x15: {  	_ =	swait.ge [sflag:s12], $0x400  }
0x16: {  	[sflag:s12] =	ssyncset.done $0x0  }
0x17: {  	[sflag:s12] =	ssyncadd.s32 $0xFFFFFC00  }
0x18: {  	v0 =	vld [tilespmem:s7+$0x0];
	_ =	sdelay $0x7  }
0x19: {  	v0 =	vld.idx.msk [tilespmem:v0+s13+$0x0], $0xffff;
	_ =	sdelay $0x4  }
0x1a: {  	[tilespmem:$0x16200] =	vst v0  }
0x1b: {  	v0 =	vld [tilespmem:s7+$0x10];
	_ =	sdelay $0x7  }
0x1c: {  	v0 =	vld.idx.msk [tilespmem:v0+s13+$0x0], $0xffff;
	_ =	sdelay $0x4  }
0x1d: {  	[tilespmem:$0x16210] =	vst v0  }
0x1e: {  	v0 =	vld [tilespmem:s7+$0x20];
	_ =	sdelay $0x7  }
0x1f: {  	v0 =	vld.idx.msk [tilespmem:v0+s13+$0x0], $0xffff;
	_ =	sdelay $0x4  }
0x20: {  	[tilespmem:$0x16220] =	vst v0  }
0x21: {  	v0 =	vld [tilespmem:s7+$0x30];
	_ =	sdelay $0x7  }
0x22: {  	v0 =	vld.idx.msk [tilespmem:v0+s13+$0x0], $0xffff;
	_ =	sdelay $0x4  }
0x23: {  	[tilespmem:$0x16230] =	vst v0  }
0x24: {  	v0 =	vld [tilespmem:s7+$0x40];
	_ =	sdelay $0x7  }
0x25: {  	v0 =	vld.idx.msk [tilespmem:v0+s13+$0x0], $0xffff;
	_ =	sdelay $0x4  }
0x26: {  	[tilespmem:$0x16240] =	vst v0  }
0x27: {  	v0 =	vld [tilespmem:s7+$0x50];
	_ =	sdelay $0x7  }
0x28: {  	v0 =	vld.idx.msk [tilespmem:v0+s13+$0x0], $0xffff;
	_ =	sdelay $0x4  }
0x29: {  	[tilespmem:$0x16250] =	vst v0  }
0x2a: {  	v0 =	vld [tilespmem:s7+$0x60];
	_ =	sdelay $0x7  }
0x2b: {  	v0 =	vld.idx.msk [tilespmem:v0+s13+$0x0], $0xffff;
	_ =	sdelay $0x4  }
0x2c: {  	[tilespmem:$0x16260] =	vst v0  }
0x2d: {  	v0 =	vld [tilespmem:s7+$0x70];
	_ =	sdelay $0x7  }
0x2e: {  	v0 =	vld.idx.msk [tilespmem:v0+s13+$0x0], $0xffff;
	_ =	sdelay $0x4  }
0x2f: {  	[tilespmem:$0x16270] =	vst v0  }
0x30: {  	v0 =	vld [tilespmem:s7+$0x80];
	_ =	sdelay $0x7  }
0x31: {  	v0 =	vld.idx.msk [tilespmem:v0+s13+$0x0], $0xffff;
	_ =	sdelay $0x4  }
0x32: {  	[tilespmem:$0x16280] =	vst v0  }
0x33: {  	v0 =	vld [tilespmem:s7+$0x90];
	_ =	sdelay $0x7  }
0x34: {  	v0 =	vld.idx.msk [tilespmem:v0+s13+$0x0], $0xffff;
	_ =	sdelay $0x4  }
0x35: {  	[tilespmem:$0x16290] =	vst v0  }
0x36: {  	v0 =	vld [tilespmem:s7+$0xA0];
	_ =	sdelay $0x7  }
0x37: {  	v0 =	vld.idx.msk [tilespmem:v0+s13+$0x0], $0xffff;
	_ =	sdelay $0x4  }
0x38: {  	[tilespmem:$0x162A0] =	vst v0  }
0x39: {  	v0 =	vld [tilespmem:s7+$0xB0];
	_ =	sdelay $0x7  }
0x3a: {  	v0 =	vld.idx.msk [tilespmem:v0+s13+$0x0], $0xffff;
	_ =	sdelay $0x4  }
0x3b: {  	[tilespmem:$0x162B0] =	vst v0  }
0x3c: {  	v0 =	vld [tilespmem:s7+$0xC0];
	_ =	sdelay $0x7  }
0x3d: {  	v0 =	vld.idx.msk [tilespmem:v0+s13+$0x0], $0xffff;
	_ =	sdelay $0x4  }
0x3e: {  	[tilespmem:$0x162C0] =	vst v0  }
0x3f: {  	v0 =	vld [tilespmem:s7+$0xD0];
	_ =	sdelay $0x7  }
0x40: {  	v0 =	vld.idx.msk [tilespmem:v0+s13+$0x0], $0xffff;
	_ =	sdelay $0x4  }
0x41: {  	[tilespmem:$0x162D0] =	vst v0  }
0x42: {  	v0 =	vld [tilespmem:s7+$0xE0];
	_ =	sdelay $0x7  }
0x43: {  	v0 =	vld.idx.msk [tilespmem:v0+s13+$0x0], $0xffff;
	_ =	sdelay $0x4  }
0x44: {  	[tilespmem:$0x162E0] =	vst v0  }
0x45: {  	v0 =	vld [tilespmem:s7+$0xF0];
	_ =	sdelay $0x7  }
0x46: {  	v0 =	vld.idx.msk [tilespmem:v0+s13+$0x0], $0xffff;
	_ =	sdelay $0x4  }
0x47: {  	[tilespmem:$0x162F0] =	vst v0  }
0x48: {  	v0 =	vld [tilespmem:s7+$0x100];
	_ =	sdelay $0x7  }
0x49: {  	v0 =	vld.idx.msk [tilespmem:v0+s13+$0x0], $0xffff;
	_ =	sdelay $0x4  }
0x4a: {  	[tilespmem:$0x16300] =	vst v0  }
0x4b: {  	v0 =	vld [tilespmem:s7+$0x110];
	_ =	sdelay $0x7  }
0x4c: {  	v0 =	vld.idx.msk [tilespmem:v0+s13+$0x0], $0xffff;
	_ =	sdelay $0x4  }
0x4d: {  	[tilespmem:$0x16310] =	vst v0  }
0x4e: {  	v0 =	vld [tilespmem:s7+$0x120];
	_ =	sdelay $0x7  }
0x4f: {  	v0 =	vld.idx.msk [tilespmem:v0+s13+$0x0], $0xffff;
	_ =	sdelay $0x4  }
0x50: {  	[tilespmem:$0x16320] =	vst v0  }
0x51: {  	v0 =	vld [tilespmem:s7+$0x130];
	_ =	sdelay $0x7  }
0x52: {  	v0 =	vld.idx.msk [tilespmem:v0+s13+$0x0], $0xffff;
	_ =	sdelay $0x4  }
0x53: {  	[tilespmem:$0x16330] =	vst v0  }
0x54: {  	v0 =	vld [tilespmem:s7+$0x140];
	_ =	sdelay $0x7  }
0x55: {  	v0 =	vld.idx.msk [tilespmem:v0+s13+$0x0], $0xffff;
	_ =	sdelay $0x4  }
0x56: {  	[tilespmem:$0x16340] =	vst v0  }
0x57: {  	v0 =	vld [tilespmem:s7+$0x150];
	_ =	sdelay $0x7  }
0x58: {  	v0 =	vld.idx.msk [tilespmem:v0+s13+$0x0], $0xffff;
	_ =	sdelay $0x4  }
0x59: {  	[tilespmem:$0x16350] =	vst v0  }
0x5a: {  	v0 =	vld [tilespmem:s7+$0x160];
	_ =	sdelay $0x7  }
0x5b: {  	v0 =	vld.idx.msk [tilespmem:v0+s13+$0x0], $0xffff;
	_ =	sdelay $0x4  }
0x5c: {  	[tilespmem:$0x16360] =	vst v0  }
0x5d: {  	v0 =	vld [tilespmem:s7+$0x170];
	_ =	sdelay $0x7  }
0x5e: {  	v0 =	vld.idx.msk [tilespmem:v0+s13+$0x0], $0xffff;
	_ =	sdelay $0x4  }
0x5f: {  	[tilespmem:$0x16370] =	vst v0  }
0x60: {  	v0 =	vld [tilespmem:s7+$0x180];
	_ =	sdelay $0x7  }
0x61: {  	v0 =	vld.idx.msk [tilespmem:v0+s13+$0x0], $0xffff;
	_ =	sdelay $0x4  }
0x62: {  	[tilespmem:$0x16380] =	vst v0  }
0x63: {  	v0 =	vld [tilespmem:s7+$0x190];
	_ =	sdelay $0x7  }
0x64: {  	v0 =	vld.idx.msk [tilespmem:v0+s13+$0x0], $0xffff;
	_ =	sdelay $0x4  }
0x65: {  	[tilespmem:$0x16390] =	vst v0  }
0x66: {  	v0 =	vld [tilespmem:s7+$0x1A0];
	_ =	sdelay $0x7  }
0x67: {  	v0 =	vld.idx.msk [tilespmem:v0+s13+$0x0], $0xffff;
	_ =	sdelay $0x4  }
0x68: {  	[tilespmem:$0x163A0] =	vst v0  }
0x69: {  	v0 =	vld [tilespmem:s7+$0x1B0];
	_ =	sdelay $0x7  }
0x6a: {  	v0 =	vld.idx.msk [tilespmem:v0+s13+$0x0], $0xffff;
	_ =	sdelay $0x4  }
0x6b: {  	[tilespmem:$0x163B0] =	vst v0  }
0x6c: {  	v0 =	vld [tilespmem:s7+$0x1C0];
	_ =	sdelay $0x7  }
0x6d: {  	v0 =	vld.idx.msk [tilespmem:v0+s13+$0x0], $0xffff;
	_ =	sdelay $0x4  }
0x6e: {  	[tilespmem:$0x163C0] =	vst v0  }
0x6f: {  	v0 =	vld [tilespmem:s7+$0x1D0];
	_ =	sdelay $0x7  }
0x70: {  	v0 =	vld.idx.msk [tilespmem:v0+s13+$0x0], $0xffff;
	_ =	sdelay $0x4  }
0x71: {  	[tilespmem:$0x163D0] =	vst v0  }
0x72: {  	v0 =	vld [tilespmem:s7+$0x1E0];
	_ =	sdelay $0x7  }
0x73: {  	v0 =	vld.idx.msk [tilespmem:v0+s13+$0x0], $0xffff;
	_ =	sdelay $0x4  }
0x74: {  	[tilespmem:$0x163E0] =	vst v0  }
0x75: {  	v0 =	vld [tilespmem:s7+$0x1F0];
	_ =	sdelay $0x7  }
0x76: {  	v0 =	vld.idx.msk [tilespmem:v0+s13+$0x0], $0xffff;
	_ =	sdelay $0x4  }
0x77: {  	[tilespmem:$0x163F0] =	vst v0  }
0x78: {  	v0 =	vld [tilespmem:s7+$0x200];
	_ =	sdelay $0x7  }
0x79: {  	v0 =	vld.idx.msk [tilespmem:v0+s13+$0x0], $0xffff;
	_ =	sdelay $0x4  }
0x7a: {  	[tilespmem:$0x16400] =	vst v0  }
0x7b: {  	v0 =	vld [tilespmem:s7+$0x210];
	_ =	sdelay $0x7  }
0x7c: {  	v0 =	vld.idx.msk [tilespmem:v0+s13+$0x0], $0xffff;
	_ =	sdelay $0x4  }
0x7d: {  	[tilespmem:$0x16410] =	vst v0  }
0x7e: {  	v0 =	vld [tilespmem:s7+$0x220];
	_ =	sdelay $0x7  }
0x7f: {  	v0 =	vld.idx.msk [tilespmem:v0+s13+$0x0], $0xffff;
	_ =	sdelay $0x4  }
0x80: {  	[tilespmem:$0x16420] =	vst v0  }
0x81: {  	v0 =	vld [tilespmem:s7+$0x230];
	_ =	sdelay $0x7  }
0x82: {  	v0 =	vld.idx.msk [tilespmem:v0+s13+$0x0], $0xffff;
	_ =	sdelay $0x4  }
0x83: {  	[tilespmem:$0x16430] =	vst v0  }
0x84: {  	v0 =	vld [tilespmem:s7+$0x240];
	_ =	sdelay $0x7  }
0x85: {  	v0 =	vld.idx.msk [tilespmem:v0+s13+$0x0], $0xffff;
	_ =	sdelay $0x4  }
0x86: {  	[tilespmem:$0x16440] =	vst v0  }
0x87: {  	v0 =	vld [tilespmem:s7+$0x250];
	_ =	sdelay $0x7  }
0x88: {  	v0 =	vld.idx.msk [tilespmem:v0+s13+$0x0], $0xffff;
	_ =	sdelay $0x4  }
0x89: {  	[tilespmem:$0x16450] =	vst v0  }
0x8a: {  	v0 =	vld [tilespmem:s7+$0x260];
	_ =	sdelay $0x7  }
0x8b: {  	v0 =	vld.idx.msk [tilespmem:v0+s13+$0x0], $0xffff;
	_ =	sdelay $0x4  }
0x8c: {  	[tilespmem:$0x16460] =	vst v0  }
0x8d: {  	v0 =	vld [tilespmem:s7+$0x270];
	_ =	sdelay $0x7  }
0x8e: {  	v0 =	vld.idx.msk [tilespmem:v0+s13+$0x0], $0xffff;
	_ =	sdelay $0x4  }
0x8f: {  	[tilespmem:$0x16470] =	vst v0  }
0x90: {  	v0 =	vld [tilespmem:s7+$0x280];
	_ =	sdelay $0x7  }
0x91: {  	v0 =	vld.idx.msk [tilespmem:v0+s13+$0x0], $0xffff;
	_ =	sdelay $0x4  }
0x92: {  	[tilespmem:$0x16480] =	vst v0  }
0x93: {  	v0 =	vld [tilespmem:s7+$0x290];
	_ =	sdelay $0x7  }
0x94: {  	v0 =	vld.idx.msk [tilespmem:v0+s13+$0x0], $0xffff;
	_ =	sdelay $0x4  }
0x95: {  	[tilespmem:$0x16490] =	vst v0  }
0x96: {  	v0 =	vld [tilespmem:s7+$0x2A0];
	_ =	sdelay $0x7  }
0x97: {  	v0 =	vld.idx.msk [tilespmem:v0+s13+$0x0], $0xffff;
	_ =	sdelay $0x4  }
0x98: {  	[tilespmem:$0x164A0] =	vst v0  }
0x99: {  	v0 =	vld [tilespmem:s7+$0x2B0];
	_ =	sdelay $0x7  }
0x9a: {  	v0 =	vld.idx.msk [tilespmem:v0+s13+$0x0], $0xffff;
	_ =	sdelay $0x4  }
0x9b: {  	[tilespmem:$0x164B0] =	vst v0  }
0x9c: {  	v0 =	vld [tilespmem:s7+$0x2C0];
	_ =	sdelay $0x7  }
0x9d: {  	v0 =	vld.idx.msk [tilespmem:v0+s13+$0x0], $0xffff;
	_ =	sdelay $0x4  }
0x9e: {  	[tilespmem:$0x164C0] =	vst v0  }
0x9f: {  	v0 =	vld [tilespmem:s7+$0x2D0];
	_ =	sdelay $0x7  }
0xa0: {  	v0 =	vld.idx.msk [tilespmem:v0+s13+$0x0], $0xffff;
	_ =	sdelay $0x4  }
0xa1: {  	[tilespmem:$0x164D0] =	vst v0  }
0xa2: {  	v0 =	vld [tilespmem:s7+$0x2E0];
	_ =	sdelay $0x7  }
0xa3: {  	v0 =	vld.idx.msk [tilespmem:v0+s13+$0x0], $0xffff;
	_ =	sdelay $0x4  }
0xa4: {  	[tilespmem:$0x164E0] =	vst v0  }
0xa5: {  	v0 =	vld [tilespmem:s7+$0x2F0];
	_ =	sdelay $0x7  }
0xa6: {  	v0 =	vld.idx.msk [tilespmem:v0+s13+$0x0], $0xffff;
	_ =	sdelay $0x4  }
0xa7: {  	[tilespmem:$0x164F0] =	vst v0  }
0xa8: {  	v0 =	vld [tilespmem:s7+$0x300];
	_ =	sdelay $0x7  }
0xa9: {  	v0 =	vld.idx.msk [tilespmem:v0+s13+$0x0], $0xffff;
	_ =	sdelay $0x4  }
0xaa: {  	[tilespmem:$0x16500] =	vst v0  }
0xab: {  	v0 =	vld [tilespmem:s7+$0x310];
	_ =	sdelay $0x7  }
0xac: {  	v0 =	vld.idx.msk [tilespmem:v0+s13+$0x0], $0xffff;
	_ =	sdelay $0x4  }
0xad: {  	[tilespmem:$0x16510] =	vst v0  }
0xae: {  	v0 =	vld [tilespmem:s7+$0x320];
	_ =	sdelay $0x7  }
0xaf: {  	v0 =	vld.idx.msk [tilespmem:v0+s13+$0x0], $0xffff;
	_ =	sdelay $0x4  }
0xb0: {  	[tilespmem:$0x16520] =	vst v0  }
0xb1: {  	v0 =	vld [tilespmem:s7+$0x330];
	_ =	sdelay $0x7  }
0xb2: {  	v0 =	vld.idx.msk [tilespmem:v0+s13+$0x0], $0xffff;
	_ =	sdelay $0x4  }
0xb3: {  	[tilespmem:$0x16530] =	vst v0  }
0xb4: {  	v0 =	vld [tilespmem:s7+$0x340];
	_ =	sdelay $0x7  }
0xb5: {  	v0 =	vld.idx.msk [tilespmem:v0+s13+$0x0], $0xffff;
	_ =	sdelay $0x4  }
0xb6: {  	[tilespmem:$0x16540] =	vst v0  }
0xb7: {  	v0 =	vld [tilespmem:s7+$0x350];
	_ =	sdelay $0x7  }
0xb8: {  	v0 =	vld.idx.msk [tilespmem:v0+s13+$0x0], $0xffff;
	_ =	sdelay $0x4  }
0xb9: {  	[tilespmem:$0x16550] =	vst v0  }
0xba: {  	v0 =	vld [tilespmem:s7+$0x360];
	_ =	sdelay $0x7  }
0xbb: {  	v0 =	vld.idx.msk [tilespmem:v0+s13+$0x0], $0xffff;
	_ =	sdelay $0x4  }
0xbc: {  	[tilespmem:$0x16560] =	vst v0  }
0xbd: {  	v0 =	vld [tilespmem:s7+$0x370];
	_ =	sdelay $0x7  }
0xbe: {  	v0 =	vld.idx.msk [tilespmem:v0+s13+$0x0], $0xffff;
	_ =	sdelay $0x4  }
0xbf: {  	[tilespmem:$0x16570] =	vst v0  }
0xc0: {  	v0 =	vld [tilespmem:s7+$0x380];
	_ =	sdelay $0x7  }
0xc1: {  	v0 =	vld.idx.msk [tilespmem:v0+s13+$0x0], $0xffff;
	_ =	sdelay $0x4  }
0xc2: {  	[tilespmem:$0x16580] =	vst v0  }
0xc3: {  	v0 =	vld [tilespmem:s7+$0x390];
	_ =	sdelay $0x7  }
0xc4: {  	v0 =	vld.idx.msk [tilespmem:v0+s13+$0x0], $0xffff;
	_ =	sdelay $0x4  }
0xc5: {  	[tilespmem:$0x16590] =	vst v0  }
0xc6: {  	v0 =	vld [tilespmem:s7+$0x3A0];
	_ =	sdelay $0x7  }
0xc7: {  	v0 =	vld.idx.msk [tilespmem:v0+s13+$0x0], $0xffff;
	_ =	sdelay $0x4  }
0xc8: {  	[tilespmem:$0x165A0] =	vst v0  }
0xc9: {  	v0 =	vld [tilespmem:s7+$0x3B0];
	_ =	sdelay $0x7  }
0xca: {  	v0 =	vld.idx.msk [tilespmem:v0+s13+$0x0], $0xffff;
	_ =	sdelay $0x4  }
0xcb: {  	[tilespmem:$0x165B0] =	vst v0  }
0xcc: {  	v0 =	vld [tilespmem:s7+$0x3C0];
	_ =	sdelay $0x7  }
0xcd: {  	v0 =	vld.idx.msk [tilespmem:v0+s13+$0x0], $0xffff;
	_ =	sdelay $0x4  }
0xce: {  	[tilespmem:$0x165C0] =	vst v0  }
0xcf: {  	v0 =	vld [tilespmem:s7+$0x3D0];
	_ =	sdelay $0x7  }
0xd0: {  	v0 =	vld.idx.msk [tilespmem:v0+s13+$0x0], $0xffff;
	_ =	sdelay $0x4  }
0xd1: {  	[tilespmem:$0x165D0] =	vst v0  }
0xd2: {  	v0 =	vld [tilespmem:s7+$0x3E0];
	_ =	sdelay $0x7  }
0xd3: {  	v0 =	vld.idx.msk [tilespmem:v0+s13+$0x0], $0xffff;
	_ =	sdelay $0x4  }
0xd4: {  	[tilespmem:$0x165E0] =	vst v0  }
0xd5: {  	v0 =	vld [tilespmem:s7+$0x3F0];
	_ =	sdelay $0x7  }
0xd6: {  	v0 =	vld.idx.msk [tilespmem:v0+s13+$0x0], $0xffff;
	_ =	sdelay $0x4  }
0xd7: {  	[tilespmem:$0x165F0] =	vst v0  }
0xd8: {  	[hbm4b:s8+s2] =	stream.linear.scatter [tilespmem:s14], [sflag:$0x2], $0x400, $0x38;
	[tilespmem:$0x16A00] =	vst v63  }
0xd9: {  	_ =	swait.ge [sflag:s12], $0x400  }
0xda: {  	[sflag:s12] =	ssyncset.done $0x0  }
0xdb: {  	[sflag:s12] =	ssyncadd.s32 $0xFFFFFC00  }
.LBB2_3:
.Ltmp1:
0xdc: {  	(pc) =	sbr.rel @p1 .LBB2_6-.Ltmp1, $3  }
0xdd: {  	_ =	sdelay $0x1  }
0xde: {  	s19 =	simm.s32 $0x0  }
0xdf: {  	s22 =	simm.s32 $0x0;
	s21 =	smov.u32 s10;
	s20 =	simm.s32 $0x0  }
.LBB2_4:
0xe0: {  	s20 =	ssub.s32 s21, s22  }
0xe1: {  	s31 =	sadd.s32 $0x18, s22;
	s21 =	sadd.s32 $0xFFFFFFE7, s20  }
0xe2: {  	p2 =	sge.s32 s21, s31  }
.Ltmp2:
0xe3: {  	_ = 	snop;
	(pc) =	sbr.rel @p2 .LBB2_4-.Ltmp2, $2  }
0xe4: {  	_ =	sdelay $0x2  }
0xe5: {  	s22 =	sadd.s32 $0xFFFFFFFF, s22  }
0xe6: {  	s20 =	ssub.s32 $0x0, s22  }
.LBB2_6:
0xe7: {  	s21 =	sadd.s32 s21, s20  }
0xe8: {  	s21 =	sadd.s32 $0x1, s21  }
.LBB2_7:
0xe9: {  	s22 =	smul.u32 $0xCB200, s20  }
0xea: {  	s23 =	smul.u32 $0x7D00, s21  }
0xeb: {  	s6 =	smul.u32 $0xCB200, s21  }
0xec: {  	s25 =	smul.u32 $0x7D00, s20;
	s22 =	sadd.s32 s22, s23  }
0xed: {  	s22 =	sshrl.u32 s22, $0x3  }
0xee: {  	s24 =	simm.s32 $0x0;
	s25 =	sadd.s32 s25, s6;
	s22 =	sadd.s32 s3, s22  }
0xef: {  	[tilespmem:s15], [sflag:$0x1] =	stream.linear.gather [hbm4b:s22+s24], $0x7D00, $0x38;
	[tilespmem:$0x16A00] =	vst v63  }
0xf0: {  	s22 =	sshrl.u32 s25, $0x3  }
0xf1: {  	s26 =	sshll.u32 s20, $0xC;
	s22 =	sadd.s32 s3, s22  }
0xf2: {  	[tilespmem:s16], [sflag:$0x1] =	stream.linear.gather [hbm4b:s22+s24], $0x7D00, $0x38;
	[tilespmem:$0x16A00] =	vst v63  }
0xf3: {  	s28 =	sshll.u32 s21, $0xC;
	s22 =	sshra.s32 s26, $0x2;
	_ =	swait.ge [sflag:s17], $0x7D00  }
0xf4: {  	s23 =	sshra.s32 s28, $0x2;
	v1 =	vmov s22;
	[sflag:s17] =	ssyncset.done $0x0  }
0xf5: {  	v2 =	vmov s23;
	[sflag:s17] =	ssyncadd.s32 $0xFFFF8300  }
0xf6: {  	_ =	swait.ge [sflag:s17], $0x7D00  }
0xf7: {  	[sflag:s17] =	ssyncset.done $0x0  }
0xf8: {  	s22 =	simm.s32 $0x0;
	[sflag:s17] =	ssyncadd.s32 $0xFFFF8300  }
0xf9: {  	v0 =	vld.idx.msk [tilespmem:v1+s22+$0x0 ss:$0x1], $0xffff  }
0xfa: {  	v3 =	vld.idx.msk [tilespmem:v2+s22+$0x0 ss:$0x1], $0xffff;
	_ =	sdelay $0x3  }
0xfb: {  	v0 =	vshll.u32 v0, $0x7  }
0xfc: {  	v5 =	vshra.s32 v0, $0x2;
	v0 =	vshll.u32 v3, $0x7  }
0xfd: {  	v4 =	vshra.s32 v0, $0x2;
	(v2sf) =	vpush v5, $0xC  }
0xfe: {  	(v2sf) =	vpush v4, $0xE  }
0xff: {  	(v2sf) =	vpush v5, $0x6  }
0x100: {  	(v2sf) =	vpush v5, $0x3;
	_ =	sdelay $0x1  }
0x101: {  	(v2sf) =	vpush v4, $0x8  }
0x102: {  	(v2sf) =	vpush v5, $0x4  }
0x103: {  	(v2sf) =	vpush v5, $0x2;
	_ =	sdelay $0x1  }
0x104: {  	(v2sf) =	vpush v5, $0x1  }
0x105: {  	(v2sf) =	vpush v4, $0x2  }
0x106: {  	(v2sf) =	vpush v5, $0xD  }
0x107: {  	(v2sf) =	vpush v5, $0x0  }
0x108: {  	(v2sf) =	vpush v4, $0x0  }
0x109: {  	(v2sf) =	vpush v4, $0x1  }
0x10a: {  	s31 =	spop (v2sf);
	(v2sf) =	vpush v4, $0x4  }
0x10b: {  	v3 =	vld [tilespmem:s31+$0x6810];
	s23 =	spop (v2sf);
	(v2sf) =	vpush v5, $0x7  }
0x10c: {  	v6 =	vld [tilespmem:s31+$0x6800];
	s28 =	spop (v2sf);
	(v2sf) =	vpush v4, $0x7  }
0x10d: {  	v0 =	vld [tilespmem:s23+$0xE510];
	s26 =	spop (v2sf);
	(v2sf) =	vpush v4, $0x6  }
0x10e: {  	v8 =	vld [tilespmem:s28+$0x6810]  }
0x10f: {  	v9 =	vld [tilespmem:s26+$0x6810];
	s25 =	spop (v2sf)  }
0x110: {  	v10 =	vld [tilespmem:s26+$0x6800];
	s26 =	spop (v2sf)  }
0x111: {  	v7 =	vld [tilespmem:s25+$0xE500];
	s29 =	spop (v2sf)  }
0x112: {  	(v2sf) =	vpush v5, $0x5;
	v12 =	vld [tilespmem:s29+$0x6800]  }
0x113: {  	(v2sf) =	vpush v4, $0x3;
	s30 =	spop (v2sf);
	v14 =	vld [tilespmem:s29+$0x6810]  }
0x114: {  	v11 =	vld [tilespmem:s30+$0x6800];
	s31 =	spop (v2sf)  }
0x115: {  	v13 =	vld [tilespmem:s30+$0x6810];
	s24 =	spop (v2sf)  }
0x116: {  	v16 =	vld [tilespmem:s31+$0xE510];
	s29 =	spop (v2sf)  }
0x117: {  	(v2sf) =	vpush v4, $0x5;
	v17 =	vld [tilespmem:s31+$0xE500];
	s30 =	spop (v2sf)  }
0x118: {  	v15 =	vld [tilespmem:s29+$0x6810];
	s0 =	spop (v2sf)  }
0x119: {  	v18 =	vld [tilespmem:s29+$0x6800];
	s29 =	spop (v2sf)  }
0x11a: {  	v20 =	vld [tilespmem:s30+$0xE510];
	(v2sf) =	vpush v4, $0xA;
	s1 =	spop (v2sf)  }
0x11b: {  	v21 =	vld [tilespmem:s0+$0xE500];
	(v2sf) =	vpush v5, $0xA;
	s31 =	spop (v2sf)  }
0x11c: {  	v19 =	vld [tilespmem:s0+$0xE510];
	s0 =	spop (v2sf);
	(v2sf) =	vpush v5, $0x9  }
0x11d: {  	v28 =	vld [tilespmem:s30+$0xE500]  }
0x11e: {  	v14 =	vmul.f32 v16, v14;
	v12 =	vmul.f32 v17, v12;
	v23 =	vld [tilespmem:s1+$0x6800]  }
0x11f: {  	v24 =	vld [tilespmem:s1+$0x6810]  }
0x120: {  	v12 =	vadd.f32 v14, v12;
	v11 =	vmul.f32 v21, v11;
	v21 =	vld [tilespmem:s28+$0x6800]  }
0x121: {  	v26 =	vld [tilespmem:s0+$0xE500];
	s6 =	spop (v2sf)  }
0x122: {  	(xrf2) =	vadd.scan.msk.f32 $0xffff, v12;
	v27 =	vld [tilespmem:s0+$0xE510];
	s1 =	spop (v2sf)  }
0x123: {  	v13 =	vmul.f32 v19, v13;
	v14 =	vld [tilespmem:s1+$0xE510]  }
0x124: {  	(v2sf) =	vpush v4, $0x9;
	v16 =	vld [tilespmem:s6+$0x6810]  }
0x125: {  	v11 =	vadd.f32 v13, v11;
	v13 =	vld [tilespmem:s1+$0xE500]  }
0x126: {  	v17 =	vld [tilespmem:s6+$0x6800];
	s6 =	spop (v2sf)  }
0x127: {  	v15 =	vmul.f32 v20, v15;
	v18 =	vmul.f32 v28, v18;
	v12 =	vld [tilespmem:s6+$0xE510];
	(xrf2) =	vadd.scan.msk.f32 $0xffff, v11  }
0x128: {  	v19 =	vld [tilespmem:s6+$0xE500];
	v20 =	vmul.f32 v27, v8;
	v8 =	vmul.f32 v14, v9  }
0x129: {  	v63 =	vld [tilespmem:s26+$0x6800];
	(v2sf) =	vpush v4, $0xC;
	s28 =	spop (v2sf)  }
0x12a: {  	v25 =	vld [tilespmem:s31+$0xE510];
	v18 =	vadd.f32 v15, v18;
	v10 =	vmul.f32 v13, v10;
	(v2sf) =	vpush v5, $0xB;
	s30 =	spop (v2sf)  }
0x12b: {  	v29 =	vld [tilespmem:s31+$0xE500];
	s31 =	spop (v2sf);
	(v2sf) =	vpush v5, $0x8  }
0x12c: {  	v22 =	vld [tilespmem:s29+$0xE500];
	v13 =	vmul.f32 v12, v16;
	v16 =	vmul.f32 v26, v21;
	v21 =	vadd.f32 v8, v10;
	v8, _, _ =	vpop (xrf2);
	(xrf2) =	vadd.scan.msk.f32 $0xffff, v18  }
0x12d: {  	v14 =	vmul.f32 v19, v17;
	v17 =	vld [tilespmem:s26+$0x6810]  }
0x12e: {  	v19 =	vld [tilespmem:s29+$0xE510]  }
0x12f: {  	v11 =	vld [tilespmem:s28+$0xE510];
	(v2sf) =	vpush v4, $0xB  }
0x130: {  	v9 =	vld [tilespmem:s28+$0xE500]  }
0x131: {  	v24 =	vmul.f32 v25, v24;
	v23 =	vmul.f32 v29, v23;
	v10 =	vadd.f32 v13, v14;
	v12 =	vld [tilespmem:s30+$0x6810];
	v13, _, _ =	vpop (xrf2);
	(xrf2) =	vadd.scan.msk.f32 $0xffff, v21  }
0x132: {  	v20 =	vadd.f32 v20, v16;
	v15 =	vld [tilespmem:s31+$0x6810]  }
0x133: {  	s26 =	simm.s32 $0x40;
	v16 =	vmul.f32 v22, v63;
	v18 =	vadd.f32 v24, v23;
	v14 =	vld [tilespmem:s31+$0x6800];
	s29 =	spop (v2sf);
	(v2sf) =	vpush v5, $0xE  }
.LBB2_8:
0x134: {  	s28 =	sshra.s32 s26, $0x2;
	p2 =	sne.s32 s26, $0xFC0;
	s26 =	sadd.s32 $0x40, s26;
	v21 =	vld [tilespmem:s29+$0xE510];
	(xrf2) =	vadd.scan.msk.f32 $0xffff, v20  }
0x135: {  	v20 =	vld.idx.msk [tilespmem:v1+s28+$0x0 ss:$0x1], $0xffff  }
0x136: {  	v13 =	vbroadcast v13, $0xF;
	v22 =	vld.idx.msk [tilespmem:v2+s28+$0x0 ss:$0x1], $0xffff;
	v23, _, _ =	vpop (xrf2);
	(v2sf) =	vpush v4, $0xD  }
0x137: {  	v23 =	vbroadcast v23, $0xF;
	v17 =	vmul.f32 v19, v17;
	v19 =	vld [tilespmem:s29+$0xE500]  }
0x138: {  	v24 =	vld [tilespmem:s30+$0x6800];
	(xrf2) =	vadd.scan.msk.f32 $0xffff, v18;
	s0 =	spop (v2sf);
	(v2sf) =	vpush v5, $0xF  }
0x139: {  	v13 =	vsel vm0, v23, v13;
	v16 =	vadd.f32 v17, v16;
	v15 =	vmul.f32 v21, v15;
	v17 =	vld [tilespmem:s0+$0xE510];
	s29 =	spop (v2sf)  }
0x13a: {  	v11 =	vmul.f32 v11, v12;
	v12 =	vld [tilespmem:s29+$0x6810];
	s30 =	spop (v2sf);
	(v2sf) =	vpush v4, $0xF  }
0x13b: {  	v4 =	vshll.u32 v20, $0x7;
	v18 =	vld [tilespmem:s30+$0x6810];
	v20, _, _ =	vpop (xrf2)  }
0x13c: {  	v5 =	vshra.s32 v4, $0x2;
	v4 =	vshll.u32 v22, $0x7;
	v20 =	vbroadcast v20, $0xF;
	v21 =	vld [tilespmem:s30+$0x6800];
	(xrf2) =	vadd.scan.msk.f32 $0xffff, v16  }
0x13d: {  	v4 =	vshra.s32 v4, $0x2;
	(v2sf) =	vpush v5, $0xC;
	v16 =	vld [tilespmem:s25+$0xE510];
	v9 =	vmul.f32 v9, v24  }
0x13e: {  	(v2sf) =	vpush v4, $0xE;
	v22 =	vld [tilespmem:s29+$0x6800];
	v23, _, _ =	vpop (xrf2);
	s25 =	spop (v2sf)  }
0x13f: {  	v14 =	vmul.f32 v19, v14;
	(v2sf) =	vpush v5, $0x6;
	v9 =	vadd.f32 v11, v9;
	v11 =	vld [tilespmem:s25+$0xE510];
	(xrf2) =	vadd.scan.msk.f32 $0xffff, v10  }
0x140: {  	(v2sf) =	vpush v5, $0x3;
	v10 =	vld [tilespmem:s25+$0xE500]  }
0x141: {  	v14 =	vadd.f32 v15, v14;
	(v2sf) =	vpush v4, $0x8;
	v7 =	vmul.f32 v7, v21;
	v15 =	vld [tilespmem:s0+$0xE500]  }
0x142: {  	v19 =	vbroadcast v23, $0xF;
	(v2sf) =	vpush v5, $0x4;
	v16 =	vmul.f32 v16, v18;
	v18 =	vld [tilespmem:s23+$0xE500];
	v21, _, _ =	vpop (xrf2);
	s0 =	spop (v2sf)  }
0x143: {  	(v2sf) =	vpush v5, $0x2;
	v23 =	vld [tilespmem:s0+$0x6810]  }
0x144: {  	(v2sf) =	vpush v5, $0x1;
	v7 =	vadd.f32 v16, v7;
	v11 =	vmul.f32 v11, v12;
	v12 =	vld [tilespmem:s24+$0x6810];
	(xrf2) =	vadd.scan.msk.f32 $0xffff, v9  }
0x145: {  	v8 =	vbroadcast v8, $0xF;
	(v2sf) =	vpush v4, $0x2;
	v9 =	vmul.f32 v10, v22;
	v10 =	vld [tilespmem:s24+$0x6800];
	s23 =	spop (v2sf)  }
0x146: {  	v3 =	vmul.f32 v17, v3;
	(v2sf) =	vpush v5, $0xD;
	v6 =	vmul.f32 v15, v6;
	v15 =	vld [tilespmem:s23+$0xE510];
	v16, _, _ =	vpop (xrf2)  }
0x147: {  	v8 =	vsel vm1, v13, v8;
	v13 =	vbroadcast v16, $0xF;
	v9 =	vadd.f32 v11, v9;
	v11 =	vld [tilespmem:s23+$0xE500];
	(xrf2) =	vadd.scan.msk.f32 $0xffff, v7;
	s23 =	spop (v2sf)  }
0x148: {  	v7 =	vbroadcast v21, $0xF;
	(v2sf) =	vpush v5, $0x0;
	v16 =	vadd.f32 v3, v6;
	v6 =	vld [tilespmem:s0+$0x6800]  }
0x149: {  	v3 =	vsel vm2, v8, v20;
	v8 =	vmul.f32 v0, v23;
	(v2sf) =	vpush v4, $0x0;
	v17 =	vld [tilespmem:s23+$0x6810];
	v0, _, _ =	vpop (xrf2);
	s0 =	spop (v2sf)  }
0x14a: {  	v3 =	vsel vm3, v3, v13;
	v0 =	vbroadcast v0, $0xF;
	v13 =	vld [tilespmem:s0+$0xE510];
	(xrf2) =	vadd.scan.msk.f32 $0xffff, v14  }
0x14b: {  	v12 =	vmul.f32 v15, v12;
	v14 =	vld [tilespmem:s23+$0x6800]  }
0x14c: {  	(v2sf) =	vpush v4, $0x1;
	s24 =	spop (v2sf);
	v0 =	vsel vm4, v3, v0;
	v20 =	vmul.f32 v11, v10;
	v11 =	vld [tilespmem:s0+$0xE500]  }
0x14d: {  	v3 =	vld [tilespmem:s24+$0x6810];
	(v2sf) =	vpush v4, $0x4;
	s23 =	spop (v2sf);
	v15 =	vsel vm5, v0, v19;
	v6 =	vmul.f32 v18, v6;
	(xrf2) =	vadd.scan.msk.f32 $0xffff, v9  }
0x14e: {  	v0 =	vld [tilespmem:s23+$0xE510];
	s30 =	spop (v2sf);
	v15 =	vsel vm6, v15, v7;
	v7 =	vadd.f32 v12, v20;
	v10, _, _ =	vpop (xrf2)  }
0x14f: {  	v12 =	vld [tilespmem:s30+$0x6810];
	s0 =	spop (v2sf);
	v18 =	vadd.f32 v8, v6;
	v13 =	vmul.f32 v13, v17  }
0x150: {  	v8 =	vld [tilespmem:s0+$0x6810];
	(v2sf) =	vpush v5, $0x7;
	s25 =	spop (v2sf);
	(xrf2) =	vadd.scan.msk.f32 $0xffff, v7  }
0x151: {  	v10 =	vbroadcast v10, $0xF;
	v9 =	vld [tilespmem:s0+$0x6800];
	s29 =	spop (v2sf);
	v11 =	vmul.f32 v11, v14;
	v14, _, _ =	vpop (xrf2)  }
0x152: {  	v7 =	vld [tilespmem:s25+$0xE500];
	s0 =	spop (v2sf);
	(v2sf) =	vpush v4, $0x7  }
0x153: {  	v6 =	vld [tilespmem:s24+$0x6800];
	s31 =	spop (v2sf);
	(v2sf) =	vpush v4, $0x6;
	v11 =	vadd.f32 v13, v11  }
0x154: {  	v14 =	vbroadcast v14, $0xF;
	v13 =	vld [tilespmem:s31+$0x6800];
	s1 =	spop (v2sf);
	v17, _, _ =	vpop (xrf2);
	(xrf2) =	vadd.scan.msk.f32 $0xffff, v16  }
0x155: {  	v16 =	vld [tilespmem:s0+$0x6800];
	s24 =	spop (v2sf);
	v20 =	vbroadcast v17, $0xF  }
0x156: {  	v14 =	vsel vm7, v15, v14;
	v19 =	vld [tilespmem:s31+$0x6810];
	(v2sf) =	vpush v5, $0x5  }
0x157: {  	v15 =	vld [tilespmem:s0+$0x6810];
	s0 =	spop (v2sf);
	v14 =	vsel vm8, v14, v20;
	v17, _, _ =	vpop (xrf2);
	(xrf2) =	vadd.scan.msk.f32 $0xffff, v18  }
0x158: {  	v18 =	vld [tilespmem:s0+$0x6810];
	s6 =	spop (v2sf);
	(v2sf) =	vpush v4, $0x3;
	v10 =	vsel vm9, v14, v10  }
0x159: {  	v17 =	vbroadcast v17, $0xF;
	v14 =	vld [tilespmem:s1+$0xE510]  }
0x15a: {  	v20 =	vld [tilespmem:s1+$0xE500];
	(v2sf) =	vpush v4, $0x5;
	v21, _, _ =	vpop (xrf2);
	(xrf2) =	vadd.scan.msk.f32 $0xffff, v11  }
0x15b: {  	v10 =	vsel vm10, v10, v17;
	v11 =	vld [tilespmem:s0+$0x6800];
	s0 =	spop (v2sf)  }
0x15c: {  	v17 =	vld [tilespmem:s0+$0xE510];
	s31 =	spop (v2sf)  }
0x15d: {  	v22 =	vld [tilespmem:s6+$0xE510]  }
0x15e: {  	v23 =	vld [tilespmem:s0+$0xE500];
	v14 =	vmul.f32 v14, v15;
	v15, _, _ =	vpop (xrf2)  }
0x15f: {  	v16 =	vmul.f32 v20, v16;
	v20 =	vld [tilespmem:s31+$0xE500];
	s0 =	spop (v2sf);
	(v2sf) =	vpush v4, $0xA;
	v25 =	vbroadcast v15, $0xF  }
0x160: {  	v21 =	vbroadcast v21, $0xF;
	v24 =	vld [tilespmem:s0+$0x6800];
	(v2sf) =	vpush v5, $0xA  }
0x161: {  	v17 =	vmul.f32 v17, v19;
	v14 =	vadd.f32 v14, v16;
	v16 =	vld [tilespmem:s0+$0x6810];
	s0 =	spop (v2sf);
	v10 =	vsel vm11, v10, v25;
	v15, _, _ =	vpop (xrf2)  }
0x162: {  	v19 =	vld [tilespmem:s0+$0xE510];
	s1 =	spop (v2sf);
	(v2sf) =	vpush v5, $0x9;
	v10 =	vsel vm12, v10, v21;
	v25 =	vbroadcast v15, $0xF  }
0x163: {  	v13 =	vmul.f32 v23, v13;
	v21 =	vld [tilespmem:s1+$0xE500];
	(xrf2) =	vadd.scan.msk.f32 $0xffff, v14  }
0x164: {  	v14 =	vmul.f32 v22, v18;
	v18 =	vld [tilespmem:s1+$0xE510];
	v10 =	vsel vm13, v10, v25;
	v15, _, _ =	vpop (xrf2)  }
0x165: {  	v22 =	vld [tilespmem:s6+$0xE500];
	v13 =	vadd.f32 v17, v13;
	s1 =	spop (v2sf);
	v10 =	vsel vm14, v10, v15  }
0x166: {  	v15 =	vld [tilespmem:s1+$0x6810];
	(v2sf) =	vpush v4, $0x9;
	[tilespmem:s22+$0x16200] =	vst v10;
	s22 =	smov.u32 s28  }
0x167: {  	v10 =	vld [tilespmem:s1+$0x6800];
	v23 =	vmul.f32 v19, v16;
	(xrf2) =	vadd.scan.msk.f32 $0xffff, v13;
	s1 =	spop (v2sf)  }
0x168: {  	v13 =	vld [tilespmem:s1+$0xE510]  }
0x169: {  	v16 =	vld [tilespmem:s1+$0xE500];
	s1 =	spop (v2sf)  }
0x16a: {  	v18 =	vmul.f32 v18, v12;
	v11 =	vmul.f32 v22, v11;
	v17 =	vld [tilespmem:s1+$0xE510]  }
0x16b: {  	v12 =	vld [tilespmem:s1+$0xE500];
	(v2sf) =	vpush v4, $0xC  }
0x16c: {  	v11 =	vadd.f32 v14, v11;
	v14 =	vld [tilespmem:s30+$0x6800];
	(v2sf) =	vpush v5, $0xB  }
0x16d: {  	v13 =	vmul.f32 v13, v8;
	v19 =	vld [tilespmem:s0+$0xE500];
	v8, _, _ =	vpop (xrf2);
	(v2sf) =	vpush v5, $0x8  }
0x16e: {  	v9 =	vmul.f32 v16, v9;
	v16 =	vld [tilespmem:s29+$0x6800];
	(xrf2) =	vadd.scan.msk.f32 $0xffff, v11;
	s0 =	spop (v2sf)  }
0x16f: {  	v15 =	vmul.f32 v17, v15;
	v11 =	vld [tilespmem:s0+$0xE510];
	s30 =	spop (v2sf)  }
0x170: {  	v22 =	vadd.f32 v13, v9;
	v10 =	vmul.f32 v12, v10;
	v9 =	vld [tilespmem:s0+$0xE500]  }
.Ltmp3:
0x171: {  	v14 =	vmul.f32 v21, v14;
	v12 =	vld [tilespmem:s30+$0x6810];
	v13, _, _ =	vpop (xrf2);
	s0 =	spop (v2sf);
	(v2sf) =	vpush v4, $0xB;
	(pc) =	sbr.rel @p2 .LBB2_8-.Ltmp3, $4  }
0x172: {  	v10 =	vadd.f32 v15, v10;
	v21 =	vmul.f32 v19, v24;
	v15 =	vld [tilespmem:s0+$0x6810]  }
0x173: {  	v17 =	vld [tilespmem:s29+$0x6810];
	v16 =	vmul.f32 v20, v16;
	v20 =	vadd.f32 v18, v14;
	(xrf2) =	vadd.scan.msk.f32 $0xffff, v22  }
0x174: {  	v19 =	vld [tilespmem:s31+$0xE510];
	v18 =	vadd.f32 v23, v21  }
0x175: {  	v14 =	vld [tilespmem:s0+$0x6800];
	s29 =	spop (v2sf);
	(v2sf) =	vpush v5, $0xE  }
0x176: {  	(v2sf) =	vpush v4, $0xD  }
0x177: {  	v1 =	vld [tilespmem:s29+$0xE510]  }
0x178: {  	v2 =	vld [tilespmem:s29+$0xE500]  }
0x179: {  	v21 =	vld [tilespmem:s30+$0x6800]  }
0x17a: {  	v24 =	vld [tilespmem:s25+$0xE510];
	s0 =	spop (v2sf);
	(v2sf) =	vpush v5, $0xF  }
0x17b: {  	v29 =	vld [tilespmem:s23+$0xE500]  }
0x17c: {  	v30 =	vld [tilespmem:s24+$0x6810];
	s1 =	spop (v2sf);
	(v2sf) =	vpush v4, $0xF  }
0x17d: {  	v63 =	vld [tilespmem:s24+$0x6800]  }
0x17e: {  	v61 =	vld [tilespmem:s0+$0xE510]  }
0x17f: {  	v28 =	vld [tilespmem:s0+$0xE500]  }
0x180: {  	v22 =	vld [tilespmem:s1+$0x6810]  }
0x181: {  	s6 =	spop (v2sf);
	v25 =	vld [tilespmem:s1+$0x6800]  }
0x182: {  	v62 =	vld [tilespmem:s6+$0x6810]  }
0x183: {  	v23 =	vld [tilespmem:s6+$0x6800];
	s25 =	spop (v2sf)  }
0x184: {  	v26 =	vld [tilespmem:s25+$0xE510];
	s26 =	spop (v2sf)  }
0x185: {  	v17 =	vmul.f32 v19, v17;
	v27 =	vld [tilespmem:s25+$0xE500];
	s28 =	spop (v2sf)  }
0x186: {  	v31 =	vld [tilespmem:s28+$0xE510]  }
0x187: {  	(xrf2) =	vadd.scan.msk.f32 $0xffff, v20;
	v16 =	vadd.f32 v17, v16;
	v20 =	vld [tilespmem:s28+$0xE500]  }
0x188: {  	v11 =	vmul.f32 v11, v12;
	(xrf2) =	vadd.scan.msk.f32 $0xffff, v18;
	v9 =	vmul.f32 v9, v21;
	v21 =	vld [tilespmem:s26+$0x6810]  }
0x189: {  	(xrf2) =	vadd.scan.msk.f32 $0xffff, v16;
	v7 =	vmul.f32 v7, v23;
	v4 =	vmul.f32 v24, v62;
	v23 =	vld [tilespmem:s26+$0x6800];
	s29 =	spop (v2sf)  }
0x18a: {  	v1 =	vmul.f32 v1, v15;
	v2 =	vmul.f32 v2, v14;
	v9 =	vadd.f32 v11, v9;
	(xrf2) =	vadd.scan.msk.f32 $0xffff, v10;
	v24 =	vld [tilespmem:s29+$0x6810]  }
0x18b: {  	v4 =	vadd.f32 v4, v7;
	v26 =	vmul.f32 v26, v22;
	v32 =	vmul.f32 v27, v25;
	s30 =	spop (v2sf);
	v35 =	vld [tilespmem:s29+$0x6800]  }
0x18c: {  	v1 =	vadd.f32 v1, v2;
	(xrf2) =	vadd.scan.msk.f32 $0xffff, v9;
	v33 =	vld [tilespmem:s30+$0xE510];
	v34 =	vmul.f32 v31, v30;
	v36 =	vmul.f32 v20, v63  }
0x18d: {  	v6 =	vmul.f32 v28, v6;
	v3 =	vmul.f32 v61, v3;
	(xrf2) =	vadd.scan.msk.f32 $0xffff, v4;
	v37 =	vadd.f32 v26, v32;
	v38 =	vld [tilespmem:s30+$0xE500]  }
0x18e: {  	(xrf2) =	vadd.scan.msk.f32 $0xffff, v1;
	v39 =	vadd.f32 v34, v36  }
0x18f: {  	v40, _, _ =	vpop (xrf2);
	v3 =	vadd.f32 v3, v6;
	v0 =	vmul.f32 v0, v21;
	v41 =	vmul.f32 v29, v23;
	(xrf2) =	vadd.scan.msk.f32 $0xffff, v37  }
0x190: {  	v42 =	vbroadcast v13, $0xF;
	v43, _, _ =	vpop (xrf2);
	(xrf2) =	vadd.scan.msk.f32 $0xffff, v39  }
0x191: {  	v8 =	vbroadcast v8, $0xF;
	v44 =	vbroadcast v40, $0xF;
	v45, _, _ =	vpop (xrf2);
	v0 =	vadd.f32 v0, v41;
	(xrf2) =	vadd.scan.msk.f32 $0xffff, v3  }
0x192: {  	v46, _, _ =	vpop (xrf2);
	v47 =	vmul.f32 v33, v24;
	v4 =	vmul.f32 v38, v35  }
0x193: {  	v48 =	vbroadcast v43, $0xF;
	v1 =	vsel vm0, v44, v42;
	v49, _, _ =	vpop (xrf2);
	(xrf2) =	vadd.scan.msk.f32 $0xffff, v0  }
0x194: {  	v50, _, _ =	vpop (xrf2);
	v1 =	vsel vm1, v1, v8;
	v7 =	vbroadcast v49, $0xF;
	v4 =	vadd.f32 v47, v4  }
0x195: {  	v1 =	vsel vm2, v1, v48;
	v0 =	vbroadcast v50, $0xF  }
0x196: {  	v2 =	vbroadcast v45, $0xF;
	v51, _, _ =	vpop (xrf2);
	v1 =	vsel vm3, v1, v7;
	(xrf2) =	vadd.scan.msk.f32 $0xffff, v4  }
0x197: {  	v52, _, _ =	vpop (xrf2);
	v3 =	vbroadcast v46, $0xF;
	v0 =	vsel vm4, v1, v0  }
0x198: {  	v53, _, _ =	vpop (xrf2);
	v54 =	vbroadcast v52, $0xF;
	v0 =	vsel vm5, v0, v2  }
0x199: {  	v1 =	vbroadcast v53, $0xF;
	v55, _, _ =	vpop (xrf2);
	v0 =	vsel vm6, v0, v3  }
0x19a: {  	v56 =	vbroadcast v51, $0xF;
	v0 =	vsel vm7, v0, v54;
	v57, _, _ =	vpop (xrf2)  }
0x19b: {  	v58 =	vbroadcast v55, $0xF;
	v0 =	vsel vm8, v0, v1;
	v59, _, _ =	vpop (xrf2)  }
0x19c: {  	v0 =	vsel vm9, v0, v56;
	v60 =	vbroadcast v59, $0xF  }
0x19d: {  	v0 =	vsel vm10, v0, v58;
	v61 =	vbroadcast v57, $0xF;
	v62, _, _ =	vpop (xrf2)  }
0x19e: {  	v2 =	vbroadcast v62, $0xF;
	v0 =	vsel vm11, v0, v60  }
0x19f: {  	s31 =	sadd.s32 s10, s19;
	v0 =	vsel vm12, v0, v61  }
0x1a0: {  	s0 =	sshll.u32 s31, $0x7;
	v63, _, _ =	vpop (xrf2);
	v0 =	vsel vm13, v0, v2  }
0x1a1: {  	s19 =	sadd.s32 $0x1, s19;
	s0 =	sand.u32 $0x1FFFFF80, s0;
	v0 =	vsel vm14, v0, v63  }
0x1a2: {  	s21 =	sadd.s32 $0x1, s21;
	p3 =	sne.s32 s19, s9;
	s0 =	sadd.s32 s5, s0;
	[tilespmem:s22+$0x16200] =	vst v0  }
0x1a3: {  	[hbm4b:s0+s2] =	stream.linear.scatter [tilespmem:s14], [sflag:$0x2], $0x400, $0x38;
	[tilespmem:$0x16A00] =	vst v63  }
.Ltmp4:
0x1a4: {  	p2 =	seq.s32 s21, $0x1A;
	s0 =	simm.s32 $0x1;
	(pc) =	sbr.rel @p3 .LBB2_7-.Ltmp4, $4  }
0x1a5: {  	s0 =	simm.s32 @!p2 $0x0  }
0x1a6: {  	_ =	swait.ge [sflag:s12], $0x400;
	s20 =	sadd.s32 s0, s20  }
0x1a7: {  	[sflag:s12] =	ssyncset.done $0x0;
	s0 =	sadd.s32 $0x1, s20  }
0x1a8: {  	[sflag:s12] =	ssyncadd.s32 $0xFFFFFC00;
	s21 =	smov.u32 @p2 s0  }
0x1a9: {  	s18 =	sadd.s32 $0x1, s18  }
0x1aa: {  	p2 =	sne.s32 s18, s11  }
.Ltmp5:
0x1ab: {  	_ = 	snop;
	(pc) =	sbr.rel @p2 .LBB2_1-.Ltmp5, $1  }
0x1ac: {  	_ =	sdelay $0x3  }
0x1ad: {  	_ =	sfence.sel $0x180000  }
0x1ae: {  	[bflag:$0x0] =	sbarrier.arrive $0xFFFF  }
0x1af: {  	_ =	strace $0x90000047  }
0x1b0: {  	s0 =	stileid.u32;
	[bflag:$0x2] =	sbarrier.arrive $0xFFFF  }
0x1b1: {  	p0 =	sne.s32 s0, $0x0;
	s0 =	rddreg [dreg:$0x1]  }
0x1b2: {  	s0 =	sadd.s32 @!p0 $0x100000, s0  }
0x1b3: {  	[sflag:s0] =	ssyncadd.tile.s32 @!p0 $0x1;
	_ =	shalt  }
.Lfunc_end2:
_tile_overlayer_lowered:
.L_overlay_start_2:
0x1b4: {  	(tag) =	ssettag $0x2  }
0x1b5: {  	s0 =	rddreg [dreg:$0x0];
	s2 =	stileid.u32  }
0x1b6: {  	s1 =	rddreg [dreg:$0x1];
	p0 =	sne.s32 s2, $0x0  }
0x1b7: {  	s3 =	rddreg [dreg:$0x2];
	[bflag:$0x3] =	sbarrier.arrive $0xFFFF;
	s2 =	simm.s32 @!p0 $0x1C02  }
0x1b8: {  	[timem:s3], [sflag:s2] =	dma.local @!p0 [hbm:s0], s1  }
0x1b9: {  	s0 =	simm.s32 @!p0 $0x2  }
0x1ba: {  	_ =	swait.ge @!p0 [sflag:s0], s1  }
0x1bb: {  	s1 =	ssub.s32 @!p0 $0x0, s1;
	[sflag:s0] =	ssyncset.done @!p0 $0x0  }
0x1bc: {  	[sflag:s0] =	ssyncadd.s32 @!p0 s1  }
0x1bd: {  	[bflag:$0x3] =	sbarrier.arrive $0xFFFF  }
0x1be: {  	_ =	shalt  }

</sc_bundles>
